<compile_context>
chip_gen: v7x
topology: tpu7x:2x2x1
jax: 0.10.2.dev20260603
libtpu: 0.0.44.dev20260713+nightly
codegen_flags: <defaults>
</compile_context>

<pallas_src>
import jax
import jax.numpy as jnp
from jax import lax
from jax.experimental import pallas as pl
from jax.experimental.pallas import tpu as pltpu
from jax.experimental.pallas import tpu_sc as plsc

N = 10000
D = 128
NCLS = 64
NE = 320000
NP = 10240
NC = 2
NS = 16
NW = NC * NS
L = 16
EB = 128
NB = 80
NBH = NB // 2
EPW = NB * EB
EPAD = NW * EPW
RPW = NP // NS
NZ = NP - N

_mesh = plsc.VectorSubcoreMesh(core_axis_name="c", subcore_axis_name="s",
                               num_cores=NC, num_subcores=NS)


def _deg_body(dst_hbm, zer_hbm, ones_hbm, out_hbm, dst_v, ones_v, acc_sh):
    c = lax.axis_index("c")
    s = lax.axis_index("s")
    wid = s * NC + c
    pltpu.sync_copy(dst_hbm.at[wid], dst_v)
    pltpu.sync_copy(ones_hbm, ones_v)
    pltpu.sync_copy(zer_hbm.at[pl.ds(s * RPW, RPW)],
                    acc_sh.at[pl.ds(s * RPW, RPW)])
    plsc.subcore_barrier()

    def step(j, carry):
        pltpu.sync_copy(ones_v, acc_sh.at[dst_v.at[j]], add=True)
        return carry

    lax.fori_loop(0, NB, step, 0)
    plsc.subcore_barrier()
    pltpu.sync_copy(acc_sh.at[pl.ds(s * RPW, RPW)],
                    out_hbm.at[c, pl.ds(s * RPW, RPW)])


_deg = pl.kernel(
    _deg_body,
    out_type=jax.ShapeDtypeStruct((NC, NP, D), jnp.float32),
    mesh=_mesh,
    scratch_types=[
        pltpu.VMEM((NB, EB), jnp.int32),
        pltpu.VMEM((EB, D), jnp.float32),
        pltpu.VMEM_SHARED((NP, D), jnp.float32),
    ],
)


def _agg_body(y_hbm, src_hbm, dst_hbm, zer_hbm, out_hbm,
              src_v, dst_v, rows_v, acc_sh, sem0, sem1):
    c = lax.axis_index("c")
    s = lax.axis_index("s")
    wid = s * NC + c
    pltpu.sync_copy(zer_hbm.at[pl.ds(s * RPW, RPW)],
                    acc_sh.at[pl.ds(s * RPW, RPW)])
    plsc.subcore_barrier()

    for ph in range(2):
        base = ph * NBH
        pltpu.sync_copy(src_hbm.at[wid, pl.ds(base, NBH)], src_v)
        pltpu.sync_copy(dst_hbm.at[wid, pl.ds(base, NBH)], dst_v)
        pltpu.async_copy(y_hbm.at[src_v.at[0]], rows_v.at[0], sem0)
        pltpu.async_copy(y_hbm.at[src_v.at[1]], rows_v.at[1], sem1)

        def step(t, carry):
            j0 = 2 * t
            pltpu.make_async_copy(y_hbm.at[src_v.at[j0]],
                                  rows_v.at[0], sem0).wait()
            pltpu.sync_copy(rows_v.at[0], acc_sh.at[dst_v.at[j0]], add=True)
            pltpu.async_copy(y_hbm.at[src_v.at[j0 + 2]], rows_v.at[0], sem0)
            pltpu.make_async_copy(y_hbm.at[src_v.at[j0 + 1]],
                                  rows_v.at[1], sem1).wait()
            pltpu.sync_copy(rows_v.at[1], acc_sh.at[dst_v.at[j0 + 1]],
                            add=True)
            pltpu.async_copy(y_hbm.at[src_v.at[j0 + 3]], rows_v.at[1], sem1)
            return carry

        lax.fori_loop(0, NBH // 2 - 1, step, 0)
        pltpu.make_async_copy(y_hbm.at[src_v.at[NBH - 2]],
                              rows_v.at[0], sem0).wait()
        pltpu.sync_copy(rows_v.at[0], acc_sh.at[dst_v.at[NBH - 2]], add=True)
        pltpu.make_async_copy(y_hbm.at[src_v.at[NBH - 1]],
                              rows_v.at[1], sem1).wait()
        pltpu.sync_copy(rows_v.at[1], acc_sh.at[dst_v.at[NBH - 1]], add=True)

    plsc.subcore_barrier()
    pltpu.sync_copy(acc_sh.at[pl.ds(s * RPW, RPW)],
                    out_hbm.at[c, pl.ds(s * RPW, RPW)])


_agg = pl.kernel(
    _agg_body,
    out_type=jax.ShapeDtypeStruct((NC, NP, D), jnp.float32),
    mesh=_mesh,
    scratch_types=[
        pltpu.VMEM((NBH, EB), jnp.int32),
        pltpu.VMEM((NBH, EB), jnp.int32),
        pltpu.VMEM((2, EB, D), jnp.float32),
        pltpu.VMEM_SHARED((NP, D), jnp.float32),
        pltpu.SemaphoreType.DMA,
        pltpu.SemaphoreType.DMA,
    ],
)


BR = 1024
G = NP // BR


def _lin1_body(dp_ref, x_ref, w_ref, o_ref):
    dinv = lax.rsqrt(1.0 + dp_ref[0] + dp_ref[1])
    o_ref[...] = dinv * jnp.dot(x_ref[...], w_ref[...],
                                preferred_element_type=jnp.float32)


_lin1 = pl.pallas_call(
    _lin1_body,
    grid=(G,),
    in_specs=[
        pl.BlockSpec((NC, BR, D), lambda i: (0, i, 0)),
        pl.BlockSpec((BR, D), lambda i: (i, 0)),
        pl.BlockSpec((D, D), lambda i: (0, 0)),
    ],
    out_specs=pl.BlockSpec((BR, D), lambda i: (i, 0)),
    out_shape=jax.ShapeDtypeStruct((NP, D), jnp.float32),
)


def _mid_body(dp_ref, a_ref, y_ref, b_ref, w_ref, o_ref):
    dinv = lax.rsqrt(1.0 + dp_ref[0] + dp_ref[1])
    h = jnp.maximum(dinv * (a_ref[0] + a_ref[1] + y_ref[...]) + b_ref[...],
                    0.0)
    o_ref[...] = dinv * jnp.dot(h, w_ref[...],
                                preferred_element_type=jnp.float32)


_mid = pl.pallas_call(
    _mid_body,
    grid=(G,),
    in_specs=[
        pl.BlockSpec((NC, BR, D), lambda i: (0, i, 0)),
        pl.BlockSpec((NC, BR, D), lambda i: (0, i, 0)),
        pl.BlockSpec((BR, D), lambda i: (i, 0)),
        pl.BlockSpec((1, D), lambda i: (0, 0)),
        pl.BlockSpec((D, D), lambda i: (0, 0)),
    ],
    out_specs=pl.BlockSpec((BR, D), lambda i: (i, 0)),
    out_shape=jax.ShapeDtypeStruct((NP, D), jnp.float32),
)


def _fin_body(dp_ref, a_ref, y_ref, b_ref, w_ref, blin_ref, o_ref):
    dinv = lax.rsqrt(1.0 + dp_ref[0] + dp_ref[1])
    h = jnp.maximum(dinv * (a_ref[0] + a_ref[1] + y_ref[...]) + b_ref[...],
                    0.0)
    o_ref[...] = jnp.dot(h, w_ref[...],
                         preferred_element_type=jnp.float32) + blin_ref[...]


_fin = pl.pallas_call(
    _fin_body,
    grid=(G,),
    in_specs=[
        pl.BlockSpec((NC, BR, D), lambda i: (0, i, 0)),
        pl.BlockSpec((NC, BR, D), lambda i: (0, i, 0)),
        pl.BlockSpec((BR, D), lambda i: (i, 0)),
        pl.BlockSpec((1, D), lambda i: (0, 0)),
        pl.BlockSpec((D, NCLS), lambda i: (0, 0)),
        pl.BlockSpec((1, NCLS), lambda i: (0, 0)),
    ],
    out_specs=pl.BlockSpec((BR, NCLS), lambda i: (i, 0)),
    out_shape=jax.ShapeDtypeStruct((NP, NCLS), jnp.float32),
)


def kernel(x, edge_index, W1, b1, W2, b2, Wlin, blin):
    src = edge_index[0].astype(jnp.int32)
    dst = edge_index[1].astype(jnp.int32)
    pad_z = N + (jnp.arange(EPAD - NE, dtype=jnp.int32) % NZ)
    src_p = jnp.concatenate([src, pad_z]).reshape(NW, NB, EB)
    dst_p = jnp.concatenate([dst, pad_z]).reshape(NW, NB, EB)
    x_p = jnp.zeros((NP, D), jnp.float32).at[:N].set(x)
    zer_np = jnp.zeros((NP, D), jnp.float32)
    ones_b = jnp.ones((EB, D), jnp.float32)

    dp = _deg(dst_p, zer_np, ones_b)
    y1 = _lin1(dp, x_p, W1)
    a1 = _agg(y1, src_p, dst_p, zer_np)
    y2 = _mid(dp, a1, y1, b1.reshape(1, D), W2)
    a2 = _agg(y2, src_p, dst_p, zer_np)
    out = _fin(dp, a2, y2, b2.reshape(1, D), Wlin,
               blin.reshape(1, NCLS))
    return out[:N]

# --- scband reference (transcript-rebuilt; emitter-appended) ---
"""Pipeline reference for scband-gcnclassifier-22351009809268 (READ-ONLY COPY).

The authoritative reference and input builder live on the scoring server;
editing this copy changes nothing except your own understanding.
"""

import jax, jax.numpy as jnp
import numpy as np

N_NODES = 10000
IN_DIM = 128
HIDDEN_DIM = 128
NUM_CLASSES = 64
N_EDGES = 320000


def gcn_conv(x, edge_index, W, b):
    # Faithful PyG GCNConv: add self-loops, symmetric deg^-1/2 normalization,
    # linear transform, scatter-add aggregation, bias.
    n = x.shape[0]
    loop = jnp.arange(n, dtype=edge_index.dtype)
    src = jnp.concatenate([edge_index[0], loop])
    dst = jnp.concatenate([edge_index[1], loop])
    deg = jnp.zeros((n,), dtype=x.dtype).at[dst].add(1.0)
    dinv = jnp.where(deg > 0, deg ** -0.5, 0.0)
    xw = x @ W
    norm = (dinv[src] * dinv[dst])[:, None]
    msg = jnp.take(xw, src, axis=0) * norm
    out = jnp.zeros((n, W.shape[1]), dtype=x.dtype).at[dst].add(msg)
    return out + b


def setup_inputs(seed: int = 0) -> dict:
    key = jax.random.key(seed)
    ks = jax.random.split(key, 8)
    x = jax.random.normal(ks[0], (N_NODES, IN_DIM), dtype=jnp.float32)
    edge_index = jax.random.randint(ks[1], (2, N_EDGES), 0, N_NODES, dtype=jnp.int64 if jax.config.jax_enable_x64 else jnp.int32).astype(jnp.int32)
    s1 = 1.0 / np.sqrt(IN_DIM)
    s2 = 1.0 / np.sqrt(HIDDEN_DIM)
    W1 = jax.random.uniform(ks[2], (IN_DIM, HIDDEN_DIM), jnp.float32, -s1, s1)
    b1 = jnp.zeros((HIDDEN_DIM,), dtype=jnp.float32)
    W2 = jax.random.uniform(ks[3], (HIDDEN_DIM, HIDDEN_DIM), jnp.float32, -s2, s2)
    b2 = jnp.zeros((HIDDEN_DIM,), dtype=jnp.float32)
    Wlin = jax.random.uniform(ks[4], (HIDDEN_DIM, NUM_CLASSES), jnp.float32, -s2, s2)
    blin = jax.random.uniform(ks[5], (NUM_CLASSES,), jnp.float32, -s2, s2)
    return {"x": x, "edge_index": edge_index, "W1": W1, "b1": b1, "W2": W2, "b2": b2, "Wlin": Wlin, "blin": blin}


def reference(x, edge_index, W1, b1, W2, b2, Wlin, blin):
    h = jax.nn.relu(gcn_conv(x, edge_index, W1, b1))
    h = jax.nn.relu(gcn_conv(h, edge_index, W2, b2))
    return h @ Wlin + blin

if __name__ == "__main__":
    import jax
    _d = setup_inputs()
    print(jax.jit(kernel)(*tuple(_d.values())))

</pallas_src>

<mosaic_0001>
#map = affine_map<(d0, d1) -> (0, 0, 0)>
#map1 = affine_map<(d0, d1) -> (0, 0)>
module attributes {stable_mosaic.version = 14 : i64} {
  func.func @_deg_body(%arg0: i32, %arg1: i32, %arg2: memref<32x80x128xi32, #tpu.memory_space<hbm>>, %arg3: memref<10240x128xf32, #tpu.memory_space<hbm>>, %arg4: memref<128x128xf32, #tpu.memory_space<hbm>>, %arg5: memref<2x10240x128xf32, #tpu.memory_space<hbm>>, %arg6: memref<80x128xi32, #tpu.memory_space<vmem>>, %arg7: memref<128x128xf32, #tpu.memory_space<vmem>>, %arg8: memref<10240x128xf32, #tpu.memory_space<vmem_shared>>) attributes {dimension_semantics = [#tpu.dimension_semantics<core_parallel>, #tpu.dimension_semantics<subcore_parallel>], iteration_bounds = array<i64: 2, 16>, scalar_prefetch = 0 : i64, scratch_operands = 3 : i64, tpu.core_type = #tpu.core_type<sc_vector_subcore>, window_params = [{transform_indices = #map}, {transform_indices = #map1}, {transform_indices = #map1}, {transform_indices = #map}]} {
    %mul3A = arith.constant 2 : i32
    %mul3A_0 = arith.muli %arg1, %mul3A : i32
    %add3A = arith.addi %mul3A_0, %arg0 : i32
    "tpu.region"() ({
      %run_scoped3A = tpu.sem_alloc : memref<!tpu.dma_semaphore, #tpu.memory_space<semaphore_mem>>
      %dma_start3A = arith.constant 0 : i32
      %dma_start3A_15 = arith.constant 0 : i32
      %dma_start3A_16 = tpu.memref_slice %arg2[%add3A, %dma_start3A, %dma_start3A_15] : memref<32x80x128xi32, #tpu.memory_space<hbm>> -> memref<1x80x128xi32, #tpu.memory_space<hbm>>
      %dma_start3A_17 = tpu.memref_squeeze %dma_start3A_16 : memref<1x80x128xi32, #tpu.memory_space<hbm>> -> memref<80x128xi32, #tpu.memory_space<hbm>>
      %dma_start3A_18 = arith.constant 0 : i32
      %dma_start3A_19 = arith.constant 0 : i32
      %dma_start3A_20 = tpu.memref_slice %arg2[%add3A, %dma_start3A_18, %dma_start3A_19] : memref<32x80x128xi32, #tpu.memory_space<hbm>> -> memref<1x80x128xi32, #tpu.memory_space<hbm>>
      %dma_start3A_21 = tpu.memref_squeeze %dma_start3A_20 : memref<1x80x128xi32, #tpu.memory_space<hbm>> -> memref<80x128xi32, #tpu.memory_space<hbm>>
      tpu.enqueue_dma source(%dma_start3A_21 : memref<80x128xi32, #tpu.memory_space<hbm>>) target(%arg6 : memref<80x128xi32, #tpu.memory_space<vmem>>) target_semaphore(%run_scoped3A : memref<!tpu.dma_semaphore, #tpu.memory_space<semaphore_mem>>)
      %dma_wait3A = arith.constant 0 : i32
      %dma_wait3A_22 = arith.constant 0 : i32
      %dma_wait3A_23 = tpu.memref_slice %arg2[%add3A, %dma_wait3A, %dma_wait3A_22] : memref<32x80x128xi32, #tpu.memory_space<hbm>> -> memref<1x80x128xi32, #tpu.memory_space<hbm>>
      %dma_wait3A_24 = tpu.memref_squeeze %dma_wait3A_23 : memref<1x80x128xi32, #tpu.memory_space<hbm>> -> memref<80x128xi32, #tpu.memory_space<hbm>>
      %dma_wait3A_25 = arith.constant 0 : i32
      %dma_wait3A_26 = arith.constant 0 : i32
      %dma_wait3A_27 = tpu.memref_slice %arg2[%add3A, %dma_wait3A_25, %dma_wait3A_26] : memref<32x80x128xi32, #tpu.memory_space<hbm>> -> memref<1x80x128xi32, #tpu.memory_space<hbm>>
      %dma_wait3A_28 = tpu.memref_squeeze %dma_wait3A_27 : memref<1x80x128xi32, #tpu.memory_space<hbm>> -> memref<80x128xi32, #tpu.memory_space<hbm>>
      tpu.wait_dma2 semaphore(%run_scoped3A : memref<!tpu.dma_semaphore, #tpu.memory_space<semaphore_mem>>) src(%dma_wait3A_28 : memref<80x128xi32, #tpu.memory_space<hbm>>) dst(%arg6 : memref<80x128xi32, #tpu.memory_space<vmem>>)
      tpu.yield
    }) : () -> ()
    "tpu.region"() ({
      %run_scoped3A = tpu.sem_alloc : memref<!tpu.dma_semaphore, #tpu.memory_space<semaphore_mem>>
      tpu.enqueue_dma source(%arg4 : memref<128x128xf32, #tpu.memory_space<hbm>>) target(%arg7 : memref<128x128xf32, #tpu.memory_space<vmem>>) target_semaphore(%run_scoped3A : memref<!tpu.dma_semaphore, #tpu.memory_space<semaphore_mem>>)
      tpu.wait_dma2 semaphore(%run_scoped3A : memref<!tpu.dma_semaphore, #tpu.memory_space<semaphore_mem>>) src(%arg4 : memref<128x128xf32, #tpu.memory_space<hbm>>) dst(%arg7 : memref<128x128xf32, #tpu.memory_space<vmem>>)
      tpu.yield
    }) : () -> ()
    %mul3A_1 = arith.constant 640 : i32
    %mul3A_2 = arith.muli %arg1, %mul3A_1 : i32
    %mul3A_3 = arith.constant 640 : i32
    %mul3A_4 = arith.muli %arg1, %mul3A_3 : i32
    "tpu.region"() ({
      %run_scoped3A = tpu.sem_alloc : memref<!tpu.dma_semaphore, #tpu.memory_space<semaphore_mem>>
      %dma_start3A = arith.constant 0 : i32
      %dma_start3A_15 = tpu.memref_slice %arg8[%mul3A_4, %dma_start3A] : memref<10240x128xf32, #tpu.memory_space<vmem_shared>> -> memref<640x128xf32, #tpu.memory_space<vmem_shared>>
      %dma_start3A_16 = arith.constant 0 : i32
      %dma_start3A_17 = tpu.memref_slice %arg3[%mul3A_2, %dma_start3A_16] : memref<10240x128xf32, #tpu.memory_space<hbm>> -> memref<640x128xf32, #tpu.memory_space<hbm>>
      tpu.enqueue_dma source(%dma_start3A_17 : memref<640x128xf32, #tpu.memory_space<hbm>>) target(%dma_start3A_15 : memref<640x128xf32, #tpu.memory_space<vmem_shared>>) target_semaphore(%run_scoped3A : memref<!tpu.dma_semaphore, #tpu.memory_space<semaphore_mem>>)
      %dma_wait3A = arith.constant 0 : i32
      %dma_wait3A_18 = tpu.memref_slice %arg8[%mul3A_4, %dma_wait3A] : memref<10240x128xf32, #tpu.memory_space<vmem_shared>> -> memref<640x128xf32, #tpu.memory_space<vmem_shared>>
      %dma_wait3A_19 = arith.constant 0 : i32
      %dma_wait3A_20 = tpu.memref_slice %arg3[%mul3A_2, %dma_wait3A_19] : memref<10240x128xf32, #tpu.memory_space<hbm>> -> memref<640x128xf32, #tpu.memory_space<hbm>>
      tpu.wait_dma2 semaphore(%run_scoped3A : memref<!tpu.dma_semaphore, #tpu.memory_space<semaphore_mem>>) src(%dma_wait3A_20 : memref<640x128xf32, #tpu.memory_space<hbm>>) dst(%dma_wait3A_18 : memref<640x128xf32, #tpu.memory_space<vmem_shared>>)
      tpu.yield
    }) : () -> ()
    %barrier3A = arith.constant 0 : index
    tpu.barrier barrier_id(%barrier3A)
    %scan3A = arith.constant 0 : i32
    %scan3A_5 = arith.constant 0 : i32
    %scan3A_6 = arith.constant 80 : i32
    %scan3A_7 = arith.addi %scan3A_5, %scan3A_6 : i32
    %scan3A_8 = arith.constant 1 : i32
    scf.for %scan3A_15 = %scan3A_5 to %scan3A_7 step %scan3A_8  : i32 {
      "tpu.region"() ({
        %run_scoped3A = tpu.sem_alloc : memref<!tpu.dma_semaphore, #tpu.memory_space<semaphore_mem>>
        %dma_start3A = arith.constant 0 : i32
        %dma_start3A_16 = tpu.memref_slice %arg6[%scan3A_15, %dma_start3A] : memref<80x128xi32, #tpu.memory_space<vmem>> -> memref<1x128xi32, #tpu.memory_space<vmem>>
        %dma_start3A_17 = tpu.memref_squeeze %dma_start3A_16 : memref<1x128xi32, #tpu.memory_space<vmem>> -> memref<128xi32, #tpu.memory_space<vmem>>
        %dma_start3A_18 = arith.constant 0 : i32
        %dma_start3A_19 = arith.constant 0 : i32
        %dma_start3A_20 = tpu.memref_slice %arg8[%dma_start3A_18, %dma_start3A_19] : memref<10240x128xf32, #tpu.memory_space<vmem_shared>> -> memref<10240x128xf32, #tpu.memory_space<vmem_shared>>
        tpu.enqueue_indirect_dma source(%arg7 : memref<128x128xf32, #tpu.memory_space<vmem>>) target(%dma_start3A_20 : memref<10240x128xf32, #tpu.memory_space<vmem_shared>>) offsets(%dma_start3A_17 : memref<128xi32, #tpu.memory_space<vmem>>) semaphore(%run_scoped3A : memref<!tpu.dma_semaphore, #tpu.memory_space<semaphore_mem>>) {add = true}
        %dma_wait3A = arith.constant 0 : i32
        %dma_wait3A_21 = tpu.memref_slice %arg6[%scan3A_15, %dma_wait3A] : memref<80x128xi32, #tpu.memory_space<vmem>> -> memref<1x128xi32, #tpu.memory_space<vmem>>
        %dma_wait3A_22 = tpu.memref_squeeze %dma_wait3A_21 : memref<1x128xi32, #tpu.memory_space<vmem>> -> memref<128xi32, #tpu.memory_space<vmem>>
        %dma_wait3A_23 = arith.constant 0 : i32
        %dma_wait3A_24 = arith.constant 0 : i32
        %dma_wait3A_25 = tpu.memref_slice %arg8[%dma_wait3A_23, %dma_wait3A_24] : memref<10240x128xf32, #tpu.memory_space<vmem_shared>> -> memref<10240x128xf32, #tpu.memory_space<vmem_shared>>
        tpu.wait_indirect_dma semaphore(%run_scoped3A : memref<!tpu.dma_semaphore, #tpu.memory_space<semaphore_mem>>) src(%arg7 : memref<128x128xf32, #tpu.memory_space<vmem>>) dst(%dma_wait3A_25 : memref<10240x128xf32, #tpu.memory_space<vmem_shared>>)
        tpu.yield
      }) : () -> ()
    }
    %scan3A_9 = arith.constant 80 : i32
    %barrier3A_10 = arith.constant 0 : index
    tpu.barrier barrier_id(%barrier3A_10)
    %mul3A_11 = arith.constant 640 : i32
    %mul3A_12 = arith.muli %arg1, %mul3A_11 : i32
    %mul3A_13 = arith.constant 640 : i32
    %mul3A_14 = arith.muli %arg1, %mul3A_13 : i32
    "tpu.region"() ({
      %run_scoped3A = tpu.sem_alloc : memref<!tpu.dma_semaphore, #tpu.memory_space<semaphore_mem>>
      %dma_start3A = arith.constant 0 : i32
      %dma_start3A_15 = tpu.memref_slice %arg5[%arg0, %mul3A_14, %dma_start3A] : memref<2x10240x128xf32, #tpu.memory_space<hbm>> -> memref<1x640x128xf32, #tpu.memory_space<hbm>>
      %dma_start3A_16 = tpu.memref_squeeze %dma_start3A_15 : memref<1x640x128xf32, #tpu.memory_space<hbm>> -> memref<640x128xf32, #tpu.memory_space<hbm>>
      %dma_start3A_17 = arith.constant 0 : i32
      %dma_start3A_18 = tpu.memref_slice %arg8[%mul3A_12, %dma_start3A_17] : memref<10240x128xf32, #tpu.memory_space<vmem_shared>> -> memref<640x128xf32, #tpu.memory_space<vmem_shared>>
      tpu.enqueue_dma source(%dma_start3A_18 : memref<640x128xf32, #tpu.memory_space<vmem_shared>>) target(%dma_start3A_16 : memref<640x128xf32, #tpu.memory_space<hbm>>) target_semaphore(%run_scoped3A : memref<!tpu.dma_semaphore, #tpu.memory_space<semaphore_mem>>)
      %dma_wait3A = arith.constant 0 : i32
      %dma_wait3A_19 = tpu.memref_slice %arg5[%arg0, %mul3A_14, %dma_wait3A] : memref<2x10240x128xf32, #tpu.memory_space<hbm>> -> memref<1x640x128xf32, #tpu.memory_space<hbm>>
      %dma_wait3A_20 = tpu.memref_squeeze %dma_wait3A_19 : memref<1x640x128xf32, #tpu.memory_space<hbm>> -> memref<640x128xf32, #tpu.memory_space<hbm>>
      %dma_wait3A_21 = arith.constant 0 : i32
      %dma_wait3A_22 = tpu.memref_slice %arg8[%mul3A_12, %dma_wait3A_21] : memref<10240x128xf32, #tpu.memory_space<vmem_shared>> -> memref<640x128xf32, #tpu.memory_space<vmem_shared>>
      tpu.wait_dma2 semaphore(%run_scoped3A : memref<!tpu.dma_semaphore, #tpu.memory_space<semaphore_mem>>) src(%dma_wait3A_22 : memref<640x128xf32, #tpu.memory_space<vmem_shared>>) dst(%dma_wait3A_20 : memref<640x128xf32, #tpu.memory_space<hbm>>)
      tpu.yield
    }) : () -> ()
    return
  }
}

#map = affine_map<(d0, d1) -> (0, 0)>
#map1 = affine_map<(d0, d1) -> (0, 0, 0)>
module attributes {stable_mosaic.version = 14 : i64} {
  func.func @_agg_body(%arg0: i32, %arg1: i32, %arg2: memref<10240x128xf32, #tpu.memory_space<hbm>>, %arg3: memref<32x80x128xi32, #tpu.memory_space<hbm>>, %arg4: memref<32x80x128xi32, #tpu.memory_space<hbm>>, %arg5: memref<10240x128xf32, #tpu.memory_space<hbm>>, %arg6: memref<2x10240x128xf32, #tpu.memory_space<hbm>>, %arg7: memref<40x128xi32, #tpu.memory_space<vmem>>, %arg8: memref<40x128xi32, #tpu.memory_space<vmem>>, %arg9: memref<2x128x128xf32, #tpu.memory_space<vmem>>, %arg10: memref<10240x128xf32, #tpu.memory_space<vmem_shared>>, %arg11: memref<!tpu.dma_semaphore, #tpu.memory_space<semaphore_mem>>, %arg12: memref<!tpu.dma_semaphore, #tpu.memory_space<semaphore_mem>>) attributes {dimension_semantics = [#tpu.dimension_semantics<core_parallel>, #tpu.dimension_semantics<subcore_parallel>], iteration_bounds = array<i64: 2, 16>, scalar_prefetch = 0 : i64, scratch_operands = 6 : i64, tpu.core_type = #tpu.core_type<sc_vector_subcore>, window_params = [{transform_indices = #map}, {transform_indices = #map1}, {transform_indices = #map1}, {transform_indices = #map}, {transform_indices = #map1}]} {
    %mul3A = arith.constant 2 : i32
    %mul3A_0 = arith.muli %arg1, %mul3A : i32
    %add3A = arith.addi %mul3A_0, %arg0 : i32
    %mul3A_1 = arith.constant 640 : i32
    %mul3A_2 = arith.muli %arg1, %mul3A_1 : i32
    %mul3A_3 = arith.constant 640 : i32
    %mul3A_4 = arith.muli %arg1, %mul3A_3 : i32
    "tpu.region"() ({
      %run_scoped3A_122 = tpu.sem_alloc : memref<!tpu.dma_semaphore, #tpu.memory_space<semaphore_mem>>
      %dma_start3A_123 = arith.constant 0 : i32
      %dma_start3A_124 = tpu.memref_slice %arg10[%mul3A_4, %dma_start3A_123] : memref<10240x128xf32, #tpu.memory_space<vmem_shared>> -> memref<640x128xf32, #tpu.memory_space<vmem_shared>>
      %dma_start3A_125 = arith.constant 0 : i32
      %dma_start3A_126 = tpu.memref_slice %arg5[%mul3A_2, %dma_start3A_125] : memref<10240x128xf32, #tpu.memory_space<hbm>> -> memref<640x128xf32, #tpu.memory_space<hbm>>
      tpu.enqueue_dma source(%dma_start3A_126 : memref<640x128xf32, #tpu.memory_space<hbm>>) target(%dma_start3A_124 : memref<640x128xf32, #tpu.memory_space<vmem_shared>>) target_semaphore(%run_scoped3A_122 : memref<!tpu.dma_semaphore, #tpu.memory_space<semaphore_mem>>)
      %dma_wait3A_127 = arith.constant 0 : i32
      %dma_wait3A_128 = tpu.memref_slice %arg10[%mul3A_4, %dma_wait3A_127] : memref<10240x128xf32, #tpu.memory_space<vmem_shared>> -> memref<640x128xf32, #tpu.memory_space<vmem_shared>>
      %dma_wait3A_129 = arith.constant 0 : i32
      %dma_wait3A_130 = tpu.memref_slice %arg5[%mul3A_2, %dma_wait3A_129] : memref<10240x128xf32, #tpu.memory_space<hbm>> -> memref<640x128xf32, #tpu.memory_space<hbm>>
      tpu.wait_dma2 semaphore(%run_scoped3A_122 : memref<!tpu.dma_semaphore, #tpu.memory_space<semaphore_mem>>) src(%dma_wait3A_130 : memref<640x128xf32, #tpu.memory_space<hbm>>) dst(%dma_wait3A_128 : memref<640x128xf32, #tpu.memory_space<vmem_shared>>)
      tpu.yield
    }) : () -> ()
    %barrier3A = arith.constant 0 : index
    tpu.barrier barrier_id(%barrier3A)
    "tpu.region"() ({
      %run_scoped3A_122 = tpu.sem_alloc : memref<!tpu.dma_semaphore, #tpu.memory_space<semaphore_mem>>
      %dma_start3A_123 = arith.constant 0 : i32
      %dma_start3A_124 = arith.constant 0 : i32
      %dma_start3A_125 = tpu.memref_slice %arg3[%add3A, %dma_start3A_123, %dma_start3A_124] : memref<32x80x128xi32, #tpu.memory_space<hbm>> -> memref<1x40x128xi32, #tpu.memory_space<hbm>>
      %dma_start3A_126 = tpu.memref_squeeze %dma_start3A_125 : memref<1x40x128xi32, #tpu.memory_space<hbm>> -> memref<40x128xi32, #tpu.memory_space<hbm>>
      %dma_start3A_127 = arith.constant 0 : i32
      %dma_start3A_128 = arith.constant 0 : i32
      %dma_start3A_129 = tpu.memref_slice %arg3[%add3A, %dma_start3A_127, %dma_start3A_128] : memref<32x80x128xi32, #tpu.memory_space<hbm>> -> memref<1x40x128xi32, #tpu.memory_space<hbm>>
      %dma_start3A_130 = tpu.memref_squeeze %dma_start3A_129 : memref<1x40x128xi32, #tpu.memory_space<hbm>> -> memref<40x128xi32, #tpu.memory_space<hbm>>
      tpu.enqueue_dma source(%dma_start3A_130 : memref<40x128xi32, #tpu.memory_space<hbm>>) target(%arg7 : memref<40x128xi32, #tpu.memory_space<vmem>>) target_semaphore(%run_scoped3A_122 : memref<!tpu.dma_semaphore, #tpu.memory_space<semaphore_mem>>)
      %dma_wait3A_131 = arith.constant 0 : i32
      %dma_wait3A_132 = arith.constant 0 : i32
      %dma_wait3A_133 = tpu.memref_slice %arg3[%add3A, %dma_wait3A_131, %dma_wait3A_132] : memref<32x80x128xi32, #tpu.memory_space<hbm>> -> memref<1x40x128xi32, #tpu.memory_space<hbm>>
      %dma_wait3A_134 = tpu.memref_squeeze %dma_wait3A_133 : memref<1x40x128xi32, #tpu.memory_space<hbm>> -> memref<40x128xi32, #tpu.memory_space<hbm>>
      %dma_wait3A_135 = arith.constant 0 : i32
      %dma_wait3A_136 = arith.constant 0 : i32
      %dma_wait3A_137 = tpu.memref_slice %arg3[%add3A, %dma_wait3A_135, %dma_wait3A_136] : memref<32x80x128xi32, #tpu.memory_space<hbm>> -> memref<1x40x128xi32, #tpu.memory_space<hbm>>
      %dma_wait3A_138 = tpu.memref_squeeze %dma_wait3A_137 : memref<1x40x128xi32, #tpu.memory_space<hbm>> -> memref<40x128xi32, #tpu.memory_space<hbm>>
      tpu.wait_dma2 semaphore(%run_scoped3A_122 : memref<!tpu.dma_semaphore, #tpu.memory_space<semaphore_mem>>) src(%dma_wait3A_138 : memref<40x128xi32, #tpu.memory_space<hbm>>) dst(%arg7 : memref<40x128xi32, #tpu.memory_space<vmem>>)
      tpu.yield
    }) : () -> ()
    "tpu.region"() ({
      %run_scoped3A_122 = tpu.sem_alloc : memref<!tpu.dma_semaphore, #tpu.memory_space<semaphore_mem>>
      %dma_start3A_123 = arith.constant 0 : i32
      %dma_start3A_124 = arith.constant 0 : i32
      %dma_start3A_125 = tpu.memref_slice %arg4[%add3A, %dma_start3A_123, %dma_start3A_124] : memref<32x80x128xi32, #tpu.memory_space<hbm>> -> memref<1x40x128xi32, #tpu.memory_space<hbm>>
      %dma_start3A_126 = tpu.memref_squeeze %dma_start3A_125 : memref<1x40x128xi32, #tpu.memory_space<hbm>> -> memref<40x128xi32, #tpu.memory_space<hbm>>
      %dma_start3A_127 = arith.constant 0 : i32
      %dma_start3A_128 = arith.constant 0 : i32
      %dma_start3A_129 = tpu.memref_slice %arg4[%add3A, %dma_start3A_127, %dma_start3A_128] : memref<32x80x128xi32, #tpu.memory_space<hbm>> -> memref<1x40x128xi32, #tpu.memory_space<hbm>>
      %dma_start3A_130 = tpu.memref_squeeze %dma_start3A_129 : memref<1x40x128xi32, #tpu.memory_space<hbm>> -> memref<40x128xi32, #tpu.memory_space<hbm>>
      tpu.enqueue_dma source(%dma_start3A_130 : memref<40x128xi32, #tpu.memory_space<hbm>>) target(%arg8 : memref<40x128xi32, #tpu.memory_space<vmem>>) target_semaphore(%run_scoped3A_122 : memref<!tpu.dma_semaphore, #tpu.memory_space<semaphore_mem>>)
      %dma_wait3A_131 = arith.constant 0 : i32
      %dma_wait3A_132 = arith.constant 0 : i32
      %dma_wait3A_133 = tpu.memref_slice %arg4[%add3A, %dma_wait3A_131, %dma_wait3A_132] : memref<32x80x128xi32, #tpu.memory_space<hbm>> -> memref<1x40x128xi32, #tpu.memory_space<hbm>>
      %dma_wait3A_134 = tpu.memref_squeeze %dma_wait3A_133 : memref<1x40x128xi32, #tpu.memory_space<hbm>> -> memref<40x128xi32, #tpu.memory_space<hbm>>
      %dma_wait3A_135 = arith.constant 0 : i32
      %dma_wait3A_136 = arith.constant 0 : i32
      %dma_wait3A_137 = tpu.memref_slice %arg4[%add3A, %dma_wait3A_135, %dma_wait3A_136] : memref<32x80x128xi32, #tpu.memory_space<hbm>> -> memref<1x40x128xi32, #tpu.memory_space<hbm>>
      %dma_wait3A_138 = tpu.memref_squeeze %dma_wait3A_137 : memref<1x40x128xi32, #tpu.memory_space<hbm>> -> memref<40x128xi32, #tpu.memory_space<hbm>>
      tpu.wait_dma2 semaphore(%run_scoped3A_122 : memref<!tpu.dma_semaphore, #tpu.memory_space<semaphore_mem>>) src(%dma_wait3A_138 : memref<40x128xi32, #tpu.memory_space<hbm>>) dst(%arg8 : memref<40x128xi32, #tpu.memory_space<vmem>>)
      tpu.yield
    }) : () -> ()
    %dma_start3A = arith.constant 0 : i32
    %dma_start3A_5 = arith.constant 0 : i32
    %dma_start3A_6 = arith.constant 0 : i32
    %dma_start3A_7 = arith.constant 0 : i32
    %dma_start3A_8 = tpu.memref_slice %arg9[%dma_start3A_5, %dma_start3A_6, %dma_start3A_7] : memref<2x128x128xf32, #tpu.memory_space<vmem>> -> memref<1x128x128xf32, #tpu.memory_space<vmem>>
    %dma_start3A_9 = tpu.memref_squeeze %dma_start3A_8 : memref<1x128x128xf32, #tpu.memory_space<vmem>> -> memref<128x128xf32, #tpu.memory_space<vmem>>
    %dma_start3A_10 = arith.constant 0 : i32
    %dma_start3A_11 = tpu.memref_slice %arg7[%dma_start3A, %dma_start3A_10] : memref<40x128xi32, #tpu.memory_space<vmem>> -> memref<1x128xi32, #tpu.memory_space<vmem>>
    %dma_start3A_12 = tpu.memref_squeeze %dma_start3A_11 : memref<1x128xi32, #tpu.memory_space<vmem>> -> memref<128xi32, #tpu.memory_space<vmem>>
    %dma_start3A_13 = arith.constant 0 : i32
    %dma_start3A_14 = arith.constant 0 : i32
    %dma_start3A_15 = tpu.memref_slice %arg2[%dma_start3A_13, %dma_start3A_14] : memref<10240x128xf32, #tpu.memory_space<hbm>> -> memref<10240x128xf32, #tpu.memory_space<hbm>>
    tpu.enqueue_indirect_dma source(%dma_start3A_15 : memref<10240x128xf32, #tpu.memory_space<hbm>>) target(%dma_start3A_9 : memref<128x128xf32, #tpu.memory_space<vmem>>) offsets(%dma_start3A_12 : memref<128xi32, #tpu.memory_space<vmem>>) semaphore(%arg11 : memref<!tpu.dma_semaphore, #tpu.memory_space<semaphore_mem>>)
    %dma_start3A_16 = arith.constant 1 : i32
    %dma_start3A_17 = arith.constant 1 : i32
    %dma_start3A_18 = arith.constant 0 : i32
    %dma_start3A_19 = arith.constant 0 : i32
    %dma_start3A_20 = tpu.memref_slice %arg9[%dma_start3A_17, %dma_start3A_18, %dma_start3A_19] : memref<2x128x128xf32, #tpu.memory_space<vmem>> -> memref<1x128x128xf32, #tpu.memory_space<vmem>>
    %dma_start3A_21 = tpu.memref_squeeze %dma_start3A_20 : memref<1x128x128xf32, #tpu.memory_space<vmem>> -> memref<128x128xf32, #tpu.memory_space<vmem>>
    %dma_start3A_22 = arith.constant 0 : i32
    %dma_start3A_23 = tpu.memref_slice %arg7[%dma_start3A_16, %dma_start3A_22] : memref<40x128xi32, #tpu.memory_space<vmem>> -> memref<1x128xi32, #tpu.memory_space<vmem>>
    %dma_start3A_24 = tpu.memref_squeeze %dma_start3A_23 : memref<1x128xi32, #tpu.memory_space<vmem>> -> memref<128xi32, #tpu.memory_space<vmem>>
    %dma_start3A_25 = arith.constant 0 : i32
    %dma_start3A_26 = arith.constant 0 : i32
    %dma_start3A_27 = tpu.memref_slice %arg2[%dma_start3A_25, %dma_start3A_26] : memref<10240x128xf32, #tpu.memory_space<hbm>> -> memref<10240x128xf32, #tpu.memory_space<hbm>>
    tpu.enqueue_indirect_dma source(%dma_start3A_27 : memref<10240x128xf32, #tpu.memory_space<hbm>>) target(%dma_start3A_21 : memref<128x128xf32, #tpu.memory_space<vmem>>) offsets(%dma_start3A_24 : memref<128xi32, #tpu.memory_space<vmem>>) semaphore(%arg12 : memref<!tpu.dma_semaphore, #tpu.memory_space<semaphore_mem>>)
    %scan3A = arith.constant 0 : i32
    %scan3A_28 = arith.constant 0 : i32
    %scan3A_29 = arith.constant 19 : i32
    %scan3A_30 = arith.addi %scan3A_28, %scan3A_29 : i32
    %scan3A_31 = arith.constant 1 : i32
    scf.for %scan3A_122 = %scan3A_28 to %scan3A_30 step %scan3A_31  : i32 {
      %mul3A_123 = arith.constant 2 : i32
      %mul3A_124 = arith.muli %mul3A_123, %scan3A_122 : i32
      %dma_wait3A_125 = arith.constant 0 : i32
      %dma_wait3A_126 = arith.constant 0 : i32
      %dma_wait3A_127 = arith.constant 0 : i32
      %dma_wait3A_128 = tpu.memref_slice %arg9[%dma_wait3A_125, %dma_wait3A_126, %dma_wait3A_127] : memref<2x128x128xf32, #tpu.memory_space<vmem>> -> memref<1x128x128xf32, #tpu.memory_space<vmem>>
      %dma_wait3A_129 = tpu.memref_squeeze %dma_wait3A_128 : memref<1x128x128xf32, #tpu.memory_space<vmem>> -> memref<128x128xf32, #tpu.memory_space<vmem>>
      %dma_wait3A_130 = arith.constant 0 : i32
      %dma_wait3A_131 = tpu.memref_slice %arg7[%mul3A_124, %dma_wait3A_130] : memref<40x128xi32, #tpu.memory_space<vmem>> -> memref<1x128xi32, #tpu.memory_space<vmem>>
      %dma_wait3A_132 = tpu.memref_squeeze %dma_wait3A_131 : memref<1x128xi32, #tpu.memory_space<vmem>> -> memref<128xi32, #tpu.memory_space<vmem>>
      %dma_wait3A_133 = arith.constant 0 : i32
      %dma_wait3A_134 = arith.constant 0 : i32
      %dma_wait3A_135 = tpu.memref_slice %arg2[%dma_wait3A_133, %dma_wait3A_134] : memref<10240x128xf32, #tpu.memory_space<hbm>> -> memref<10240x128xf32, #tpu.memory_space<hbm>>
      tpu.wait_indirect_dma semaphore(%arg11 : memref<!tpu.dma_semaphore, #tpu.memory_space<semaphore_mem>>) src(%dma_wait3A_135 : memref<10240x128xf32, #tpu.memory_space<hbm>>) dst(%dma_wait3A_129 : memref<128x128xf32, #tpu.memory_space<vmem>>)
      %run_scoped3A_136 = arith.constant 0 : i32
      "tpu.region"() ({
        %run_scoped3A_179 = tpu.sem_alloc : memref<!tpu.dma_semaphore, #tpu.memory_space<semaphore_mem>>
        %dma_start3A_180 = arith.constant 0 : i32
        %dma_start3A_181 = arith.constant 0 : i32
        %dma_start3A_182 = tpu.memref_slice %arg9[%run_scoped3A_136, %dma_start3A_180, %dma_start3A_181] : memref<2x128x128xf32, #tpu.memory_space<vmem>> -> memref<1x128x128xf32, #tpu.memory_space<vmem>>
        %dma_start3A_183 = tpu.memref_squeeze %dma_start3A_182 : memref<1x128x128xf32, #tpu.memory_space<vmem>> -> memref<128x128xf32, #tpu.memory_space<vmem>>
        %dma_start3A_184 = arith.constant 0 : i32
        %dma_start3A_185 = tpu.memref_slice %arg8[%mul3A_124, %dma_start3A_184] : memref<40x128xi32, #tpu.memory_space<vmem>> -> memref<1x128xi32, #tpu.memory_space<vmem>>
        %dma_start3A_186 = tpu.memref_squeeze %dma_start3A_185 : memref<1x128xi32, #tpu.memory_space<vmem>> -> memref<128xi32, #tpu.memory_space<vmem>>
        %dma_start3A_187 = arith.constant 0 : i32
        %dma_start3A_188 = arith.constant 0 : i32
        %dma_start3A_189 = tpu.memref_slice %arg10[%dma_start3A_187, %dma_start3A_188] : memref<10240x128xf32, #tpu.memory_space<vmem_shared>> -> memref<10240x128xf32, #tpu.memory_space<vmem_shared>>
        tpu.enqueue_indirect_dma source(%dma_start3A_183 : memref<128x128xf32, #tpu.memory_space<vmem>>) target(%dma_start3A_189 : memref<10240x128xf32, #tpu.memory_space<vmem_shared>>) offsets(%dma_start3A_186 : memref<128xi32, #tpu.memory_space<vmem>>) semaphore(%run_scoped3A_179 : memref<!tpu.dma_semaphore, #tpu.memory_space<semaphore_mem>>) {add = true}
        %dma_wait3A_190 = arith.constant 0 : i32
        %dma_wait3A_191 = arith.constant 0 : i32
        %dma_wait3A_192 = tpu.memref_slice %arg9[%run_scoped3A_136, %dma_wait3A_190, %dma_wait3A_191] : memref<2x128x128xf32, #tpu.memory_space<vmem>> -> memref<1x128x128xf32, #tpu.memory_space<vmem>>
        %dma_wait3A_193 = tpu.memref_squeeze %dma_wait3A_192 : memref<1x128x128xf32, #tpu.memory_space<vmem>> -> memref<128x128xf32, #tpu.memory_space<vmem>>
        %dma_wait3A_194 = arith.constant 0 : i32
        %dma_wait3A_195 = tpu.memref_slice %arg8[%mul3A_124, %dma_wait3A_194] : memref<40x128xi32, #tpu.memory_space<vmem>> -> memref<1x128xi32, #tpu.memory_space<vmem>>
        %dma_wait3A_196 = tpu.memref_squeeze %dma_wait3A_195 : memref<1x128xi32, #tpu.memory_space<vmem>> -> memref<128xi32, #tpu.memory_space<vmem>>
        %dma_wait3A_197 = arith.constant 0 : i32
        %dma_wait3A_198 = arith.constant 0 : i32
        %dma_wait3A_199 = tpu.memref_slice %arg10[%dma_wait3A_197, %dma_wait3A_198] : memref<10240x128xf32, #tpu.memory_space<vmem_shared>> -> memref<10240x128xf32, #tpu.memory_space<vmem_shared>>
        tpu.wait_indirect_dma semaphore(%run_scoped3A_179 : memref<!tpu.dma_semaphore, #tpu.memory_space<semaphore_mem>>) src(%dma_wait3A_193 : memref<128x128xf32, #tpu.memory_space<vmem>>) dst(%dma_wait3A_199 : memref<10240x128xf32, #tpu.memory_space<vmem_shared>>)
        tpu.yield
      }) : () -> ()
      %add3A_137 = arith.constant 2 : i32
      %add3A_138 = arith.addi %mul3A_124, %add3A_137 : i32
      %dma_start3A_139 = arith.constant 0 : i32
      %dma_start3A_140 = arith.constant 0 : i32
      %dma_start3A_141 = arith.constant 0 : i32
      %dma_start3A_142 = tpu.memref_slice %arg9[%dma_start3A_139, %dma_start3A_140, %dma_start3A_141] : memref<2x128x128xf32, #tpu.memory_space<vmem>> -> memref<1x128x128xf32, #tpu.memory_space<vmem>>
      %dma_start3A_143 = tpu.memref_squeeze %dma_start3A_142 : memref<1x128x128xf32, #tpu.memory_space<vmem>> -> memref<128x128xf32, #tpu.memory_space<vmem>>
      %dma_start3A_144 = arith.constant 0 : i32
      %dma_start3A_145 = tpu.memref_slice %arg7[%add3A_138, %dma_start3A_144] : memref<40x128xi32, #tpu.memory_space<vmem>> -> memref<1x128xi32, #tpu.memory_space<vmem>>
      %dma_start3A_146 = tpu.memref_squeeze %dma_start3A_145 : memref<1x128xi32, #tpu.memory_space<vmem>> -> memref<128xi32, #tpu.memory_space<vmem>>
      %dma_start3A_147 = arith.constant 0 : i32
      %dma_start3A_148 = arith.constant 0 : i32
      %dma_start3A_149 = tpu.memref_slice %arg2[%dma_start3A_147, %dma_start3A_148] : memref<10240x128xf32, #tpu.memory_space<hbm>> -> memref<10240x128xf32, #tpu.memory_space<hbm>>
      tpu.enqueue_indirect_dma source(%dma_start3A_149 : memref<10240x128xf32, #tpu.memory_space<hbm>>) target(%dma_start3A_143 : memref<128x128xf32, #tpu.memory_space<vmem>>) offsets(%dma_start3A_146 : memref<128xi32, #tpu.memory_space<vmem>>) semaphore(%arg11 : memref<!tpu.dma_semaphore, #tpu.memory_space<semaphore_mem>>)
      %add3A_150 = arith.constant 1 : i32
      %add3A_151 = arith.addi %mul3A_124, %add3A_150 : i32
      %dma_wait3A_152 = arith.constant 1 : i32
      %dma_wait3A_153 = arith.constant 0 : i32
      %dma_wait3A_154 = arith.constant 0 : i32
      %dma_wait3A_155 = tpu.memref_slice %arg9[%dma_wait3A_152, %dma_wait3A_153, %dma_wait3A_154] : memref<2x128x128xf32, #tpu.memory_space<vmem>> -> memref<1x128x128xf32, #tpu.memory_space<vmem>>
      %dma_wait3A_156 = tpu.memref_squeeze %dma_wait3A_155 : memref<1x128x128xf32, #tpu.memory_space<vmem>> -> memref<128x128xf32, #tpu.memory_space<vmem>>
      %dma_wait3A_157 = arith.constant 0 : i32
      %dma_wait3A_158 = tpu.memref_slice %arg7[%add3A_151, %dma_wait3A_157] : memref<40x128xi32, #tpu.memory_space<vmem>> -> memref<1x128xi32, #tpu.memory_space<vmem>>
      %dma_wait3A_159 = tpu.memref_squeeze %dma_wait3A_158 : memref<1x128xi32, #tpu.memory_space<vmem>> -> memref<128xi32, #tpu.memory_space<vmem>>
      %dma_wait3A_160 = arith.constant 0 : i32
      %dma_wait3A_161 = arith.constant 0 : i32
      %dma_wait3A_162 = tpu.memref_slice %arg2[%dma_wait3A_160, %dma_wait3A_161] : memref<10240x128xf32, #tpu.memory_space<hbm>> -> memref<10240x128xf32, #tpu.memory_space<hbm>>
      tpu.wait_indirect_dma semaphore(%arg12 : memref<!tpu.dma_semaphore, #tpu.memory_space<semaphore_mem>>) src(%dma_wait3A_162 : memref<10240x128xf32, #tpu.memory_space<hbm>>) dst(%dma_wait3A_156 : memref<128x128xf32, #tpu.memory_space<vmem>>)
      %add3A_163 = arith.constant 1 : i32
      %add3A_164 = arith.addi %mul3A_124, %add3A_163 : i32
      %run_scoped3A_165 = arith.constant 1 : i32
      "tpu.region"() ({
        %run_scoped3A_179 = tpu.sem_alloc : memref<!tpu.dma_semaphore, #tpu.memory_space<semaphore_mem>>
        %dma_start3A_180 = arith.constant 0 : i32
        %dma_start3A_181 = arith.constant 0 : i32
        %dma_start3A_182 = tpu.memref_slice %arg9[%run_scoped3A_165, %dma_start3A_180, %dma_start3A_181] : memref<2x128x128xf32, #tpu.memory_space<vmem>> -> memref<1x128x128xf32, #tpu.memory_space<vmem>>
        %dma_start3A_183 = tpu.memref_squeeze %dma_start3A_182 : memref<1x128x128xf32, #tpu.memory_space<vmem>> -> memref<128x128xf32, #tpu.memory_space<vmem>>
        %dma_start3A_184 = arith.constant 0 : i32
        %dma_start3A_185 = tpu.memref_slice %arg8[%add3A_164, %dma_start3A_184] : memref<40x128xi32, #tpu.memory_space<vmem>> -> memref<1x128xi32, #tpu.memory_space<vmem>>
        %dma_start3A_186 = tpu.memref_squeeze %dma_start3A_185 : memref<1x128xi32, #tpu.memory_space<vmem>> -> memref<128xi32, #tpu.memory_space<vmem>>
        %dma_start3A_187 = arith.constant 0 : i32
        %dma_start3A_188 = arith.constant 0 : i32
        %dma_start3A_189 = tpu.memref_slice %arg10[%dma_start3A_187, %dma_start3A_188] : memref<10240x128xf32, #tpu.memory_space<vmem_shared>> -> memref<10240x128xf32, #tpu.memory_space<vmem_shared>>
        tpu.enqueue_indirect_dma source(%dma_start3A_183 : memref<128x128xf32, #tpu.memory_space<vmem>>) target(%dma_start3A_189 : memref<10240x128xf32, #tpu.memory_space<vmem_shared>>) offsets(%dma_start3A_186 : memref<128xi32, #tpu.memory_space<vmem>>) semaphore(%run_scoped3A_179 : memref<!tpu.dma_semaphore, #tpu.memory_space<semaphore_mem>>) {add = true}
        %dma_wait3A_190 = arith.constant 0 : i32
        %dma_wait3A_191 = arith.constant 0 : i32
        %dma_wait3A_192 = tpu.memref_slice %arg9[%run_scoped3A_165, %dma_wait3A_190, %dma_wait3A_191] : memref<2x128x128xf32, #tpu.memory_space<vmem>> -> memref<1x128x128xf32, #tpu.memory_space<vmem>>
        %dma_wait3A_193 = tpu.memref_squeeze %dma_wait3A_192 : memref<1x128x128xf32, #tpu.memory_space<vmem>> -> memref<128x128xf32, #tpu.memory_space<vmem>>
        %dma_wait3A_194 = arith.constant 0 : i32
        %dma_wait3A_195 = tpu.memref_slice %arg8[%add3A_164, %dma_wait3A_194] : memref<40x128xi32, #tpu.memory_space<vmem>> -> memref<1x128xi32, #tpu.memory_space<vmem>>
        %dma_wait3A_196 = tpu.memref_squeeze %dma_wait3A_195 : memref<1x128xi32, #tpu.memory_space<vmem>> -> memref<128xi32, #tpu.memory_space<vmem>>
        %dma_wait3A_197 = arith.constant 0 : i32
        %dma_wait3A_198 = arith.constant 0 : i32
        %dma_wait3A_199 = tpu.memref_slice %arg10[%dma_wait3A_197, %dma_wait3A_198] : memref<10240x128xf32, #tpu.memory_space<vmem_shared>> -> memref<10240x128xf32, #tpu.memory_space<vmem_shared>>
        tpu.wait_indirect_dma semaphore(%run_scoped3A_179 : memref<!tpu.dma_semaphore, #tpu.memory_space<semaphore_mem>>) src(%dma_wait3A_193 : memref<128x128xf32, #tpu.memory_space<vmem>>) dst(%dma_wait3A_199 : memref<10240x128xf32, #tpu.memory_space<vmem_shared>>)
        tpu.yield
      }) : () -> ()
      %add3A_166 = arith.constant 3 : i32
      %add3A_167 = arith.addi %mul3A_124, %add3A_166 : i32
      %dma_start3A_168 = arith.constant 1 : i32
      %dma_start3A_169 = arith.constant 0 : i32
      %dma_start3A_170 = arith.constant 0 : i32
      %dma_start3A_171 = tpu.memref_slice %arg9[%dma_start3A_168, %dma_start3A_169, %dma_start3A_170] : memref<2x128x128xf32, #tpu.memory_space<vmem>> -> memref<1x128x128xf32, #tpu.memory_space<vmem>>
      %dma_start3A_172 = tpu.memref_squeeze %dma_start3A_171 : memref<1x128x128xf32, #tpu.memory_space<vmem>> -> memref<128x128xf32, #tpu.memory_space<vmem>>
      %dma_start3A_173 = arith.constant 0 : i32
      %dma_start3A_174 = tpu.memref_slice %arg7[%add3A_167, %dma_start3A_173] : memref<40x128xi32, #tpu.memory_space<vmem>> -> memref<1x128xi32, #tpu.memory_space<vmem>>
      %dma_start3A_175 = tpu.memref_squeeze %dma_start3A_174 : memref<1x128xi32, #tpu.memory_space<vmem>> -> memref<128xi32, #tpu.memory_space<vmem>>
      %dma_start3A_176 = arith.constant 0 : i32
      %dma_start3A_177 = arith.constant 0 : i32
      %dma_start3A_178 = tpu.memref_slice %arg2[%dma_start3A_176, %dma_start3A_177] : memref<10240x128xf32, #tpu.memory_space<hbm>> -> memref<10240x128xf32, #tpu.memory_space<hbm>>
      tpu.enqueue_indirect_dma source(%dma_start3A_178 : memref<10240x128xf32, #tpu.memory_space<hbm>>) target(%dma_start3A_172 : memref<128x128xf32, #tpu.memory_space<vmem>>) offsets(%dma_start3A_175 : memref<128xi32, #tpu.memory_space<vmem>>) semaphore(%arg12 : memref<!tpu.dma_semaphore, #tpu.memory_space<semaphore_mem>>)
    }
    %scan3A_32 = arith.constant 19 : i32
    %dma_wait3A = arith.constant 38 : i32
    %dma_wait3A_33 = arith.constant 0 : i32
    %dma_wait3A_34 = arith.constant 0 : i32
    %dma_wait3A_35 = arith.constant 0 : i32
    %dma_wait3A_36 = tpu.memref_slice %arg9[%dma_wait3A_33, %dma_wait3A_34, %dma_wait3A_35] : memref<2x128x128xf32, #tpu.memory_space<vmem>> -> memref<1x128x128xf32, #tpu.memory_space<vmem>>
    %dma_wait3A_37 = tpu.memref_squeeze %dma_wait3A_36 : memref<1x128x128xf32, #tpu.memory_space<vmem>> -> memref<128x128xf32, #tpu.memory_space<vmem>>
    %dma_wait3A_38 = arith.constant 0 : i32
    %dma_wait3A_39 = tpu.memref_slice %arg7[%dma_wait3A, %dma_wait3A_38] : memref<40x128xi32, #tpu.memory_space<vmem>> -> memref<1x128xi32, #tpu.memory_space<vmem>>
    %dma_wait3A_40 = tpu.memref_squeeze %dma_wait3A_39 : memref<1x128xi32, #tpu.memory_space<vmem>> -> memref<128xi32, #tpu.memory_space<vmem>>
    %dma_wait3A_41 = arith.constant 0 : i32
    %dma_wait3A_42 = arith.constant 0 : i32
    %dma_wait3A_43 = tpu.memref_slice %arg2[%dma_wait3A_41, %dma_wait3A_42] : memref<10240x128xf32, #tpu.memory_space<hbm>> -> memref<10240x128xf32, #tpu.memory_space<hbm>>
    tpu.wait_indirect_dma semaphore(%arg11 : memref<!tpu.dma_semaphore, #tpu.memory_space<semaphore_mem>>) src(%dma_wait3A_43 : memref<10240x128xf32, #tpu.memory_space<hbm>>) dst(%dma_wait3A_37 : memref<128x128xf32, #tpu.memory_space<vmem>>)
    %run_scoped3A = arith.constant 0 : i32
    %run_scoped3A_44 = arith.constant 38 : i32
    "tpu.region"() ({
      %run_scoped3A_122 = tpu.sem_alloc : memref<!tpu.dma_semaphore, #tpu.memory_space<semaphore_mem>>
      %dma_start3A_123 = arith.constant 0 : i32
      %dma_start3A_124 = arith.constant 0 : i32
      %dma_start3A_125 = tpu.memref_slice %arg9[%run_scoped3A, %dma_start3A_123, %dma_start3A_124] : memref<2x128x128xf32, #tpu.memory_space<vmem>> -> memref<1x128x128xf32, #tpu.memory_space<vmem>>
      %dma_start3A_126 = tpu.memref_squeeze %dma_start3A_125 : memref<1x128x128xf32, #tpu.memory_space<vmem>> -> memref<128x128xf32, #tpu.memory_space<vmem>>
      %dma_start3A_127 = arith.constant 0 : i32
      %dma_start3A_128 = tpu.memref_slice %arg8[%run_scoped3A_44, %dma_start3A_127] : memref<40x128xi32, #tpu.memory_space<vmem>> -> memref<1x128xi32, #tpu.memory_space<vmem>>
      %dma_start3A_129 = tpu.memref_squeeze %dma_start3A_128 : memref<1x128xi32, #tpu.memory_space<vmem>> -> memref<128xi32, #tpu.memory_space<vmem>>
      %dma_start3A_130 = arith.constant 0 : i32
      %dma_start3A_131 = arith.constant 0 : i32
      %dma_start3A_132 = tpu.memref_slice %arg10[%dma_start3A_130, %dma_start3A_131] : memref<10240x128xf32, #tpu.memory_space<vmem_shared>> -> memref<10240x128xf32, #tpu.memory_space<vmem_shared>>
      tpu.enqueue_indirect_dma source(%dma_start3A_126 : memref<128x128xf32, #tpu.memory_space<vmem>>) target(%dma_start3A_132 : memref<10240x128xf32, #tpu.memory_space<vmem_shared>>) offsets(%dma_start3A_129 : memref<128xi32, #tpu.memory_space<vmem>>) semaphore(%run_scoped3A_122 : memref<!tpu.dma_semaphore, #tpu.memory_space<semaphore_mem>>) {add = true}
      %dma_wait3A_133 = arith.constant 0 : i32
      %dma_wait3A_134 = arith.constant 0 : i32
      %dma_wait3A_135 = tpu.memref_slice %arg9[%run_scoped3A, %dma_wait3A_133, %dma_wait3A_134] : memref<2x128x128xf32, #tpu.memory_space<vmem>> -> memref<1x128x128xf32, #tpu.memory_space<vmem>>
      %dma_wait3A_136 = tpu.memref_squeeze %dma_wait3A_135 : memref<1x128x128xf32, #tpu.memory_space<vmem>> -> memref<128x128xf32, #tpu.memory_space<vmem>>
      %dma_wait3A_137 = arith.constant 0 : i32
      %dma_wait3A_138 = tpu.memref_slice %arg8[%run_scoped3A_44, %dma_wait3A_137] : memref<40x128xi32, #tpu.memory_space<vmem>> -> memref<1x128xi32, #tpu.memory_space<vmem>>
      %dma_wait3A_139 = tpu.memref_squeeze %dma_wait3A_138 : memref<1x128xi32, #tpu.memory_space<vmem>> -> memref<128xi32, #tpu.memory_space<vmem>>
      %dma_wait3A_140 = arith.constant 0 : i32
      %dma_wait3A_141 = arith.constant 0 : i32
      %dma_wait3A_142 = tpu.memref_slice %arg10[%dma_wait3A_140, %dma_wait3A_141] : memref<10240x128xf32, #tpu.memory_space<vmem_shared>> -> memref<10240x128xf32, #tpu.memory_space<vmem_shared>>
      tpu.wait_indirect_dma semaphore(%run_scoped3A_122 : memref<!tpu.dma_semaphore, #tpu.memory_space<semaphore_mem>>) src(%dma_wait3A_136 : memref<128x128xf32, #tpu.memory_space<vmem>>) dst(%dma_wait3A_142 : memref<10240x128xf32, #tpu.memory_space<vmem_shared>>)
      tpu.yield
    }) : () -> ()
    %dma_wait3A_45 = arith.constant 39 : i32
    %dma_wait3A_46 = arith.constant 1 : i32
    %dma_wait3A_47 = arith.constant 0 : i32
    %dma_wait3A_48 = arith.constant 0 : i32
    %dma_wait3A_49 = tpu.memref_slice %arg9[%dma_wait3A_46, %dma_wait3A_47, %dma_wait3A_48] : memref<2x128x128xf32, #tpu.memory_space<vmem>> -> memref<1x128x128xf32, #tpu.memory_space<vmem>>
    %dma_wait3A_50 = tpu.memref_squeeze %dma_wait3A_49 : memref<1x128x128xf32, #tpu.memory_space<vmem>> -> memref<128x128xf32, #tpu.memory_space<vmem>>
    %dma_wait3A_51 = arith.constant 0 : i32
    %dma_wait3A_52 = tpu.memref_slice %arg7[%dma_wait3A_45, %dma_wait3A_51] : memref<40x128xi32, #tpu.memory_space<vmem>> -> memref<1x128xi32, #tpu.memory_space<vmem>>
    %dma_wait3A_53 = tpu.memref_squeeze %dma_wait3A_52 : memref<1x128xi32, #tpu.memory_space<vmem>> -> memref<128xi32, #tpu.memory_space<vmem>>
    %dma_wait3A_54 = arith.constant 0 : i32
    %dma_wait3A_55 = arith.constant 0 : i32
    %dma_wait3A_56 = tpu.memref_slice %arg2[%dma_wait3A_54, %dma_wait3A_55] : memref<10240x128xf32, #tpu.memory_space<hbm>> -> memref<10240x128xf32, #tpu.memory_space<hbm>>
    tpu.wait_indirect_dma semaphore(%arg12 : memref<!tpu.dma_semaphore, #tpu.memory_space<semaphore_mem>>) src(%dma_wait3A_56 : memref<10240x128xf32, #tpu.memory_space<hbm>>) dst(%dma_wait3A_50 : memref<128x128xf32, #tpu.memory_space<vmem>>)
    %run_scoped3A_57 = arith.constant 1 : i32
    %run_scoped3A_58 = arith.constant 39 : i32
    "tpu.region"() ({
      %run_scoped3A_122 = tpu.sem_alloc : memref<!tpu.dma_semaphore, #tpu.memory_space<semaphore_mem>>
      %dma_start3A_123 = arith.constant 0 : i32
      %dma_start3A_124 = arith.constant 0 : i32
      %dma_start3A_125 = tpu.memref_slice %arg9[%run_scoped3A_57, %dma_start3A_123, %dma_start3A_124] : memref<2x128x128xf32, #tpu.memory_space<vmem>> -> memref<1x128x128xf32, #tpu.memory_space<vmem>>
      %dma_start3A_126 = tpu.memref_squeeze %dma_start3A_125 : memref<1x128x128xf32, #tpu.memory_space<vmem>> -> memref<128x128xf32, #tpu.memory_space<vmem>>
      %dma_start3A_127 = arith.constant 0 : i32
      %dma_start3A_128 = tpu.memref_slice %arg8[%run_scoped3A_58, %dma_start3A_127] : memref<40x128xi32, #tpu.memory_space<vmem>> -> memref<1x128xi32, #tpu.memory_space<vmem>>
      %dma_start3A_129 = tpu.memref_squeeze %dma_start3A_128 : memref<1x128xi32, #tpu.memory_space<vmem>> -> memref<128xi32, #tpu.memory_space<vmem>>
      %dma_start3A_130 = arith.constant 0 : i32
      %dma_start3A_131 = arith.constant 0 : i32
      %dma_start3A_132 = tpu.memref_slice %arg10[%dma_start3A_130, %dma_start3A_131] : memref<10240x128xf32, #tpu.memory_space<vmem_shared>> -> memref<10240x128xf32, #tpu.memory_space<vmem_shared>>
      tpu.enqueue_indirect_dma source(%dma_start3A_126 : memref<128x128xf32, #tpu.memory_space<vmem>>) target(%dma_start3A_132 : memref<10240x128xf32, #tpu.memory_space<vmem_shared>>) offsets(%dma_start3A_129 : memref<128xi32, #tpu.memory_space<vmem>>) semaphore(%run_scoped3A_122 : memref<!tpu.dma_semaphore, #tpu.memory_space<semaphore_mem>>) {add = true}
      %dma_wait3A_133 = arith.constant 0 : i32
      %dma_wait3A_134 = arith.constant 0 : i32
      %dma_wait3A_135 = tpu.memref_slice %arg9[%run_scoped3A_57, %dma_wait3A_133, %dma_wait3A_134] : memref<2x128x128xf32, #tpu.memory_space<vmem>> -> memref<1x128x128xf32, #tpu.memory_space<vmem>>
      %dma_wait3A_136 = tpu.memref_squeeze %dma_wait3A_135 : memref<1x128x128xf32, #tpu.memory_space<vmem>> -> memref<128x128xf32, #tpu.memory_space<vmem>>
      %dma_wait3A_137 = arith.constant 0 : i32
      %dma_wait3A_138 = tpu.memref_slice %arg8[%run_scoped3A_58, %dma_wait3A_137] : memref<40x128xi32, #tpu.memory_space<vmem>> -> memref<1x128xi32, #tpu.memory_space<vmem>>
      %dma_wait3A_139 = tpu.memref_squeeze %dma_wait3A_138 : memref<1x128xi32, #tpu.memory_space<vmem>> -> memref<128xi32, #tpu.memory_space<vmem>>
      %dma_wait3A_140 = arith.constant 0 : i32
      %dma_wait3A_141 = arith.constant 0 : i32
      %dma_wait3A_142 = tpu.memref_slice %arg10[%dma_wait3A_140, %dma_wait3A_141] : memref<10240x128xf32, #tpu.memory_space<vmem_shared>> -> memref<10240x128xf32, #tpu.memory_space<vmem_shared>>
      tpu.wait_indirect_dma semaphore(%run_scoped3A_122 : memref<!tpu.dma_semaphore, #tpu.memory_space<semaphore_mem>>) src(%dma_wait3A_136 : memref<128x128xf32, #tpu.memory_space<vmem>>) dst(%dma_wait3A_142 : memref<10240x128xf32, #tpu.memory_space<vmem_shared>>)
      tpu.yield
    }) : () -> ()
    "tpu.region"() ({
      %run_scoped3A_122 = tpu.sem_alloc : memref<!tpu.dma_semaphore, #tpu.memory_space<semaphore_mem>>
      %dma_start3A_123 = arith.constant 40 : i32
      %dma_start3A_124 = arith.constant 0 : i32
      %dma_start3A_125 = tpu.memref_slice %arg3[%add3A, %dma_start3A_123, %dma_start3A_124] : memref<32x80x128xi32, #tpu.memory_space<hbm>> -> memref<1x40x128xi32, #tpu.memory_space<hbm>>
      %dma_start3A_126 = tpu.memref_squeeze %dma_start3A_125 : memref<1x40x128xi32, #tpu.memory_space<hbm>> -> memref<40x128xi32, #tpu.memory_space<hbm>>
      %dma_start3A_127 = arith.constant 40 : i32
      %dma_start3A_128 = arith.constant 0 : i32
      %dma_start3A_129 = tpu.memref_slice %arg3[%add3A, %dma_start3A_127, %dma_start3A_128] : memref<32x80x128xi32, #tpu.memory_space<hbm>> -> memref<1x40x128xi32, #tpu.memory_space<hbm>>
      %dma_start3A_130 = tpu.memref_squeeze %dma_start3A_129 : memref<1x40x128xi32, #tpu.memory_space<hbm>> -> memref<40x128xi32, #tpu.memory_space<hbm>>
      tpu.enqueue_dma source(%dma_start3A_130 : memref<40x128xi32, #tpu.memory_space<hbm>>) target(%arg7 : memref<40x128xi32, #tpu.memory_space<vmem>>) target_semaphore(%run_scoped3A_122 : memref<!tpu.dma_semaphore, #tpu.memory_space<semaphore_mem>>)
      %dma_wait3A_131 = arith.constant 40 : i32
      %dma_wait3A_132 = arith.constant 0 : i32
      %dma_wait3A_133 = tpu.memref_slice %arg3[%add3A, %dma_wait3A_131, %dma_wait3A_132] : memref<32x80x128xi32, #tpu.memory_space<hbm>> -> memref<1x40x128xi32, #tpu.memory_space<hbm>>
      %dma_wait3A_134 = tpu.memref_squeeze %dma_wait3A_133 : memref<1x40x128xi32, #tpu.memory_space<hbm>> -> memref<40x128xi32, #tpu.memory_space<hbm>>
      %dma_wait3A_135 = arith.constant 40 : i32
      %dma_wait3A_136 = arith.constant 0 : i32
      %dma_wait3A_137 = tpu.memref_slice %arg3[%add3A, %dma_wait3A_135, %dma_wait3A_136] : memref<32x80x128xi32, #tpu.memory_space<hbm>> -> memref<1x40x128xi32, #tpu.memory_space<hbm>>
      %dma_wait3A_138 = tpu.memref_squeeze %dma_wait3A_137 : memref<1x40x128xi32, #tpu.memory_space<hbm>> -> memref<40x128xi32, #tpu.memory_space<hbm>>
      tpu.wait_dma2 semaphore(%run_scoped3A_122 : memref<!tpu.dma_semaphore, #tpu.memory_space<semaphore_mem>>) src(%dma_wait3A_138 : memref<40x128xi32, #tpu.memory_space<hbm>>) dst(%arg7 : memref<40x128xi32, #tpu.memory_space<vmem>>)
      tpu.yield
    }) : () -> ()
    "tpu.region"() ({
      %run_scoped3A_122 = tpu.sem_alloc : memref<!tpu.dma_semaphore, #tpu.memory_space<semaphore_mem>>
      %dma_start3A_123 = arith.constant 40 : i32
      %dma_start3A_124 = arith.constant 0 : i32
      %dma_start3A_125 = tpu.memref_slice %arg4[%add3A, %dma_start3A_123, %dma_start3A_124] : memref<32x80x128xi32, #tpu.memory_space<hbm>> -> memref<1x40x128xi32, #tpu.memory_space<hbm>>
      %dma_start3A_126 = tpu.memref_squeeze %dma_start3A_125 : memref<1x40x128xi32, #tpu.memory_space<hbm>> -> memref<40x128xi32, #tpu.memory_space<hbm>>
      %dma_start3A_127 = arith.constant 40 : i32
      %dma_start3A_128 = arith.constant 0 : i32
      %dma_start3A_129 = tpu.memref_slice %arg4[%add3A, %dma_start3A_127, %dma_start3A_128] : memref<32x80x128xi32, #tpu.memory_space<hbm>> -> memref<1x40x128xi32, #tpu.memory_space<hbm>>
      %dma_start3A_130 = tpu.memref_squeeze %dma_start3A_129 : memref<1x40x128xi32, #tpu.memory_space<hbm>> -> memref<40x128xi32, #tpu.memory_space<hbm>>
      tpu.enqueue_dma source(%dma_start3A_130 : memref<40x128xi32, #tpu.memory_space<hbm>>) target(%arg8 : memref<40x128xi32, #tpu.memory_space<vmem>>) target_semaphore(%run_scoped3A_122 : memref<!tpu.dma_semaphore, #tpu.memory_space<semaphore_mem>>)
      %dma_wait3A_131 = arith.constant 40 : i32
      %dma_wait3A_132 = arith.constant 0 : i32
      %dma_wait3A_133 = tpu.memref_slice %arg4[%add3A, %dma_wait3A_131, %dma_wait3A_132] : memref<32x80x128xi32, #tpu.memory_space<hbm>> -> memref<1x40x128xi32, #tpu.memory_space<hbm>>
      %dma_wait3A_134 = tpu.memref_squeeze %dma_wait3A_133 : memref<1x40x128xi32, #tpu.memory_space<hbm>> -> memref<40x128xi32, #tpu.memory_space<hbm>>
      %dma_wait3A_135 = arith.constant 40 : i32
      %dma_wait3A_136 = arith.constant 0 : i32
      %dma_wait3A_137 = tpu.memref_slice %arg4[%add3A, %dma_wait3A_135, %dma_wait3A_136] : memref<32x80x128xi32, #tpu.memory_space<hbm>> -> memref<1x40x128xi32, #tpu.memory_space<hbm>>
      %dma_wait3A_138 = tpu.memref_squeeze %dma_wait3A_137 : memref<1x40x128xi32, #tpu.memory_space<hbm>> -> memref<40x128xi32, #tpu.memory_space<hbm>>
      tpu.wait_dma2 semaphore(%run_scoped3A_122 : memref<!tpu.dma_semaphore, #tpu.memory_space<semaphore_mem>>) src(%dma_wait3A_138 : memref<40x128xi32, #tpu.memory_space<hbm>>) dst(%arg8 : memref<40x128xi32, #tpu.memory_space<vmem>>)
      tpu.yield
    }) : () -> ()
    %dma_start3A_59 = arith.constant 0 : i32
    %dma_start3A_60 = arith.constant 0 : i32
    %dma_start3A_61 = arith.constant 0 : i32
    %dma_start3A_62 = arith.constant 0 : i32
    %dma_start3A_63 = tpu.memref_slice %arg9[%dma_start3A_60, %dma_start3A_61, %dma_start3A_62] : memref<2x128x128xf32, #tpu.memory_space<vmem>> -> memref<1x128x128xf32, #tpu.memory_space<vmem>>
    %dma_start3A_64 = tpu.memref_squeeze %dma_start3A_63 : memref<1x128x128xf32, #tpu.memory_space<vmem>> -> memref<128x128xf32, #tpu.memory_space<vmem>>
    %dma_start3A_65 = arith.constant 0 : i32
    %dma_start3A_66 = tpu.memref_slice %arg7[%dma_start3A_59, %dma_start3A_65] : memref<40x128xi32, #tpu.memory_space<vmem>> -> memref<1x128xi32, #tpu.memory_space<vmem>>
    %dma_start3A_67 = tpu.memref_squeeze %dma_start3A_66 : memref<1x128xi32, #tpu.memory_space<vmem>> -> memref<128xi32, #tpu.memory_space<vmem>>
    %dma_start3A_68 = arith.constant 0 : i32
    %dma_start3A_69 = arith.constant 0 : i32
    %dma_start3A_70 = tpu.memref_slice %arg2[%dma_start3A_68, %dma_start3A_69] : memref<10240x128xf32, #tpu.memory_space<hbm>> -> memref<10240x128xf32, #tpu.memory_space<hbm>>
    tpu.enqueue_indirect_dma source(%dma_start3A_70 : memref<10240x128xf32, #tpu.memory_space<hbm>>) target(%dma_start3A_64 : memref<128x128xf32, #tpu.memory_space<vmem>>) offsets(%dma_start3A_67 : memref<128xi32, #tpu.memory_space<vmem>>) semaphore(%arg11 : memref<!tpu.dma_semaphore, #tpu.memory_space<semaphore_mem>>)
    %dma_start3A_71 = arith.constant 1 : i32
    %dma_start3A_72 = arith.constant 1 : i32
    %dma_start3A_73 = arith.constant 0 : i32
    %dma_start3A_74 = arith.constant 0 : i32
    %dma_start3A_75 = tpu.memref_slice %arg9[%dma_start3A_72, %dma_start3A_73, %dma_start3A_74] : memref<2x128x128xf32, #tpu.memory_space<vmem>> -> memref<1x128x128xf32, #tpu.memory_space<vmem>>
    %dma_start3A_76 = tpu.memref_squeeze %dma_start3A_75 : memref<1x128x128xf32, #tpu.memory_space<vmem>> -> memref<128x128xf32, #tpu.memory_space<vmem>>
    %dma_start3A_77 = arith.constant 0 : i32
    %dma_start3A_78 = tpu.memref_slice %arg7[%dma_start3A_71, %dma_start3A_77] : memref<40x128xi32, #tpu.memory_space<vmem>> -> memref<1x128xi32, #tpu.memory_space<vmem>>
    %dma_start3A_79 = tpu.memref_squeeze %dma_start3A_78 : memref<1x128xi32, #tpu.memory_space<vmem>> -> memref<128xi32, #tpu.memory_space<vmem>>
    %dma_start3A_80 = arith.constant 0 : i32
    %dma_start3A_81 = arith.constant 0 : i32
    %dma_start3A_82 = tpu.memref_slice %arg2[%dma_start3A_80, %dma_start3A_81] : memref<10240x128xf32, #tpu.memory_space<hbm>> -> memref<10240x128xf32, #tpu.memory_space<hbm>>
    tpu.enqueue_indirect_dma source(%dma_start3A_82 : memref<10240x128xf32, #tpu.memory_space<hbm>>) target(%dma_start3A_76 : memref<128x128xf32, #tpu.memory_space<vmem>>) offsets(%dma_start3A_79 : memref<128xi32, #tpu.memory_space<vmem>>) semaphore(%arg12 : memref<!tpu.dma_semaphore, #tpu.memory_space<semaphore_mem>>)
    %scan3A_83 = arith.constant 0 : i32
    %scan3A_84 = arith.constant 0 : i32
    %scan3A_85 = arith.constant 19 : i32
    %scan3A_86 = arith.addi %scan3A_84, %scan3A_85 : i32
    %scan3A_87 = arith.constant 1 : i32
    scf.for %scan3A_122 = %scan3A_84 to %scan3A_86 step %scan3A_87  : i32 {
      %mul3A_123 = arith.constant 2 : i32
      %mul3A_124 = arith.muli %mul3A_123, %scan3A_122 : i32
      %dma_wait3A_125 = arith.constant 0 : i32
      %dma_wait3A_126 = arith.constant 0 : i32
      %dma_wait3A_127 = arith.constant 0 : i32
      %dma_wait3A_128 = tpu.memref_slice %arg9[%dma_wait3A_125, %dma_wait3A_126, %dma_wait3A_127] : memref<2x128x128xf32, #tpu.memory_space<vmem>> -> memref<1x128x128xf32, #tpu.memory_space<vmem>>
      %dma_wait3A_129 = tpu.memref_squeeze %dma_wait3A_128 : memref<1x128x128xf32, #tpu.memory_space<vmem>> -> memref<128x128xf32, #tpu.memory_space<vmem>>
      %dma_wait3A_130 = arith.constant 0 : i32
      %dma_wait3A_131 = tpu.memref_slice %arg7[%mul3A_124, %dma_wait3A_130] : memref<40x128xi32, #tpu.memory_space<vmem>> -> memref<1x128xi32, #tpu.memory_space<vmem>>
      %dma_wait3A_132 = tpu.memref_squeeze %dma_wait3A_131 : memref<1x128xi32, #tpu.memory_space<vmem>> -> memref<128xi32, #tpu.memory_space<vmem>>
      %dma_wait3A_133 = arith.constant 0 : i32
      %dma_wait3A_134 = arith.constant 0 : i32
      %dma_wait3A_135 = tpu.memref_slice %arg2[%dma_wait3A_133, %dma_wait3A_134] : memref<10240x128xf32, #tpu.memory_space<hbm>> -> memref<10240x128xf32, #tpu.memory_space<hbm>>
      tpu.wait_indirect_dma semaphore(%arg11 : memref<!tpu.dma_semaphore, #tpu.memory_space<semaphore_mem>>) src(%dma_wait3A_135 : memref<10240x128xf32, #tpu.memory_space<hbm>>) dst(%dma_wait3A_129 : memref<128x128xf32, #tpu.memory_space<vmem>>)
      %run_scoped3A_136 = arith.constant 0 : i32
      "tpu.region"() ({
        %run_scoped3A_179 = tpu.sem_alloc : memref<!tpu.dma_semaphore, #tpu.memory_space<semaphore_mem>>
        %dma_start3A_180 = arith.constant 0 : i32
        %dma_start3A_181 = arith.constant 0 : i32
        %dma_start3A_182 = tpu.memref_slice %arg9[%run_scoped3A_136, %dma_start3A_180, %dma_start3A_181] : memref<2x128x128xf32, #tpu.memory_space<vmem>> -> memref<1x128x128xf32, #tpu.memory_space<vmem>>
        %dma_start3A_183 = tpu.memref_squeeze %dma_start3A_182 : memref<1x128x128xf32, #tpu.memory_space<vmem>> -> memref<128x128xf32, #tpu.memory_space<vmem>>
        %dma_start3A_184 = arith.constant 0 : i32
        %dma_start3A_185 = tpu.memref_slice %arg8[%mul3A_124, %dma_start3A_184] : memref<40x128xi32, #tpu.memory_space<vmem>> -> memref<1x128xi32, #tpu.memory_space<vmem>>
        %dma_start3A_186 = tpu.memref_squeeze %dma_start3A_185 : memref<1x128xi32, #tpu.memory_space<vmem>> -> memref<128xi32, #tpu.memory_space<vmem>>
        %dma_start3A_187 = arith.constant 0 : i32
        %dma_start3A_188 = arith.constant 0 : i32
        %dma_start3A_189 = tpu.memref_slice %arg10[%dma_start3A_187, %dma_start3A_188] : memref<10240x128xf32, #tpu.memory_space<vmem_shared>> -> memref<10240x128xf32, #tpu.memory_space<vmem_shared>>
        tpu.enqueue_indirect_dma source(%dma_start3A_183 : memref<128x128xf32, #tpu.memory_space<vmem>>) target(%dma_start3A_189 : memref<10240x128xf32, #tpu.memory_space<vmem_shared>>) offsets(%dma_start3A_186 : memref<128xi32, #tpu.memory_space<vmem>>) semaphore(%run_scoped3A_179 : memref<!tpu.dma_semaphore, #tpu.memory_space<semaphore_mem>>) {add = true}
        %dma_wait3A_190 = arith.constant 0 : i32
        %dma_wait3A_191 = arith.constant 0 : i32
        %dma_wait3A_192 = tpu.memref_slice %arg9[%run_scoped3A_136, %dma_wait3A_190, %dma_wait3A_191] : memref<2x128x128xf32, #tpu.memory_space<vmem>> -> memref<1x128x128xf32, #tpu.memory_space<vmem>>
        %dma_wait3A_193 = tpu.memref_squeeze %dma_wait3A_192 : memref<1x128x128xf32, #tpu.memory_space<vmem>> -> memref<128x128xf32, #tpu.memory_space<vmem>>
        %dma_wait3A_194 = arith.constant 0 : i32
        %dma_wait3A_195 = tpu.memref_slice %arg8[%mul3A_124, %dma_wait3A_194] : memref<40x128xi32, #tpu.memory_space<vmem>> -> memref<1x128xi32, #tpu.memory_space<vmem>>
        %dma_wait3A_196 = tpu.memref_squeeze %dma_wait3A_195 : memref<1x128xi32, #tpu.memory_space<vmem>> -> memref<128xi32, #tpu.memory_space<vmem>>
        %dma_wait3A_197 = arith.constant 0 : i32
        %dma_wait3A_198 = arith.constant 0 : i32
        %dma_wait3A_199 = tpu.memref_slice %arg10[%dma_wait3A_197, %dma_wait3A_198] : memref<10240x128xf32, #tpu.memory_space<vmem_shared>> -> memref<10240x128xf32, #tpu.memory_space<vmem_shared>>
        tpu.wait_indirect_dma semaphore(%run_scoped3A_179 : memref<!tpu.dma_semaphore, #tpu.memory_space<semaphore_mem>>) src(%dma_wait3A_193 : memref<128x128xf32, #tpu.memory_space<vmem>>) dst(%dma_wait3A_199 : memref<10240x128xf32, #tpu.memory_space<vmem_shared>>)
        tpu.yield
      }) : () -> ()
      %add3A_137 = arith.constant 2 : i32
      %add3A_138 = arith.addi %mul3A_124, %add3A_137 : i32
      %dma_start3A_139 = arith.constant 0 : i32
      %dma_start3A_140 = arith.constant 0 : i32
      %dma_start3A_141 = arith.constant 0 : i32
      %dma_start3A_142 = tpu.memref_slice %arg9[%dma_start3A_139, %dma_start3A_140, %dma_start3A_141] : memref<2x128x128xf32, #tpu.memory_space<vmem>> -> memref<1x128x128xf32, #tpu.memory_space<vmem>>
      %dma_start3A_143 = tpu.memref_squeeze %dma_start3A_142 : memref<1x128x128xf32, #tpu.memory_space<vmem>> -> memref<128x128xf32, #tpu.memory_space<vmem>>
      %dma_start3A_144 = arith.constant 0 : i32
      %dma_start3A_145 = tpu.memref_slice %arg7[%add3A_138, %dma_start3A_144] : memref<40x128xi32, #tpu.memory_space<vmem>> -> memref<1x128xi32, #tpu.memory_space<vmem>>
      %dma_start3A_146 = tpu.memref_squeeze %dma_start3A_145 : memref<1x128xi32, #tpu.memory_space<vmem>> -> memref<128xi32, #tpu.memory_space<vmem>>
      %dma_start3A_147 = arith.constant 0 : i32
      %dma_start3A_148 = arith.constant 0 : i32
      %dma_start3A_149 = tpu.memref_slice %arg2[%dma_start3A_147, %dma_start3A_148] : memref<10240x128xf32, #tpu.memory_space<hbm>> -> memref<10240x128xf32, #tpu.memory_space<hbm>>
      tpu.enqueue_indirect_dma source(%dma_start3A_149 : memref<10240x128xf32, #tpu.memory_space<hbm>>) target(%dma_start3A_143 : memref<128x128xf32, #tpu.memory_space<vmem>>) offsets(%dma_start3A_146 : memref<128xi32, #tpu.memory_space<vmem>>) semaphore(%arg11 : memref<!tpu.dma_semaphore, #tpu.memory_space<semaphore_mem>>)
      %add3A_150 = arith.constant 1 : i32
      %add3A_151 = arith.addi %mul3A_124, %add3A_150 : i32
      %dma_wait3A_152 = arith.constant 1 : i32
      %dma_wait3A_153 = arith.constant 0 : i32
      %dma_wait3A_154 = arith.constant 0 : i32
      %dma_wait3A_155 = tpu.memref_slice %arg9[%dma_wait3A_152, %dma_wait3A_153, %dma_wait3A_154] : memref<2x128x128xf32, #tpu.memory_space<vmem>> -> memref<1x128x128xf32, #tpu.memory_space<vmem>>
      %dma_wait3A_156 = tpu.memref_squeeze %dma_wait3A_155 : memref<1x128x128xf32, #tpu.memory_space<vmem>> -> memref<128x128xf32, #tpu.memory_space<vmem>>
      %dma_wait3A_157 = arith.constant 0 : i32
      %dma_wait3A_158 = tpu.memref_slice %arg7[%add3A_151, %dma_wait3A_157] : memref<40x128xi32, #tpu.memory_space<vmem>> -> memref<1x128xi32, #tpu.memory_space<vmem>>
      %dma_wait3A_159 = tpu.memref_squeeze %dma_wait3A_158 : memref<1x128xi32, #tpu.memory_space<vmem>> -> memref<128xi32, #tpu.memory_space<vmem>>
      %dma_wait3A_160 = arith.constant 0 : i32
      %dma_wait3A_161 = arith.constant 0 : i32
      %dma_wait3A_162 = tpu.memref_slice %arg2[%dma_wait3A_160, %dma_wait3A_161] : memref<10240x128xf32, #tpu.memory_space<hbm>> -> memref<10240x128xf32, #tpu.memory_space<hbm>>
      tpu.wait_indirect_dma semaphore(%arg12 : memref<!tpu.dma_semaphore, #tpu.memory_space<semaphore_mem>>) src(%dma_wait3A_162 : memref<10240x128xf32, #tpu.memory_space<hbm>>) dst(%dma_wait3A_156 : memref<128x128xf32, #tpu.memory_space<vmem>>)
      %add3A_163 = arith.constant 1 : i32
      %add3A_164 = arith.addi %mul3A_124, %add3A_163 : i32
      %run_scoped3A_165 = arith.constant 1 : i32
      "tpu.region"() ({
        %run_scoped3A_179 = tpu.sem_alloc : memref<!tpu.dma_semaphore, #tpu.memory_space<semaphore_mem>>
        %dma_start3A_180 = arith.constant 0 : i32
        %dma_start3A_181 = arith.constant 0 : i32
        %dma_start3A_182 = tpu.memref_slice %arg9[%run_scoped3A_165, %dma_start3A_180, %dma_start3A_181] : memref<2x128x128xf32, #tpu.memory_space<vmem>> -> memref<1x128x128xf32, #tpu.memory_space<vmem>>
        %dma_start3A_183 = tpu.memref_squeeze %dma_start3A_182 : memref<1x128x128xf32, #tpu.memory_space<vmem>> -> memref<128x128xf32, #tpu.memory_space<vmem>>
        %dma_start3A_184 = arith.constant 0 : i32
        %dma_start3A_185 = tpu.memref_slice %arg8[%add3A_164, %dma_start3A_184] : memref<40x128xi32, #tpu.memory_space<vmem>> -> memref<1x128xi32, #tpu.memory_space<vmem>>
        %dma_start3A_186 = tpu.memref_squeeze %dma_start3A_185 : memref<1x128xi32, #tpu.memory_space<vmem>> -> memref<128xi32, #tpu.memory_space<vmem>>
        %dma_start3A_187 = arith.constant 0 : i32
        %dma_start3A_188 = arith.constant 0 : i32
        %dma_start3A_189 = tpu.memref_slice %arg10[%dma_start3A_187, %dma_start3A_188] : memref<10240x128xf32, #tpu.memory_space<vmem_shared>> -> memref<10240x128xf32, #tpu.memory_space<vmem_shared>>
        tpu.enqueue_indirect_dma source(%dma_start3A_183 : memref<128x128xf32, #tpu.memory_space<vmem>>) target(%dma_start3A_189 : memref<10240x128xf32, #tpu.memory_space<vmem_shared>>) offsets(%dma_start3A_186 : memref<128xi32, #tpu.memory_space<vmem>>) semaphore(%run_scoped3A_179 : memref<!tpu.dma_semaphore, #tpu.memory_space<semaphore_mem>>) {add = true}
        %dma_wait3A_190 = arith.constant 0 : i32
        %dma_wait3A_191 = arith.constant 0 : i32
        %dma_wait3A_192 = tpu.memref_slice %arg9[%run_scoped3A_165, %dma_wait3A_190, %dma_wait3A_191] : memref<2x128x128xf32, #tpu.memory_space<vmem>> -> memref<1x128x128xf32, #tpu.memory_space<vmem>>
        %dma_wait3A_193 = tpu.memref_squeeze %dma_wait3A_192 : memref<1x128x128xf32, #tpu.memory_space<vmem>> -> memref<128x128xf32, #tpu.memory_space<vmem>>
        %dma_wait3A_194 = arith.constant 0 : i32
        %dma_wait3A_195 = tpu.memref_slice %arg8[%add3A_164, %dma_wait3A_194] : memref<40x128xi32, #tpu.memory_space<vmem>> -> memref<1x128xi32, #tpu.memory_space<vmem>>
        %dma_wait3A_196 = tpu.memref_squeeze %dma_wait3A_195 : memref<1x128xi32, #tpu.memory_space<vmem>> -> memref<128xi32, #tpu.memory_space<vmem>>
        %dma_wait3A_197 = arith.constant 0 : i32
        %dma_wait3A_198 = arith.constant 0 : i32
        %dma_wait3A_199 = tpu.memref_slice %arg10[%dma_wait3A_197, %dma_wait3A_198] : memref<10240x128xf32, #tpu.memory_space<vmem_shared>> -> memref<10240x128xf32, #tpu.memory_space<vmem_shared>>
        tpu.wait_indirect_dma semaphore(%run_scoped3A_179 : memref<!tpu.dma_semaphore, #tpu.memory_space<semaphore_mem>>) src(%dma_wait3A_193 : memref<128x128xf32, #tpu.memory_space<vmem>>) dst(%dma_wait3A_199 : memref<10240x128xf32, #tpu.memory_space<vmem_shared>>)
        tpu.yield
      }) : () -> ()
      %add3A_166 = arith.constant 3 : i32
      %add3A_167 = arith.addi %mul3A_124, %add3A_166 : i32
      %dma_start3A_168 = arith.constant 1 : i32
      %dma_start3A_169 = arith.constant 0 : i32
      %dma_start3A_170 = arith.constant 0 : i32
      %dma_start3A_171 = tpu.memref_slice %arg9[%dma_start3A_168, %dma_start3A_169, %dma_start3A_170] : memref<2x128x128xf32, #tpu.memory_space<vmem>> -> memref<1x128x128xf32, #tpu.memory_space<vmem>>
      %dma_start3A_172 = tpu.memref_squeeze %dma_start3A_171 : memref<1x128x128xf32, #tpu.memory_space<vmem>> -> memref<128x128xf32, #tpu.memory_space<vmem>>
      %dma_start3A_173 = arith.constant 0 : i32
      %dma_start3A_174 = tpu.memref_slice %arg7[%add3A_167, %dma_start3A_173] : memref<40x128xi32, #tpu.memory_space<vmem>> -> memref<1x128xi32, #tpu.memory_space<vmem>>
      %dma_start3A_175 = tpu.memref_squeeze %dma_start3A_174 : memref<1x128xi32, #tpu.memory_space<vmem>> -> memref<128xi32, #tpu.memory_space<vmem>>
      %dma_start3A_176 = arith.constant 0 : i32
      %dma_start3A_177 = arith.constant 0 : i32
      %dma_start3A_178 = tpu.memref_slice %arg2[%dma_start3A_176, %dma_start3A_177] : memref<10240x128xf32, #tpu.memory_space<hbm>> -> memref<10240x128xf32, #tpu.memory_space<hbm>>
      tpu.enqueue_indirect_dma source(%dma_start3A_178 : memref<10240x128xf32, #tpu.memory_space<hbm>>) target(%dma_start3A_172 : memref<128x128xf32, #tpu.memory_space<vmem>>) offsets(%dma_start3A_175 : memref<128xi32, #tpu.memory_space<vmem>>) semaphore(%arg12 : memref<!tpu.dma_semaphore, #tpu.memory_space<semaphore_mem>>)
    }
    %scan3A_88 = arith.constant 19 : i32
    %dma_wait3A_89 = arith.constant 38 : i32
    %dma_wait3A_90 = arith.constant 0 : i32
    %dma_wait3A_91 = arith.constant 0 : i32
    %dma_wait3A_92 = arith.constant 0 : i32
    %dma_wait3A_93 = tpu.memref_slice %arg9[%dma_wait3A_90, %dma_wait3A_91, %dma_wait3A_92] : memref<2x128x128xf32, #tpu.memory_space<vmem>> -> memref<1x128x128xf32, #tpu.memory_space<vmem>>
    %dma_wait3A_94 = tpu.memref_squeeze %dma_wait3A_93 : memref<1x128x128xf32, #tpu.memory_space<vmem>> -> memref<128x128xf32, #tpu.memory_space<vmem>>
    %dma_wait3A_95 = arith.constant 0 : i32
    %dma_wait3A_96 = tpu.memref_slice %arg7[%dma_wait3A_89, %dma_wait3A_95] : memref<40x128xi32, #tpu.memory_space<vmem>> -> memref<1x128xi32, #tpu.memory_space<vmem>>
    %dma_wait3A_97 = tpu.memref_squeeze %dma_wait3A_96 : memref<1x128xi32, #tpu.memory_space<vmem>> -> memref<128xi32, #tpu.memory_space<vmem>>
    %dma_wait3A_98 = arith.constant 0 : i32
    %dma_wait3A_99 = arith.constant 0 : i32
    %dma_wait3A_100 = tpu.memref_slice %arg2[%dma_wait3A_98, %dma_wait3A_99] : memref<10240x128xf32, #tpu.memory_space<hbm>> -> memref<10240x128xf32, #tpu.memory_space<hbm>>
    tpu.wait_indirect_dma semaphore(%arg11 : memref<!tpu.dma_semaphore, #tpu.memory_space<semaphore_mem>>) src(%dma_wait3A_100 : memref<10240x128xf32, #tpu.memory_space<hbm>>) dst(%dma_wait3A_94 : memref<128x128xf32, #tpu.memory_space<vmem>>)
    %run_scoped3A_101 = arith.constant 0 : i32
    %run_scoped3A_102 = arith.constant 38 : i32
    "tpu.region"() ({
      %run_scoped3A_122 = tpu.sem_alloc : memref<!tpu.dma_semaphore, #tpu.memory_space<semaphore_mem>>
      %dma_start3A_123 = arith.constant 0 : i32
      %dma_start3A_124 = arith.constant 0 : i32
      %dma_start3A_125 = tpu.memref_slice %arg9[%run_scoped3A_101, %dma_start3A_123, %dma_start3A_124] : memref<2x128x128xf32, #tpu.memory_space<vmem>> -> memref<1x128x128xf32, #tpu.memory_space<vmem>>
      %dma_start3A_126 = tpu.memref_squeeze %dma_start3A_125 : memref<1x128x128xf32, #tpu.memory_space<vmem>> -> memref<128x128xf32, #tpu.memory_space<vmem>>
      %dma_start3A_127 = arith.constant 0 : i32
      %dma_start3A_128 = tpu.memref_slice %arg8[%run_scoped3A_102, %dma_start3A_127] : memref<40x128xi32, #tpu.memory_space<vmem>> -> memref<1x128xi32, #tpu.memory_space<vmem>>
      %dma_start3A_129 = tpu.memref_squeeze %dma_start3A_128 : memref<1x128xi32, #tpu.memory_space<vmem>> -> memref<128xi32, #tpu.memory_space<vmem>>
      %dma_start3A_130 = arith.constant 0 : i32
      %dma_start3A_131 = arith.constant 0 : i32
      %dma_start3A_132 = tpu.memref_slice %arg10[%dma_start3A_130, %dma_start3A_131] : memref<10240x128xf32, #tpu.memory_space<vmem_shared>> -> memref<10240x128xf32, #tpu.memory_space<vmem_shared>>
      tpu.enqueue_indirect_dma source(%dma_start3A_126 : memref<128x128xf32, #tpu.memory_space<vmem>>) target(%dma_start3A_132 : memref<10240x128xf32, #tpu.memory_space<vmem_shared>>) offsets(%dma_start3A_129 : memref<128xi32, #tpu.memory_space<vmem>>) semaphore(%run_scoped3A_122 : memref<!tpu.dma_semaphore, #tpu.memory_space<semaphore_mem>>) {add = true}
      %dma_wait3A_133 = arith.constant 0 : i32
      %dma_wait3A_134 = arith.constant 0 : i32
      %dma_wait3A_135 = tpu.memref_slice %arg9[%run_scoped3A_101, %dma_wait3A_133, %dma_wait3A_134] : memref<2x128x128xf32, #tpu.memory_space<vmem>> -> memref<1x128x128xf32, #tpu.memory_space<vmem>>
      %dma_wait3A_136 = tpu.memref_squeeze %dma_wait3A_135 : memref<1x128x128xf32, #tpu.memory_space<vmem>> -> memref<128x128xf32, #tpu.memory_space<vmem>>
      %dma_wait3A_137 = arith.constant 0 : i32
      %dma_wait3A_138 = tpu.memref_slice %arg8[%run_scoped3A_102, %dma_wait3A_137] : memref<40x128xi32, #tpu.memory_space<vmem>> -> memref<1x128xi32, #tpu.memory_space<vmem>>
      %dma_wait3A_139 = tpu.memref_squeeze %dma_wait3A_138 : memref<1x128xi32, #tpu.memory_space<vmem>> -> memref<128xi32, #tpu.memory_space<vmem>>
      %dma_wait3A_140 = arith.constant 0 : i32
      %dma_wait3A_141 = arith.constant 0 : i32
      %dma_wait3A_142 = tpu.memref_slice %arg10[%dma_wait3A_140, %dma_wait3A_141] : memref<10240x128xf32, #tpu.memory_space<vmem_shared>> -> memref<10240x128xf32, #tpu.memory_space<vmem_shared>>
      tpu.wait_indirect_dma semaphore(%run_scoped3A_122 : memref<!tpu.dma_semaphore, #tpu.memory_space<semaphore_mem>>) src(%dma_wait3A_136 : memref<128x128xf32, #tpu.memory_space<vmem>>) dst(%dma_wait3A_142 : memref<10240x128xf32, #tpu.memory_space<vmem_shared>>)
      tpu.yield
    }) : () -> ()
    %dma_wait3A_103 = arith.constant 39 : i32
    %dma_wait3A_104 = arith.constant 1 : i32
    %dma_wait3A_105 = arith.constant 0 : i32
    %dma_wait3A_106 = arith.constant 0 : i32
    %dma_wait3A_107 = tpu.memref_slice %arg9[%dma_wait3A_104, %dma_wait3A_105, %dma_wait3A_106] : memref<2x128x128xf32, #tpu.memory_space<vmem>> -> memref<1x128x128xf32, #tpu.memory_space<vmem>>
    %dma_wait3A_108 = tpu.memref_squeeze %dma_wait3A_107 : memref<1x128x128xf32, #tpu.memory_space<vmem>> -> memref<128x128xf32, #tpu.memory_space<vmem>>
    %dma_wait3A_109 = arith.constant 0 : i32
    %dma_wait3A_110 = tpu.memref_slice %arg7[%dma_wait3A_103, %dma_wait3A_109] : memref<40x128xi32, #tpu.memory_space<vmem>> -> memref<1x128xi32, #tpu.memory_space<vmem>>
    %dma_wait3A_111 = tpu.memref_squeeze %dma_wait3A_110 : memref<1x128xi32, #tpu.memory_space<vmem>> -> memref<128xi32, #tpu.memory_space<vmem>>
    %dma_wait3A_112 = arith.constant 0 : i32
    %dma_wait3A_113 = arith.constant 0 : i32
    %dma_wait3A_114 = tpu.memref_slice %arg2[%dma_wait3A_112, %dma_wait3A_113] : memref<10240x128xf32, #tpu.memory_space<hbm>> -> memref<10240x128xf32, #tpu.memory_space<hbm>>
    tpu.wait_indirect_dma semaphore(%arg12 : memref<!tpu.dma_semaphore, #tpu.memory_space<semaphore_mem>>) src(%dma_wait3A_114 : memref<10240x128xf32, #tpu.memory_space<hbm>>) dst(%dma_wait3A_108 : memref<128x128xf32, #tpu.memory_space<vmem>>)
    %run_scoped3A_115 = arith.constant 1 : i32
    %run_scoped3A_116 = arith.constant 39 : i32
    "tpu.region"() ({
      %run_scoped3A_122 = tpu.sem_alloc : memref<!tpu.dma_semaphore, #tpu.memory_space<semaphore_mem>>
      %dma_start3A_123 = arith.constant 0 : i32
      %dma_start3A_124 = arith.constant 0 : i32
      %dma_start3A_125 = tpu.memref_slice %arg9[%run_scoped3A_115, %dma_start3A_123, %dma_start3A_124] : memref<2x128x128xf32, #tpu.memory_space<vmem>> -> memref<1x128x128xf32, #tpu.memory_space<vmem>>
      %dma_start3A_126 = tpu.memref_squeeze %dma_start3A_125 : memref<1x128x128xf32, #tpu.memory_space<vmem>> -> memref<128x128xf32, #tpu.memory_space<vmem>>
      %dma_start3A_127 = arith.constant 0 : i32
      %dma_start3A_128 = tpu.memref_slice %arg8[%run_scoped3A_116, %dma_start3A_127] : memref<40x128xi32, #tpu.memory_space<vmem>> -> memref<1x128xi32, #tpu.memory_space<vmem>>
      %dma_start3A_129 = tpu.memref_squeeze %dma_start3A_128 : memref<1x128xi32, #tpu.memory_space<vmem>> -> memref<128xi32, #tpu.memory_space<vmem>>
      %dma_start3A_130 = arith.constant 0 : i32
      %dma_start3A_131 = arith.constant 0 : i32
      %dma_start3A_132 = tpu.memref_slice %arg10[%dma_start3A_130, %dma_start3A_131] : memref<10240x128xf32, #tpu.memory_space<vmem_shared>> -> memref<10240x128xf32, #tpu.memory_space<vmem_shared>>
      tpu.enqueue_indirect_dma source(%dma_start3A_126 : memref<128x128xf32, #tpu.memory_space<vmem>>) target(%dma_start3A_132 : memref<10240x128xf32, #tpu.memory_space<vmem_shared>>) offsets(%dma_start3A_129 : memref<128xi32, #tpu.memory_space<vmem>>) semaphore(%run_scoped3A_122 : memref<!tpu.dma_semaphore, #tpu.memory_space<semaphore_mem>>) {add = true}
      %dma_wait3A_133 = arith.constant 0 : i32
      %dma_wait3A_134 = arith.constant 0 : i32
      %dma_wait3A_135 = tpu.memref_slice %arg9[%run_scoped3A_115, %dma_wait3A_133, %dma_wait3A_134] : memref<2x128x128xf32, #tpu.memory_space<vmem>> -> memref<1x128x128xf32, #tpu.memory_space<vmem>>
      %dma_wait3A_136 = tpu.memref_squeeze %dma_wait3A_135 : memref<1x128x128xf32, #tpu.memory_space<vmem>> -> memref<128x128xf32, #tpu.memory_space<vmem>>
      %dma_wait3A_137 = arith.constant 0 : i32
      %dma_wait3A_138 = tpu.memref_slice %arg8[%run_scoped3A_116, %dma_wait3A_137] : memref<40x128xi32, #tpu.memory_space<vmem>> -> memref<1x128xi32, #tpu.memory_space<vmem>>
      %dma_wait3A_139 = tpu.memref_squeeze %dma_wait3A_138 : memref<1x128xi32, #tpu.memory_space<vmem>> -> memref<128xi32, #tpu.memory_space<vmem>>
      %dma_wait3A_140 = arith.constant 0 : i32
      %dma_wait3A_141 = arith.constant 0 : i32
      %dma_wait3A_142 = tpu.memref_slice %arg10[%dma_wait3A_140, %dma_wait3A_141] : memref<10240x128xf32, #tpu.memory_space<vmem_shared>> -> memref<10240x128xf32, #tpu.memory_space<vmem_shared>>
      tpu.wait_indirect_dma semaphore(%run_scoped3A_122 : memref<!tpu.dma_semaphore, #tpu.memory_space<semaphore_mem>>) src(%dma_wait3A_136 : memref<128x128xf32, #tpu.memory_space<vmem>>) dst(%dma_wait3A_142 : memref<10240x128xf32, #tpu.memory_space<vmem_shared>>)
      tpu.yield
    }) : () -> ()
    %barrier3A_117 = arith.constant 0 : index
    tpu.barrier barrier_id(%barrier3A_117)
    %mul3A_118 = arith.constant 640 : i32
    %mul3A_119 = arith.muli %arg1, %mul3A_118 : i32
    %mul3A_120 = arith.constant 640 : i32
    %mul3A_121 = arith.muli %arg1, %mul3A_120 : i32
    "tpu.region"() ({
      %run_scoped3A_122 = tpu.sem_alloc : memref<!tpu.dma_semaphore, #tpu.memory_space<semaphore_mem>>
      %dma_start3A_123 = arith.constant 0 : i32
      %dma_start3A_124 = tpu.memref_slice %arg6[%arg0, %mul3A_121, %dma_start3A_123] : memref<2x10240x128xf32, #tpu.memory_space<hbm>> -> memref<1x640x128xf32, #tpu.memory_space<hbm>>
      %dma_start3A_125 = tpu.memref_squeeze %dma_start3A_124 : memref<1x640x128xf32, #tpu.memory_space<hbm>> -> memref<640x128xf32, #tpu.memory_space<hbm>>
      %dma_start3A_126 = arith.constant 0 : i32
      %dma_start3A_127 = tpu.memref_slice %arg10[%mul3A_119, %dma_start3A_126] : memref<10240x128xf32, #tpu.memory_space<vmem_shared>> -> memref<640x128xf32, #tpu.memory_space<vmem_shared>>
      tpu.enqueue_dma source(%dma_start3A_127 : memref<640x128xf32, #tpu.memory_space<vmem_shared>>) target(%dma_start3A_125 : memref<640x128xf32, #tpu.memory_space<hbm>>) target_semaphore(%run_scoped3A_122 : memref<!tpu.dma_semaphore, #tpu.memory_space<semaphore_mem>>)
      %dma_wait3A_128 = arith.constant 0 : i32
      %dma_wait3A_129 = tpu.memref_slice %arg6[%arg0, %mul3A_121, %dma_wait3A_128] : memref<2x10240x128xf32, #tpu.memory_space<hbm>> -> memref<1x640x128xf32, #tpu.memory_space<hbm>>
      %dma_wait3A_130 = tpu.memref_squeeze %dma_wait3A_129 : memref<1x640x128xf32, #tpu.memory_space<hbm>> -> memref<640x128xf32, #tpu.memory_space<hbm>>
      %dma_wait3A_131 = arith.constant 0 : i32
      %dma_wait3A_132 = tpu.memref_slice %arg10[%mul3A_119, %dma_wait3A_131] : memref<10240x128xf32, #tpu.memory_space<vmem_shared>> -> memref<640x128xf32, #tpu.memory_space<vmem_shared>>
      tpu.wait_dma2 semaphore(%run_scoped3A_122 : memref<!tpu.dma_semaphore, #tpu.memory_space<semaphore_mem>>) src(%dma_wait3A_132 : memref<640x128xf32, #tpu.memory_space<vmem_shared>>) dst(%dma_wait3A_130 : memref<640x128xf32, #tpu.memory_space<hbm>>)
      tpu.yield
    }) : () -> ()
    return
  }
}

#map = affine_map<(d0, d1) -> (0, 0)>
#map1 = affine_map<(d0, d1) -> (0, 0, 0)>
module attributes {stable_mosaic.version = 14 : i64} {
  func.func @_agg_body(%arg0: i32, %arg1: i32, %arg2: memref<10240x128xf32, #tpu.memory_space<hbm>>, %arg3: memref<32x80x128xi32, #tpu.memory_space<hbm>>, %arg4: memref<32x80x128xi32, #tpu.memory_space<hbm>>, %arg5: memref<10240x128xf32, #tpu.memory_space<hbm>>, %arg6: memref<2x10240x128xf32, #tpu.memory_space<hbm>>, %arg7: memref<40x128xi32, #tpu.memory_space<vmem>>, %arg8: memref<40x128xi32, #tpu.memory_space<vmem>>, %arg9: memref<2x128x128xf32, #tpu.memory_space<vmem>>, %arg10: memref<10240x128xf32, #tpu.memory_space<vmem_shared>>, %arg11: memref<!tpu.dma_semaphore, #tpu.memory_space<semaphore_mem>>, %arg12: memref<!tpu.dma_semaphore, #tpu.memory_space<semaphore_mem>>) attributes {dimension_semantics = [#tpu.dimension_semantics<core_parallel>, #tpu.dimension_semantics<subcore_parallel>], iteration_bounds = array<i64: 2, 16>, scalar_prefetch = 0 : i64, scratch_operands = 6 : i64, tpu.core_type = #tpu.core_type<sc_vector_subcore>, window_params = [{transform_indices = #map}, {transform_indices = #map1}, {transform_indices = #map1}, {transform_indices = #map}, {transform_indices = #map1}]} {
    %mul3A = arith.constant 2 : i32
    %mul3A_0 = arith.muli %arg1, %mul3A : i32
    %add3A = arith.addi %mul3A_0, %arg0 : i32
    %mul3A_1 = arith.constant 640 : i32
    %mul3A_2 = arith.muli %arg1, %mul3A_1 : i32
    %mul3A_3 = arith.constant 640 : i32
    %mul3A_4 = arith.muli %arg1, %mul3A_3 : i32
    "tpu.region"() ({
      %run_scoped3A_122 = tpu.sem_alloc : memref<!tpu.dma_semaphore, #tpu.memory_space<semaphore_mem>>
      %dma_start3A_123 = arith.constant 0 : i32
      %dma_start3A_124 = tpu.memref_slice %arg10[%mul3A_4, %dma_start3A_123] : memref<10240x128xf32, #tpu.memory_space<vmem_shared>> -> memref<640x128xf32, #tpu.memory_space<vmem_shared>>
      %dma_start3A_125 = arith.constant 0 : i32
      %dma_start3A_126 = tpu.memref_slice %arg5[%mul3A_2, %dma_start3A_125] : memref<10240x128xf32, #tpu.memory_space<hbm>> -> memref<640x128xf32, #tpu.memory_space<hbm>>
      tpu.enqueue_dma source(%dma_start3A_126 : memref<640x128xf32, #tpu.memory_space<hbm>>) target(%dma_start3A_124 : memref<640x128xf32, #tpu.memory_space<vmem_shared>>) target_semaphore(%run_scoped3A_122 : memref<!tpu.dma_semaphore, #tpu.memory_space<semaphore_mem>>)
      %dma_wait3A_127 = arith.constant 0 : i32
      %dma_wait3A_128 = tpu.memref_slice %arg10[%mul3A_4, %dma_wait3A_127] : memref<10240x128xf32, #tpu.memory_space<vmem_shared>> -> memref<640x128xf32, #tpu.memory_space<vmem_shared>>
      %dma_wait3A_129 = arith.constant 0 : i32
      %dma_wait3A_130 = tpu.memref_slice %arg5[%mul3A_2, %dma_wait3A_129] : memref<10240x128xf32, #tpu.memory_space<hbm>> -> memref<640x128xf32, #tpu.memory_space<hbm>>
      tpu.wait_dma2 semaphore(%run_scoped3A_122 : memref<!tpu.dma_semaphore, #tpu.memory_space<semaphore_mem>>) src(%dma_wait3A_130 : memref<640x128xf32, #tpu.memory_space<hbm>>) dst(%dma_wait3A_128 : memref<640x128xf32, #tpu.memory_space<vmem_shared>>)
      tpu.yield
    }) : () -> ()
    %barrier3A = arith.constant 0 : index
    tpu.barrier barrier_id(%barrier3A)
    "tpu.region"() ({
      %run_scoped3A_122 = tpu.sem_alloc : memref<!tpu.dma_semaphore, #tpu.memory_space<semaphore_mem>>
      %dma_start3A_123 = arith.constant 0 : i32
      %dma_start3A_124 = arith.constant 0 : i32
      %dma_start3A_125 = tpu.memref_slice %arg3[%add3A, %dma_start3A_123, %dma_start3A_124] : memref<32x80x128xi32, #tpu.memory_space<hbm>> -> memref<1x40x128xi32, #tpu.memory_space<hbm>>
      %dma_start3A_126 = tpu.memref_squeeze %dma_start3A_125 : memref<1x40x128xi32, #tpu.memory_space<hbm>> -> memref<40x128xi32, #tpu.memory_space<hbm>>
      %dma_start3A_127 = arith.constant 0 : i32
      %dma_start3A_128 = arith.constant 0 : i32
      %dma_start3A_129 = tpu.memref_slice %arg3[%add3A, %dma_start3A_127, %dma_start3A_128] : memref<32x80x128xi32, #tpu.memory_space<hbm>> -> memref<1x40x128xi32, #tpu.memory_space<hbm>>
      %dma_start3A_130 = tpu.memref_squeeze %dma_start3A_129 : memref<1x40x128xi32, #tpu.memory_space<hbm>> -> memref<40x128xi32, #tpu.memory_space<hbm>>
      tpu.enqueue_dma source(%dma_start3A_130 : memref<40x128xi32, #tpu.memory_space<hbm>>) target(%arg7 : memref<40x128xi32, #tpu.memory_space<vmem>>) target_semaphore(%run_scoped3A_122 : memref<!tpu.dma_semaphore, #tpu.memory_space<semaphore_mem>>)
      %dma_wait3A_131 = arith.constant 0 : i32
      %dma_wait3A_132 = arith.constant 0 : i32
      %dma_wait3A_133 = tpu.memref_slice %arg3[%add3A, %dma_wait3A_131, %dma_wait3A_132] : memref<32x80x128xi32, #tpu.memory_space<hbm>> -> memref<1x40x128xi32, #tpu.memory_space<hbm>>
      %dma_wait3A_134 = tpu.memref_squeeze %dma_wait3A_133 : memref<1x40x128xi32, #tpu.memory_space<hbm>> -> memref<40x128xi32, #tpu.memory_space<hbm>>
      %dma_wait3A_135 = arith.constant 0 : i32
      %dma_wait3A_136 = arith.constant 0 : i32
      %dma_wait3A_137 = tpu.memref_slice %arg3[%add3A, %dma_wait3A_135, %dma_wait3A_136] : memref<32x80x128xi32, #tpu.memory_space<hbm>> -> memref<1x40x128xi32, #tpu.memory_space<hbm>>
      %dma_wait3A_138 = tpu.memref_squeeze %dma_wait3A_137 : memref<1x40x128xi32, #tpu.memory_space<hbm>> -> memref<40x128xi32, #tpu.memory_space<hbm>>
      tpu.wait_dma2 semaphore(%run_scoped3A_122 : memref<!tpu.dma_semaphore, #tpu.memory_space<semaphore_mem>>) src(%dma_wait3A_138 : memref<40x128xi32, #tpu.memory_space<hbm>>) dst(%arg7 : memref<40x128xi32, #tpu.memory_space<vmem>>)
      tpu.yield
    }) : () -> ()
    "tpu.region"() ({
      %run_scoped3A_122 = tpu.sem_alloc : memref<!tpu.dma_semaphore, #tpu.memory_space<semaphore_mem>>
      %dma_start3A_123 = arith.constant 0 : i32
      %dma_start3A_124 = arith.constant 0 : i32
      %dma_start3A_125 = tpu.memref_slice %arg4[%add3A, %dma_start3A_123, %dma_start3A_124] : memref<32x80x128xi32, #tpu.memory_space<hbm>> -> memref<1x40x128xi32, #tpu.memory_space<hbm>>
      %dma_start3A_126 = tpu.memref_squeeze %dma_start3A_125 : memref<1x40x128xi32, #tpu.memory_space<hbm>> -> memref<40x128xi32, #tpu.memory_space<hbm>>
      %dma_start3A_127 = arith.constant 0 : i32
      %dma_start3A_128 = arith.constant 0 : i32
      %dma_start3A_129 = tpu.memref_slice %arg4[%add3A, %dma_start3A_127, %dma_start3A_128] : memref<32x80x128xi32, #tpu.memory_space<hbm>> -> memref<1x40x128xi32, #tpu.memory_space<hbm>>
      %dma_start3A_130 = tpu.memref_squeeze %dma_start3A_129 : memref<1x40x128xi32, #tpu.memory_space<hbm>> -> memref<40x128xi32, #tpu.memory_space<hbm>>
      tpu.enqueue_dma source(%dma_start3A_130 : memref<40x128xi32, #tpu.memory_space<hbm>>) target(%arg8 : memref<40x128xi32, #tpu.memory_space<vmem>>) target_semaphore(%run_scoped3A_122 : memref<!tpu.dma_semaphore, #tpu.memory_space<semaphore_mem>>)
      %dma_wait3A_131 = arith.constant 0 : i32
      %dma_wait3A_132 = arith.constant 0 : i32
      %dma_wait3A_133 = tpu.memref_slice %arg4[%add3A, %dma_wait3A_131, %dma_wait3A_132] : memref<32x80x128xi32, #tpu.memory_space<hbm>> -> memref<1x40x128xi32, #tpu.memory_space<hbm>>
      %dma_wait3A_134 = tpu.memref_squeeze %dma_wait3A_133 : memref<1x40x128xi32, #tpu.memory_space<hbm>> -> memref<40x128xi32, #tpu.memory_space<hbm>>
      %dma_wait3A_135 = arith.constant 0 : i32
      %dma_wait3A_136 = arith.constant 0 : i32
      %dma_wait3A_137 = tpu.memref_slice %arg4[%add3A, %dma_wait3A_135, %dma_wait3A_136] : memref<32x80x128xi32, #tpu.memory_space<hbm>> -> memref<1x40x128xi32, #tpu.memory_space<hbm>>
      %dma_wait3A_138 = tpu.memref_squeeze %dma_wait3A_137 : memref<1x40x128xi32, #tpu.memory_space<hbm>> -> memref<40x128xi32, #tpu.memory_space<hbm>>
      tpu.wait_dma2 semaphore(%run_scoped3A_122 : memref<!tpu.dma_semaphore, #tpu.memory_space<semaphore_mem>>) src(%dma_wait3A_138 : memref<40x128xi32, #tpu.memory_space<hbm>>) dst(%arg8 : memref<40x128xi32, #tpu.memory_space<vmem>>)
      tpu.yield
    }) : () -> ()
    %dma_start3A = arith.constant 0 : i32
    %dma_start3A_5 = arith.constant 0 : i32
    %dma_start3A_6 = arith.constant 0 : i32
    %dma_start3A_7 = arith.constant 0 : i32
    %dma_start3A_8 = tpu.memref_slice %arg9[%dma_start3A_5, %dma_start3A_6, %dma_start3A_7] : memref<2x128x128xf32, #tpu.memory_space<vmem>> -> memref<1x128x128xf32, #tpu.memory_space<vmem>>
    %dma_start3A_9 = tpu.memref_squeeze %dma_start3A_8 : memref<1x128x128xf32, #tpu.memory_space<vmem>> -> memref<128x128xf32, #tpu.memory_space<vmem>>
    %dma_start3A_10 = arith.constant 0 : i32
    %dma_start3A_11 = tpu.memref_slice %arg7[%dma_start3A, %dma_start3A_10] : memref<40x128xi32, #tpu.memory_space<vmem>> -> memref<1x128xi32, #tpu.memory_space<vmem>>
    %dma_start3A_12 = tpu.memref_squeeze %dma_start3A_11 : memref<1x128xi32, #tpu.memory_space<vmem>> -> memref<128xi32, #tpu.memory_space<vmem>>
    %dma_start3A_13 = arith.constant 0 : i32
    %dma_start3A_14 = arith.constant 0 : i32
    %dma_start3A_15 = tpu.memref_slice %arg2[%dma_start3A_13, %dma_start3A_14] : memref<10240x128xf32, #tpu.memory_space<hbm>> -> memref<10240x128xf32, #tpu.memory_space<hbm>>
    tpu.enqueue_indirect_dma source(%dma_start3A_15 : memref<10240x128xf32, #tpu.memory_space<hbm>>) target(%dma_start3A_9 : memref<128x128xf32, #tpu.memory_space<vmem>>) offsets(%dma_start3A_12 : memref<128xi32, #tpu.memory_space<vmem>>) semaphore(%arg11 : memref<!tpu.dma_semaphore, #tpu.memory_space<semaphore_mem>>)
    %dma_start3A_16 = arith.constant 1 : i32
    %dma_start3A_17 = arith.constant 1 : i32
    %dma_start3A_18 = arith.constant 0 : i32
    %dma_start3A_19 = arith.constant 0 : i32
    %dma_start3A_20 = tpu.memref_slice %arg9[%dma_start3A_17, %dma_start3A_18, %dma_start3A_19] : memref<2x128x128xf32, #tpu.memory_space<vmem>> -> memref<1x128x128xf32, #tpu.memory_space<vmem>>
    %dma_start3A_21 = tpu.memref_squeeze %dma_start3A_20 : memref<1x128x128xf32, #tpu.memory_space<vmem>> -> memref<128x128xf32, #tpu.memory_space<vmem>>
    %dma_start3A_22 = arith.constant 0 : i32
    %dma_start3A_23 = tpu.memref_slice %arg7[%dma_start3A_16, %dma_start3A_22] : memref<40x128xi32, #tpu.memory_space<vmem>> -> memref<1x128xi32, #tpu.memory_space<vmem>>
    %dma_start3A_24 = tpu.memref_squeeze %dma_start3A_23 : memref<1x128xi32, #tpu.memory_space<vmem>> -> memref<128xi32, #tpu.memory_space<vmem>>
    %dma_start3A_25 = arith.constant 0 : i32
    %dma_start3A_26 = arith.constant 0 : i32
    %dma_start3A_27 = tpu.memref_slice %arg2[%dma_start3A_25, %dma_start3A_26] : memref<10240x128xf32, #tpu.memory_space<hbm>> -> memref<10240x128xf32, #tpu.memory_space<hbm>>
    tpu.enqueue_indirect_dma source(%dma_start3A_27 : memref<10240x128xf32, #tpu.memory_space<hbm>>) target(%dma_start3A_21 : memref<128x128xf32, #tpu.memory_space<vmem>>) offsets(%dma_start3A_24 : memref<128xi32, #tpu.memory_space<vmem>>) semaphore(%arg12 : memref<!tpu.dma_semaphore, #tpu.memory_space<semaphore_mem>>)
    %scan3A = arith.constant 0 : i32
    %scan3A_28 = arith.constant 0 : i32
    %scan3A_29 = arith.constant 19 : i32
    %scan3A_30 = arith.addi %scan3A_28, %scan3A_29 : i32
    %scan3A_31 = arith.constant 1 : i32
    scf.for %scan3A_122 = %scan3A_28 to %scan3A_30 step %scan3A_31  : i32 {
      %mul3A_123 = arith.constant 2 : i32
      %mul3A_124 = arith.muli %mul3A_123, %scan3A_122 : i32
      %dma_wait3A_125 = arith.constant 0 : i32
      %dma_wait3A_126 = arith.constant 0 : i32
      %dma_wait3A_127 = arith.constant 0 : i32
      %dma_wait3A_128 = tpu.memref_slice %arg9[%dma_wait3A_125, %dma_wait3A_126, %dma_wait3A_127] : memref<2x128x128xf32, #tpu.memory_space<vmem>> -> memref<1x128x128xf32, #tpu.memory_space<vmem>>
      %dma_wait3A_129 = tpu.memref_squeeze %dma_wait3A_128 : memref<1x128x128xf32, #tpu.memory_space<vmem>> -> memref<128x128xf32, #tpu.memory_space<vmem>>
      %dma_wait3A_130 = arith.constant 0 : i32
      %dma_wait3A_131 = tpu.memref_slice %arg7[%mul3A_124, %dma_wait3A_130] : memref<40x128xi32, #tpu.memory_space<vmem>> -> memref<1x128xi32, #tpu.memory_space<vmem>>
      %dma_wait3A_132 = tpu.memref_squeeze %dma_wait3A_131 : memref<1x128xi32, #tpu.memory_space<vmem>> -> memref<128xi32, #tpu.memory_space<vmem>>
      %dma_wait3A_133 = arith.constant 0 : i32
      %dma_wait3A_134 = arith.constant 0 : i32
      %dma_wait3A_135 = tpu.memref_slice %arg2[%dma_wait3A_133, %dma_wait3A_134] : memref<10240x128xf32, #tpu.memory_space<hbm>> -> memref<10240x128xf32, #tpu.memory_space<hbm>>
      tpu.wait_indirect_dma semaphore(%arg11 : memref<!tpu.dma_semaphore, #tpu.memory_space<semaphore_mem>>) src(%dma_wait3A_135 : memref<10240x128xf32, #tpu.memory_space<hbm>>) dst(%dma_wait3A_129 : memref<128x128xf32, #tpu.memory_space<vmem>>)
      %run_scoped3A_136 = arith.constant 0 : i32
      "tpu.region"() ({
        %run_scoped3A_179 = tpu.sem_alloc : memref<!tpu.dma_semaphore, #tpu.memory_space<semaphore_mem>>
        %dma_start3A_180 = arith.constant 0 : i32
        %dma_start3A_181 = arith.constant 0 : i32
        %dma_start3A_182 = tpu.memref_slice %arg9[%run_scoped3A_136, %dma_start3A_180, %dma_start3A_181] : memref<2x128x128xf32, #tpu.memory_space<vmem>> -> memref<1x128x128xf32, #tpu.memory_space<vmem>>
        %dma_start3A_183 = tpu.memref_squeeze %dma_start3A_182 : memref<1x128x128xf32, #tpu.memory_space<vmem>> -> memref<128x128xf32, #tpu.memory_space<vmem>>
        %dma_start3A_184 = arith.constant 0 : i32
        %dma_start3A_185 = tpu.memref_slice %arg8[%mul3A_124, %dma_start3A_184] : memref<40x128xi32, #tpu.memory_space<vmem>> -> memref<1x128xi32, #tpu.memory_space<vmem>>
        %dma_start3A_186 = tpu.memref_squeeze %dma_start3A_185 : memref<1x128xi32, #tpu.memory_space<vmem>> -> memref<128xi32, #tpu.memory_space<vmem>>
        %dma_start3A_187 = arith.constant 0 : i32
        %dma_start3A_188 = arith.constant 0 : i32
        %dma_start3A_189 = tpu.memref_slice %arg10[%dma_start3A_187, %dma_start3A_188] : memref<10240x128xf32, #tpu.memory_space<vmem_shared>> -> memref<10240x128xf32, #tpu.memory_space<vmem_shared>>
        tpu.enqueue_indirect_dma source(%dma_start3A_183 : memref<128x128xf32, #tpu.memory_space<vmem>>) target(%dma_start3A_189 : memref<10240x128xf32, #tpu.memory_space<vmem_shared>>) offsets(%dma_start3A_186 : memref<128xi32, #tpu.memory_space<vmem>>) semaphore(%run_scoped3A_179 : memref<!tpu.dma_semaphore, #tpu.memory_space<semaphore_mem>>) {add = true}
        %dma_wait3A_190 = arith.constant 0 : i32
        %dma_wait3A_191 = arith.constant 0 : i32
        %dma_wait3A_192 = tpu.memref_slice %arg9[%run_scoped3A_136, %dma_wait3A_190, %dma_wait3A_191] : memref<2x128x128xf32, #tpu.memory_space<vmem>> -> memref<1x128x128xf32, #tpu.memory_space<vmem>>
        %dma_wait3A_193 = tpu.memref_squeeze %dma_wait3A_192 : memref<1x128x128xf32, #tpu.memory_space<vmem>> -> memref<128x128xf32, #tpu.memory_space<vmem>>
        %dma_wait3A_194 = arith.constant 0 : i32
        %dma_wait3A_195 = tpu.memref_slice %arg8[%mul3A_124, %dma_wait3A_194] : memref<40x128xi32, #tpu.memory_space<vmem>> -> memref<1x128xi32, #tpu.memory_space<vmem>>
        %dma_wait3A_196 = tpu.memref_squeeze %dma_wait3A_195 : memref<1x128xi32, #tpu.memory_space<vmem>> -> memref<128xi32, #tpu.memory_space<vmem>>
        %dma_wait3A_197 = arith.constant 0 : i32
        %dma_wait3A_198 = arith.constant 0 : i32
        %dma_wait3A_199 = tpu.memref_slice %arg10[%dma_wait3A_197, %dma_wait3A_198] : memref<10240x128xf32, #tpu.memory_space<vmem_shared>> -> memref<10240x128xf32, #tpu.memory_space<vmem_shared>>
        tpu.wait_indirect_dma semaphore(%run_scoped3A_179 : memref<!tpu.dma_semaphore, #tpu.memory_space<semaphore_mem>>) src(%dma_wait3A_193 : memref<128x128xf32, #tpu.memory_space<vmem>>) dst(%dma_wait3A_199 : memref<10240x128xf32, #tpu.memory_space<vmem_shared>>)
        tpu.yield
      }) : () -> ()
      %add3A_137 = arith.constant 2 : i32
      %add3A_138 = arith.addi %mul3A_124, %add3A_137 : i32
      %dma_start3A_139 = arith.constant 0 : i32
      %dma_start3A_140 = arith.constant 0 : i32
      %dma_start3A_141 = arith.constant 0 : i32
      %dma_start3A_142 = tpu.memref_slice %arg9[%dma_start3A_139, %dma_start3A_140, %dma_start3A_141] : memref<2x128x128xf32, #tpu.memory_space<vmem>> -> memref<1x128x128xf32, #tpu.memory_space<vmem>>
      %dma_start3A_143 = tpu.memref_squeeze %dma_start3A_142 : memref<1x128x128xf32, #tpu.memory_space<vmem>> -> memref<128x128xf32, #tpu.memory_space<vmem>>
      %dma_start3A_144 = arith.constant 0 : i32
      %dma_start3A_145 = tpu.memref_slice %arg7[%add3A_138, %dma_start3A_144] : memref<40x128xi32, #tpu.memory_space<vmem>> -> memref<1x128xi32, #tpu.memory_space<vmem>>
      %dma_start3A_146 = tpu.memref_squeeze %dma_start3A_145 : memref<1x128xi32, #tpu.memory_space<vmem>> -> memref<128xi32, #tpu.memory_space<vmem>>
      %dma_start3A_147 = arith.constant 0 : i32
      %dma_start3A_148 = arith.constant 0 : i32
      %dma_start3A_149 = tpu.memref_slice %arg2[%dma_start3A_147, %dma_start3A_148] : memref<10240x128xf32, #tpu.memory_space<hbm>> -> memref<10240x128xf32, #tpu.memory_space<hbm>>
      tpu.enqueue_indirect_dma source(%dma_start3A_149 : memref<10240x128xf32, #tpu.memory_space<hbm>>) target(%dma_start3A_143 : memref<128x128xf32, #tpu.memory_space<vmem>>) offsets(%dma_start3A_146 : memref<128xi32, #tpu.memory_space<vmem>>) semaphore(%arg11 : memref<!tpu.dma_semaphore, #tpu.memory_space<semaphore_mem>>)
      %add3A_150 = arith.constant 1 : i32
      %add3A_151 = arith.addi %mul3A_124, %add3A_150 : i32
      %dma_wait3A_152 = arith.constant 1 : i32
      %dma_wait3A_153 = arith.constant 0 : i32
      %dma_wait3A_154 = arith.constant 0 : i32
      %dma_wait3A_155 = tpu.memref_slice %arg9[%dma_wait3A_152, %dma_wait3A_153, %dma_wait3A_154] : memref<2x128x128xf32, #tpu.memory_space<vmem>> -> memref<1x128x128xf32, #tpu.memory_space<vmem>>
      %dma_wait3A_156 = tpu.memref_squeeze %dma_wait3A_155 : memref<1x128x128xf32, #tpu.memory_space<vmem>> -> memref<128x128xf32, #tpu.memory_space<vmem>>
      %dma_wait3A_157 = arith.constant 0 : i32
      %dma_wait3A_158 = tpu.memref_slice %arg7[%add3A_151, %dma_wait3A_157] : memref<40x128xi32, #tpu.memory_space<vmem>> -> memref<1x128xi32, #tpu.memory_space<vmem>>
      %dma_wait3A_159 = tpu.memref_squeeze %dma_wait3A_158 : memref<1x128xi32, #tpu.memory_space<vmem>> -> memref<128xi32, #tpu.memory_space<vmem>>
      %dma_wait3A_160 = arith.constant 0 : i32
      %dma_wait3A_161 = arith.constant 0 : i32
      %dma_wait3A_162 = tpu.memref_slice %arg2[%dma_wait3A_160, %dma_wait3A_161] : memref<10240x128xf32, #tpu.memory_space<hbm>> -> memref<10240x128xf32, #tpu.memory_space<hbm>>
      tpu.wait_indirect_dma semaphore(%arg12 : memref<!tpu.dma_semaphore, #tpu.memory_space<semaphore_mem>>) src(%dma_wait3A_162 : memref<10240x128xf32, #tpu.memory_space<hbm>>) dst(%dma_wait3A_156 : memref<128x128xf32, #tpu.memory_space<vmem>>)
      %add3A_163 = arith.constant 1 : i32
      %add3A_164 = arith.addi %mul3A_124, %add3A_163 : i32
      %run_scoped3A_165 = arith.constant 1 : i32
      "tpu.region"() ({
        %run_scoped3A_179 = tpu.sem_alloc : memref<!tpu.dma_semaphore, #tpu.memory_space<semaphore_mem>>
        %dma_start3A_180 = arith.constant 0 : i32
        %dma_start3A_181 = arith.constant 0 : i32
        %dma_start3A_182 = tpu.memref_slice %arg9[%run_scoped3A_165, %dma_start3A_180, %dma_start3A_181] : memref<2x128x128xf32, #tpu.memory_space<vmem>> -> memref<1x128x128xf32, #tpu.memory_space<vmem>>
        %dma_start3A_183 = tpu.memref_squeeze %dma_start3A_182 : memref<1x128x128xf32, #tpu.memory_space<vmem>> -> memref<128x128xf32, #tpu.memory_space<vmem>>
        %dma_start3A_184 = arith.constant 0 : i32
        %dma_start3A_185 = tpu.memref_slice %arg8[%add3A_164, %dma_start3A_184] : memref<40x128xi32, #tpu.memory_space<vmem>> -> memref<1x128xi32, #tpu.memory_space<vmem>>
        %dma_start3A_186 = tpu.memref_squeeze %dma_start3A_185 : memref<1x128xi32, #tpu.memory_space<vmem>> -> memref<128xi32, #tpu.memory_space<vmem>>
        %dma_start3A_187 = arith.constant 0 : i32
        %dma_start3A_188 = arith.constant 0 : i32
        %dma_start3A_189 = tpu.memref_slice %arg10[%dma_start3A_187, %dma_start3A_188] : memref<10240x128xf32, #tpu.memory_space<vmem_shared>> -> memref<10240x128xf32, #tpu.memory_space<vmem_shared>>
        tpu.enqueue_indirect_dma source(%dma_start3A_183 : memref<128x128xf32, #tpu.memory_space<vmem>>) target(%dma_start3A_189 : memref<10240x128xf32, #tpu.memory_space<vmem_shared>>) offsets(%dma_start3A_186 : memref<128xi32, #tpu.memory_space<vmem>>) semaphore(%run_scoped3A_179 : memref<!tpu.dma_semaphore, #tpu.memory_space<semaphore_mem>>) {add = true}
        %dma_wait3A_190 = arith.constant 0 : i32
        %dma_wait3A_191 = arith.constant 0 : i32
        %dma_wait3A_192 = tpu.memref_slice %arg9[%run_scoped3A_165, %dma_wait3A_190, %dma_wait3A_191] : memref<2x128x128xf32, #tpu.memory_space<vmem>> -> memref<1x128x128xf32, #tpu.memory_space<vmem>>
        %dma_wait3A_193 = tpu.memref_squeeze %dma_wait3A_192 : memref<1x128x128xf32, #tpu.memory_space<vmem>> -> memref<128x128xf32, #tpu.memory_space<vmem>>
        %dma_wait3A_194 = arith.constant 0 : i32
        %dma_wait3A_195 = tpu.memref_slice %arg8[%add3A_164, %dma_wait3A_194] : memref<40x128xi32, #tpu.memory_space<vmem>> -> memref<1x128xi32, #tpu.memory_space<vmem>>
        %dma_wait3A_196 = tpu.memref_squeeze %dma_wait3A_195 : memref<1x128xi32, #tpu.memory_space<vmem>> -> memref<128xi32, #tpu.memory_space<vmem>>
        %dma_wait3A_197 = arith.constant 0 : i32
        %dma_wait3A_198 = arith.constant 0 : i32
        %dma_wait3A_199 = tpu.memref_slice %arg10[%dma_wait3A_197, %dma_wait3A_198] : memref<10240x128xf32, #tpu.memory_space<vmem_shared>> -> memref<10240x128xf32, #tpu.memory_space<vmem_shared>>
        tpu.wait_indirect_dma semaphore(%run_scoped3A_179 : memref<!tpu.dma_semaphore, #tpu.memory_space<semaphore_mem>>) src(%dma_wait3A_193 : memref<128x128xf32, #tpu.memory_space<vmem>>) dst(%dma_wait3A_199 : memref<10240x128xf32, #tpu.memory_space<vmem_shared>>)
        tpu.yield
      }) : () -> ()
      %add3A_166 = arith.constant 3 : i32
      %add3A_167 = arith.addi %mul3A_124, %add3A_166 : i32
      %dma_start3A_168 = arith.constant 1 : i32
      %dma_start3A_169 = arith.constant 0 : i32
      %dma_start3A_170 = arith.constant 0 : i32
      %dma_start3A_171 = tpu.memref_slice %arg9[%dma_start3A_168, %dma_start3A_169, %dma_start3A_170] : memref<2x128x128xf32, #tpu.memory_space<vmem>> -> memref<1x128x128xf32, #tpu.memory_space<vmem>>
      %dma_start3A_172 = tpu.memref_squeeze %dma_start3A_171 : memref<1x128x128xf32, #tpu.memory_space<vmem>> -> memref<128x128xf32, #tpu.memory_space<vmem>>
      %dma_start3A_173 = arith.constant 0 : i32
      %dma_start3A_174 = tpu.memref_slice %arg7[%add3A_167, %dma_start3A_173] : memref<40x128xi32, #tpu.memory_space<vmem>> -> memref<1x128xi32, #tpu.memory_space<vmem>>
      %dma_start3A_175 = tpu.memref_squeeze %dma_start3A_174 : memref<1x128xi32, #tpu.memory_space<vmem>> -> memref<128xi32, #tpu.memory_space<vmem>>
      %dma_start3A_176 = arith.constant 0 : i32
      %dma_start3A_177 = arith.constant 0 : i32
      %dma_start3A_178 = tpu.memref_slice %arg2[%dma_start3A_176, %dma_start3A_177] : memref<10240x128xf32, #tpu.memory_space<hbm>> -> memref<10240x128xf32, #tpu.memory_space<hbm>>
      tpu.enqueue_indirect_dma source(%dma_start3A_178 : memref<10240x128xf32, #tpu.memory_space<hbm>>) target(%dma_start3A_172 : memref<128x128xf32, #tpu.memory_space<vmem>>) offsets(%dma_start3A_175 : memref<128xi32, #tpu.memory_space<vmem>>) semaphore(%arg12 : memref<!tpu.dma_semaphore, #tpu.memory_space<semaphore_mem>>)
    }
    %scan3A_32 = arith.constant 19 : i32
    %dma_wait3A = arith.constant 38 : i32
    %dma_wait3A_33 = arith.constant 0 : i32
    %dma_wait3A_34 = arith.constant 0 : i32
    %dma_wait3A_35 = arith.constant 0 : i32
    %dma_wait3A_36 = tpu.memref_slice %arg9[%dma_wait3A_33, %dma_wait3A_34, %dma_wait3A_35] : memref<2x128x128xf32, #tpu.memory_space<vmem>> -> memref<1x128x128xf32, #tpu.memory_space<vmem>>
    %dma_wait3A_37 = tpu.memref_squeeze %dma_wait3A_36 : memref<1x128x128xf32, #tpu.memory_space<vmem>> -> memref<128x128xf32, #tpu.memory_space<vmem>>
    %dma_wait3A_38 = arith.constant 0 : i32
    %dma_wait3A_39 = tpu.memref_slice %arg7[%dma_wait3A, %dma_wait3A_38] : memref<40x128xi32, #tpu.memory_space<vmem>> -> memref<1x128xi32, #tpu.memory_space<vmem>>
    %dma_wait3A_40 = tpu.memref_squeeze %dma_wait3A_39 : memref<1x128xi32, #tpu.memory_space<vmem>> -> memref<128xi32, #tpu.memory_space<vmem>>
    %dma_wait3A_41 = arith.constant 0 : i32
    %dma_wait3A_42 = arith.constant 0 : i32
    %dma_wait3A_43 = tpu.memref_slice %arg2[%dma_wait3A_41, %dma_wait3A_42] : memref<10240x128xf32, #tpu.memory_space<hbm>> -> memref<10240x128xf32, #tpu.memory_space<hbm>>
    tpu.wait_indirect_dma semaphore(%arg11 : memref<!tpu.dma_semaphore, #tpu.memory_space<semaphore_mem>>) src(%dma_wait3A_43 : memref<10240x128xf32, #tpu.memory_space<hbm>>) dst(%dma_wait3A_37 : memref<128x128xf32, #tpu.memory_space<vmem>>)
    %run_scoped3A = arith.constant 0 : i32
    %run_scoped3A_44 = arith.constant 38 : i32
    "tpu.region"() ({
      %run_scoped3A_122 = tpu.sem_alloc : memref<!tpu.dma_semaphore, #tpu.memory_space<semaphore_mem>>
      %dma_start3A_123 = arith.constant 0 : i32
      %dma_start3A_124 = arith.constant 0 : i32
      %dma_start3A_125 = tpu.memref_slice %arg9[%run_scoped3A, %dma_start3A_123, %dma_start3A_124] : memref<2x128x128xf32, #tpu.memory_space<vmem>> -> memref<1x128x128xf32, #tpu.memory_space<vmem>>
      %dma_start3A_126 = tpu.memref_squeeze %dma_start3A_125 : memref<1x128x128xf32, #tpu.memory_space<vmem>> -> memref<128x128xf32, #tpu.memory_space<vmem>>
      %dma_start3A_127 = arith.constant 0 : i32
      %dma_start3A_128 = tpu.memref_slice %arg8[%run_scoped3A_44, %dma_start3A_127] : memref<40x128xi32, #tpu.memory_space<vmem>> -> memref<1x128xi32, #tpu.memory_space<vmem>>
      %dma_start3A_129 = tpu.memref_squeeze %dma_start3A_128 : memref<1x128xi32, #tpu.memory_space<vmem>> -> memref<128xi32, #tpu.memory_space<vmem>>
      %dma_start3A_130 = arith.constant 0 : i32
      %dma_start3A_131 = arith.constant 0 : i32
      %dma_start3A_132 = tpu.memref_slice %arg10[%dma_start3A_130, %dma_start3A_131] : memref<10240x128xf32, #tpu.memory_space<vmem_shared>> -> memref<10240x128xf32, #tpu.memory_space<vmem_shared>>
      tpu.enqueue_indirect_dma source(%dma_start3A_126 : memref<128x128xf32, #tpu.memory_space<vmem>>) target(%dma_start3A_132 : memref<10240x128xf32, #tpu.memory_space<vmem_shared>>) offsets(%dma_start3A_129 : memref<128xi32, #tpu.memory_space<vmem>>) semaphore(%run_scoped3A_122 : memref<!tpu.dma_semaphore, #tpu.memory_space<semaphore_mem>>) {add = true}
      %dma_wait3A_133 = arith.constant 0 : i32
      %dma_wait3A_134 = arith.constant 0 : i32
      %dma_wait3A_135 = tpu.memref_slice %arg9[%run_scoped3A, %dma_wait3A_133, %dma_wait3A_134] : memref<2x128x128xf32, #tpu.memory_space<vmem>> -> memref<1x128x128xf32, #tpu.memory_space<vmem>>
      %dma_wait3A_136 = tpu.memref_squeeze %dma_wait3A_135 : memref<1x128x128xf32, #tpu.memory_space<vmem>> -> memref<128x128xf32, #tpu.memory_space<vmem>>
      %dma_wait3A_137 = arith.constant 0 : i32
      %dma_wait3A_138 = tpu.memref_slice %arg8[%run_scoped3A_44, %dma_wait3A_137] : memref<40x128xi32, #tpu.memory_space<vmem>> -> memref<1x128xi32, #tpu.memory_space<vmem>>
      %dma_wait3A_139 = tpu.memref_squeeze %dma_wait3A_138 : memref<1x128xi32, #tpu.memory_space<vmem>> -> memref<128xi32, #tpu.memory_space<vmem>>
      %dma_wait3A_140 = arith.constant 0 : i32
      %dma_wait3A_141 = arith.constant 0 : i32
      %dma_wait3A_142 = tpu.memref_slice %arg10[%dma_wait3A_140, %dma_wait3A_141] : memref<10240x128xf32, #tpu.memory_space<vmem_shared>> -> memref<10240x128xf32, #tpu.memory_space<vmem_shared>>
      tpu.wait_indirect_dma semaphore(%run_scoped3A_122 : memref<!tpu.dma_semaphore, #tpu.memory_space<semaphore_mem>>) src(%dma_wait3A_136 : memref<128x128xf32, #tpu.memory_space<vmem>>) dst(%dma_wait3A_142 : memref<10240x128xf32, #tpu.memory_space<vmem_shared>>)
      tpu.yield
    }) : () -> ()
    %dma_wait3A_45 = arith.constant 39 : i32
    %dma_wait3A_46 = arith.constant 1 : i32
    %dma_wait3A_47 = arith.constant 0 : i32
    %dma_wait3A_48 = arith.constant 0 : i32
    %dma_wait3A_49 = tpu.memref_slice %arg9[%dma_wait3A_46, %dma_wait3A_47, %dma_wait3A_48] : memref<2x128x128xf32, #tpu.memory_space<vmem>> -> memref<1x128x128xf32, #tpu.memory_space<vmem>>
    %dma_wait3A_50 = tpu.memref_squeeze %dma_wait3A_49 : memref<1x128x128xf32, #tpu.memory_space<vmem>> -> memref<128x128xf32, #tpu.memory_space<vmem>>
    %dma_wait3A_51 = arith.constant 0 : i32
    %dma_wait3A_52 = tpu.memref_slice %arg7[%dma_wait3A_45, %dma_wait3A_51] : memref<40x128xi32, #tpu.memory_space<vmem>> -> memref<1x128xi32, #tpu.memory_space<vmem>>
    %dma_wait3A_53 = tpu.memref_squeeze %dma_wait3A_52 : memref<1x128xi32, #tpu.memory_space<vmem>> -> memref<128xi32, #tpu.memory_space<vmem>>
    %dma_wait3A_54 = arith.constant 0 : i32
    %dma_wait3A_55 = arith.constant 0 : i32
    %dma_wait3A_56 = tpu.memref_slice %arg2[%dma_wait3A_54, %dma_wait3A_55] : memref<10240x128xf32, #tpu.memory_space<hbm>> -> memref<10240x128xf32, #tpu.memory_space<hbm>>
    tpu.wait_indirect_dma semaphore(%arg12 : memref<!tpu.dma_semaphore, #tpu.memory_space<semaphore_mem>>) src(%dma_wait3A_56 : memref<10240x128xf32, #tpu.memory_space<hbm>>) dst(%dma_wait3A_50 : memref<128x128xf32, #tpu.memory_space<vmem>>)
    %run_scoped3A_57 = arith.constant 1 : i32
    %run_scoped3A_58 = arith.constant 39 : i32
    "tpu.region"() ({
      %run_scoped3A_122 = tpu.sem_alloc : memref<!tpu.dma_semaphore, #tpu.memory_space<semaphore_mem>>
      %dma_start3A_123 = arith.constant 0 : i32
      %dma_start3A_124 = arith.constant 0 : i32
      %dma_start3A_125 = tpu.memref_slice %arg9[%run_scoped3A_57, %dma_start3A_123, %dma_start3A_124] : memref<2x128x128xf32, #tpu.memory_space<vmem>> -> memref<1x128x128xf32, #tpu.memory_space<vmem>>
      %dma_start3A_126 = tpu.memref_squeeze %dma_start3A_125 : memref<1x128x128xf32, #tpu.memory_space<vmem>> -> memref<128x128xf32, #tpu.memory_space<vmem>>
      %dma_start3A_127 = arith.constant 0 : i32
      %dma_start3A_128 = tpu.memref_slice %arg8[%run_scoped3A_58, %dma_start3A_127] : memref<40x128xi32, #tpu.memory_space<vmem>> -> memref<1x128xi32, #tpu.memory_space<vmem>>
      %dma_start3A_129 = tpu.memref_squeeze %dma_start3A_128 : memref<1x128xi32, #tpu.memory_space<vmem>> -> memref<128xi32, #tpu.memory_space<vmem>>
      %dma_start3A_130 = arith.constant 0 : i32
      %dma_start3A_131 = arith.constant 0 : i32
      %dma_start3A_132 = tpu.memref_slice %arg10[%dma_start3A_130, %dma_start3A_131] : memref<10240x128xf32, #tpu.memory_space<vmem_shared>> -> memref<10240x128xf32, #tpu.memory_space<vmem_shared>>
      tpu.enqueue_indirect_dma source(%dma_start3A_126 : memref<128x128xf32, #tpu.memory_space<vmem>>) target(%dma_start3A_132 : memref<10240x128xf32, #tpu.memory_space<vmem_shared>>) offsets(%dma_start3A_129 : memref<128xi32, #tpu.memory_space<vmem>>) semaphore(%run_scoped3A_122 : memref<!tpu.dma_semaphore, #tpu.memory_space<semaphore_mem>>) {add = true}
      %dma_wait3A_133 = arith.constant 0 : i32
      %dma_wait3A_134 = arith.constant 0 : i32
      %dma_wait3A_135 = tpu.memref_slice %arg9[%run_scoped3A_57, %dma_wait3A_133, %dma_wait3A_134] : memref<2x128x128xf32, #tpu.memory_space<vmem>> -> memref<1x128x128xf32, #tpu.memory_space<vmem>>
      %dma_wait3A_136 = tpu.memref_squeeze %dma_wait3A_135 : memref<1x128x128xf32, #tpu.memory_space<vmem>> -> memref<128x128xf32, #tpu.memory_space<vmem>>
      %dma_wait3A_137 = arith.constant 0 : i32
      %dma_wait3A_138 = tpu.memref_slice %arg8[%run_scoped3A_58, %dma_wait3A_137] : memref<40x128xi32, #tpu.memory_space<vmem>> -> memref<1x128xi32, #tpu.memory_space<vmem>>
      %dma_wait3A_139 = tpu.memref_squeeze %dma_wait3A_138 : memref<1x128xi32, #tpu.memory_space<vmem>> -> memref<128xi32, #tpu.memory_space<vmem>>
      %dma_wait3A_140 = arith.constant 0 : i32
      %dma_wait3A_141 = arith.constant 0 : i32
      %dma_wait3A_142 = tpu.memref_slice %arg10[%dma_wait3A_140, %dma_wait3A_141] : memref<10240x128xf32, #tpu.memory_space<vmem_shared>> -> memref<10240x128xf32, #tpu.memory_space<vmem_shared>>
      tpu.wait_indirect_dma semaphore(%run_scoped3A_122 : memref<!tpu.dma_semaphore, #tpu.memory_space<semaphore_mem>>) src(%dma_wait3A_136 : memref<128x128xf32, #tpu.memory_space<vmem>>) dst(%dma_wait3A_142 : memref<10240x128xf32, #tpu.memory_space<vmem_shared>>)
      tpu.yield
    }) : () -> ()
    "tpu.region"() ({
      %run_scoped3A_122 = tpu.sem_alloc : memref<!tpu.dma_semaphore, #tpu.memory_space<semaphore_mem>>
      %dma_start3A_123 = arith.constant 40 : i32
      %dma_start3A_124 = arith.constant 0 : i32
      %dma_start3A_125 = tpu.memref_slice %arg3[%add3A, %dma_start3A_123, %dma_start3A_124] : memref<32x80x128xi32, #tpu.memory_space<hbm>> -> memref<1x40x128xi32, #tpu.memory_space<hbm>>
      %dma_start3A_126 = tpu.memref_squeeze %dma_start3A_125 : memref<1x40x128xi32, #tpu.memory_space<hbm>> -> memref<40x128xi32, #tpu.memory_space<hbm>>
      %dma_start3A_127 = arith.constant 40 : i32
      %dma_start3A_128 = arith.constant 0 : i32
      %dma_start3A_129 = tpu.memref_slice %arg3[%add3A, %dma_start3A_127, %dma_start3A_128] : memref<32x80x128xi32, #tpu.memory_space<hbm>> -> memref<1x40x128xi32, #tpu.memory_space<hbm>>
      %dma_start3A_130 = tpu.memref_squeeze %dma_start3A_129 : memref<1x40x128xi32, #tpu.memory_space<hbm>> -> memref<40x128xi32, #tpu.memory_space<hbm>>
      tpu.enqueue_dma source(%dma_start3A_130 : memref<40x128xi32, #tpu.memory_space<hbm>>) target(%arg7 : memref<40x128xi32, #tpu.memory_space<vmem>>) target_semaphore(%run_scoped3A_122 : memref<!tpu.dma_semaphore, #tpu.memory_space<semaphore_mem>>)
      %dma_wait3A_131 = arith.constant 40 : i32
      %dma_wait3A_132 = arith.constant 0 : i32
      %dma_wait3A_133 = tpu.memref_slice %arg3[%add3A, %dma_wait3A_131, %dma_wait3A_132] : memref<32x80x128xi32, #tpu.memory_space<hbm>> -> memref<1x40x128xi32, #tpu.memory_space<hbm>>
      %dma_wait3A_134 = tpu.memref_squeeze %dma_wait3A_133 : memref<1x40x128xi32, #tpu.memory_space<hbm>> -> memref<40x128xi32, #tpu.memory_space<hbm>>
      %dma_wait3A_135 = arith.constant 40 : i32
      %dma_wait3A_136 = arith.constant 0 : i32
      %dma_wait3A_137 = tpu.memref_slice %arg3[%add3A, %dma_wait3A_135, %dma_wait3A_136] : memref<32x80x128xi32, #tpu.memory_space<hbm>> -> memref<1x40x128xi32, #tpu.memory_space<hbm>>
      %dma_wait3A_138 = tpu.memref_squeeze %dma_wait3A_137 : memref<1x40x128xi32, #tpu.memory_space<hbm>> -> memref<40x128xi32, #tpu.memory_space<hbm>>
      tpu.wait_dma2 semaphore(%run_scoped3A_122 : memref<!tpu.dma_semaphore, #tpu.memory_space<semaphore_mem>>) src(%dma_wait3A_138 : memref<40x128xi32, #tpu.memory_space<hbm>>) dst(%arg7 : memref<40x128xi32, #tpu.memory_space<vmem>>)
      tpu.yield
    }) : () -> ()
    "tpu.region"() ({
      %run_scoped3A_122 = tpu.sem_alloc : memref<!tpu.dma_semaphore, #tpu.memory_space<semaphore_mem>>
      %dma_start3A_123 = arith.constant 40 : i32
      %dma_start3A_124 = arith.constant 0 : i32
      %dma_start3A_125 = tpu.memref_slice %arg4[%add3A, %dma_start3A_123, %dma_start3A_124] : memref<32x80x128xi32, #tpu.memory_space<hbm>> -> memref<1x40x128xi32, #tpu.memory_space<hbm>>
      %dma_start3A_126 = tpu.memref_squeeze %dma_start3A_125 : memref<1x40x128xi32, #tpu.memory_space<hbm>> -> memref<40x128xi32, #tpu.memory_space<hbm>>
      %dma_start3A_127 = arith.constant 40 : i32
      %dma_start3A_128 = arith.constant 0 : i32
      %dma_start3A_129 = tpu.memref_slice %arg4[%add3A, %dma_start3A_127, %dma_start3A_128] : memref<32x80x128xi32, #tpu.memory_space<hbm>> -> memref<1x40x128xi32, #tpu.memory_space<hbm>>
      %dma_start3A_130 = tpu.memref_squeeze %dma_start3A_129 : memref<1x40x128xi32, #tpu.memory_space<hbm>> -> memref<40x128xi32, #tpu.memory_space<hbm>>
      tpu.enqueue_dma source(%dma_start3A_130 : memref<40x128xi32, #tpu.memory_space<hbm>>) target(%arg8 : memref<40x128xi32, #tpu.memory_space<vmem>>) target_semaphore(%run_scoped3A_122 : memref<!tpu.dma_semaphore, #tpu.memory_space<semaphore_mem>>)
      %dma_wait3A_131 = arith.constant 40 : i32
      %dma_wait3A_132 = arith.constant 0 : i32
      %dma_wait3A_133 = tpu.memref_slice %arg4[%add3A, %dma_wait3A_131, %dma_wait3A_132] : memref<32x80x128xi32, #tpu.memory_space<hbm>> -> memref<1x40x128xi32, #tpu.memory_space<hbm>>
      %dma_wait3A_134 = tpu.memref_squeeze %dma_wait3A_133 : memref<1x40x128xi32, #tpu.memory_space<hbm>> -> memref<40x128xi32, #tpu.memory_space<hbm>>
      %dma_wait3A_135 = arith.constant 40 : i32
      %dma_wait3A_136 = arith.constant 0 : i32
      %dma_wait3A_137 = tpu.memref_slice %arg4[%add3A, %dma_wait3A_135, %dma_wait3A_136] : memref<32x80x128xi32, #tpu.memory_space<hbm>> -> memref<1x40x128xi32, #tpu.memory_space<hbm>>
      %dma_wait3A_138 = tpu.memref_squeeze %dma_wait3A_137 : memref<1x40x128xi32, #tpu.memory_space<hbm>> -> memref<40x128xi32, #tpu.memory_space<hbm>>
      tpu.wait_dma2 semaphore(%run_scoped3A_122 : memref<!tpu.dma_semaphore, #tpu.memory_space<semaphore_mem>>) src(%dma_wait3A_138 : memref<40x128xi32, #tpu.memory_space<hbm>>) dst(%arg8 : memref<40x128xi32, #tpu.memory_space<vmem>>)
      tpu.yield
    }) : () -> ()
    %dma_start3A_59 = arith.constant 0 : i32
    %dma_start3A_60 = arith.constant 0 : i32
    %dma_start3A_61 = arith.constant 0 : i32
    %dma_start3A_62 = arith.constant 0 : i32
    %dma_start3A_63 = tpu.memref_slice %arg9[%dma_start3A_60, %dma_start3A_61, %dma_start3A_62] : memref<2x128x128xf32, #tpu.memory_space<vmem>> -> memref<1x128x128xf32, #tpu.memory_space<vmem>>
    %dma_start3A_64 = tpu.memref_squeeze %dma_start3A_63 : memref<1x128x128xf32, #tpu.memory_space<vmem>> -> memref<128x128xf32, #tpu.memory_space<vmem>>
    %dma_start3A_65 = arith.constant 0 : i32
    %dma_start3A_66 = tpu.memref_slice %arg7[%dma_start3A_59, %dma_start3A_65] : memref<40x128xi32, #tpu.memory_space<vmem>> -> memref<1x128xi32, #tpu.memory_space<vmem>>
    %dma_start3A_67 = tpu.memref_squeeze %dma_start3A_66 : memref<1x128xi32, #tpu.memory_space<vmem>> -> memref<128xi32, #tpu.memory_space<vmem>>
    %dma_start3A_68 = arith.constant 0 : i32
    %dma_start3A_69 = arith.constant 0 : i32
    %dma_start3A_70 = tpu.memref_slice %arg2[%dma_start3A_68, %dma_start3A_69] : memref<10240x128xf32, #tpu.memory_space<hbm>> -> memref<10240x128xf32, #tpu.memory_space<hbm>>
    tpu.enqueue_indirect_dma source(%dma_start3A_70 : memref<10240x128xf32, #tpu.memory_space<hbm>>) target(%dma_start3A_64 : memref<128x128xf32, #tpu.memory_space<vmem>>) offsets(%dma_start3A_67 : memref<128xi32, #tpu.memory_space<vmem>>) semaphore(%arg11 : memref<!tpu.dma_semaphore, #tpu.memory_space<semaphore_mem>>)
    %dma_start3A_71 = arith.constant 1 : i32
    %dma_start3A_72 = arith.constant 1 : i32
    %dma_start3A_73 = arith.constant 0 : i32
    %dma_start3A_74 = arith.constant 0 : i32
    %dma_start3A_75 = tpu.memref_slice %arg9[%dma_start3A_72, %dma_start3A_73, %dma_start3A_74] : memref<2x128x128xf32, #tpu.memory_space<vmem>> -> memref<1x128x128xf32, #tpu.memory_space<vmem>>
    %dma_start3A_76 = tpu.memref_squeeze %dma_start3A_75 : memref<1x128x128xf32, #tpu.memory_space<vmem>> -> memref<128x128xf32, #tpu.memory_space<vmem>>
    %dma_start3A_77 = arith.constant 0 : i32
    %dma_start3A_78 = tpu.memref_slice %arg7[%dma_start3A_71, %dma_start3A_77] : memref<40x128xi32, #tpu.memory_space<vmem>> -> memref<1x128xi32, #tpu.memory_space<vmem>>
    %dma_start3A_79 = tpu.memref_squeeze %dma_start3A_78 : memref<1x128xi32, #tpu.memory_space<vmem>> -> memref<128xi32, #tpu.memory_space<vmem>>
    %dma_start3A_80 = arith.constant 0 : i32
    %dma_start3A_81 = arith.constant 0 : i32
    %dma_start3A_82 = tpu.memref_slice %arg2[%dma_start3A_80, %dma_start3A_81] : memref<10240x128xf32, #tpu.memory_space<hbm>> -> memref<10240x128xf32, #tpu.memory_space<hbm>>
    tpu.enqueue_indirect_dma source(%dma_start3A_82 : memref<10240x128xf32, #tpu.memory_space<hbm>>) target(%dma_start3A_76 : memref<128x128xf32, #tpu.memory_space<vmem>>) offsets(%dma_start3A_79 : memref<128xi32, #tpu.memory_space<vmem>>) semaphore(%arg12 : memref<!tpu.dma_semaphore, #tpu.memory_space<semaphore_mem>>)
    %scan3A_83 = arith.constant 0 : i32
    %scan3A_84 = arith.constant 0 : i32
    %scan3A_85 = arith.constant 19 : i32
    %scan3A_86 = arith.addi %scan3A_84, %scan3A_85 : i32
    %scan3A_87 = arith.constant 1 : i32
    scf.for %scan3A_122 = %scan3A_84 to %scan3A_86 step %scan3A_87  : i32 {
      %mul3A_123 = arith.constant 2 : i32
      %mul3A_124 = arith.muli %mul3A_123, %scan3A_122 : i32
      %dma_wait3A_125 = arith.constant 0 : i32
      %dma_wait3A_126 = arith.constant 0 : i32
      %dma_wait3A_127 = arith.constant 0 : i32
      %dma_wait3A_128 = tpu.memref_slice %arg9[%dma_wait3A_125, %dma_wait3A_126, %dma_wait3A_127] : memref<2x128x128xf32, #tpu.memory_space<vmem>> -> memref<1x128x128xf32, #tpu.memory_space<vmem>>
      %dma_wait3A_129 = tpu.memref_squeeze %dma_wait3A_128 : memref<1x128x128xf32, #tpu.memory_space<vmem>> -> memref<128x128xf32, #tpu.memory_space<vmem>>
      %dma_wait3A_130 = arith.constant 0 : i32
      %dma_wait3A_131 = tpu.memref_slice %arg7[%mul3A_124, %dma_wait3A_130] : memref<40x128xi32, #tpu.memory_space<vmem>> -> memref<1x128xi32, #tpu.memory_space<vmem>>
      %dma_wait3A_132 = tpu.memref_squeeze %dma_wait3A_131 : memref<1x128xi32, #tpu.memory_space<vmem>> -> memref<128xi32, #tpu.memory_space<vmem>>
      %dma_wait3A_133 = arith.constant 0 : i32
      %dma_wait3A_134 = arith.constant 0 : i32
      %dma_wait3A_135 = tpu.memref_slice %arg2[%dma_wait3A_133, %dma_wait3A_134] : memref<10240x128xf32, #tpu.memory_space<hbm>> -> memref<10240x128xf32, #tpu.memory_space<hbm>>
      tpu.wait_indirect_dma semaphore(%arg11 : memref<!tpu.dma_semaphore, #tpu.memory_space<semaphore_mem>>) src(%dma_wait3A_135 : memref<10240x128xf32, #tpu.memory_space<hbm>>) dst(%dma_wait3A_129 : memref<128x128xf32, #tpu.memory_space<vmem>>)
      %run_scoped3A_136 = arith.constant 0 : i32
      "tpu.region"() ({
        %run_scoped3A_179 = tpu.sem_alloc : memref<!tpu.dma_semaphore, #tpu.memory_space<semaphore_mem>>
        %dma_start3A_180 = arith.constant 0 : i32
        %dma_start3A_181 = arith.constant 0 : i32
        %dma_start3A_182 = tpu.memref_slice %arg9[%run_scoped3A_136, %dma_start3A_180, %dma_start3A_181] : memref<2x128x128xf32, #tpu.memory_space<vmem>> -> memref<1x128x128xf32, #tpu.memory_space<vmem>>
        %dma_start3A_183 = tpu.memref_squeeze %dma_start3A_182 : memref<1x128x128xf32, #tpu.memory_space<vmem>> -> memref<128x128xf32, #tpu.memory_space<vmem>>
        %dma_start3A_184 = arith.constant 0 : i32
        %dma_start3A_185 = tpu.memref_slice %arg8[%mul3A_124, %dma_start3A_184] : memref<40x128xi32, #tpu.memory_space<vmem>> -> memref<1x128xi32, #tpu.memory_space<vmem>>
        %dma_start3A_186 = tpu.memref_squeeze %dma_start3A_185 : memref<1x128xi32, #tpu.memory_space<vmem>> -> memref<128xi32, #tpu.memory_space<vmem>>
        %dma_start3A_187 = arith.constant 0 : i32
        %dma_start3A_188 = arith.constant 0 : i32
        %dma_start3A_189 = tpu.memref_slice %arg10[%dma_start3A_187, %dma_start3A_188] : memref<10240x128xf32, #tpu.memory_space<vmem_shared>> -> memref<10240x128xf32, #tpu.memory_space<vmem_shared>>
        tpu.enqueue_indirect_dma source(%dma_start3A_183 : memref<128x128xf32, #tpu.memory_space<vmem>>) target(%dma_start3A_189 : memref<10240x128xf32, #tpu.memory_space<vmem_shared>>) offsets(%dma_start3A_186 : memref<128xi32, #tpu.memory_space<vmem>>) semaphore(%run_scoped3A_179 : memref<!tpu.dma_semaphore, #tpu.memory_space<semaphore_mem>>) {add = true}
        %dma_wait3A_190 = arith.constant 0 : i32
        %dma_wait3A_191 = arith.constant 0 : i32
        %dma_wait3A_192 = tpu.memref_slice %arg9[%run_scoped3A_136, %dma_wait3A_190, %dma_wait3A_191] : memref<2x128x128xf32, #tpu.memory_space<vmem>> -> memref<1x128x128xf32, #tpu.memory_space<vmem>>
        %dma_wait3A_193 = tpu.memref_squeeze %dma_wait3A_192 : memref<1x128x128xf32, #tpu.memory_space<vmem>> -> memref<128x128xf32, #tpu.memory_space<vmem>>
        %dma_wait3A_194 = arith.constant 0 : i32
        %dma_wait3A_195 = tpu.memref_slice %arg8[%mul3A_124, %dma_wait3A_194] : memref<40x128xi32, #tpu.memory_space<vmem>> -> memref<1x128xi32, #tpu.memory_space<vmem>>
        %dma_wait3A_196 = tpu.memref_squeeze %dma_wait3A_195 : memref<1x128xi32, #tpu.memory_space<vmem>> -> memref<128xi32, #tpu.memory_space<vmem>>
        %dma_wait3A_197 = arith.constant 0 : i32
        %dma_wait3A_198 = arith.constant 0 : i32
        %dma_wait3A_199 = tpu.memref_slice %arg10[%dma_wait3A_197, %dma_wait3A_198] : memref<10240x128xf32, #tpu.memory_space<vmem_shared>> -> memref<10240x128xf32, #tpu.memory_space<vmem_shared>>
        tpu.wait_indirect_dma semaphore(%run_scoped3A_179 : memref<!tpu.dma_semaphore, #tpu.memory_space<semaphore_mem>>) src(%dma_wait3A_193 : memref<128x128xf32, #tpu.memory_space<vmem>>) dst(%dma_wait3A_199 : memref<10240x128xf32, #tpu.memory_space<vmem_shared>>)
        tpu.yield
      }) : () -> ()
      %add3A_137 = arith.constant 2 : i32
      %add3A_138 = arith.addi %mul3A_124, %add3A_137 : i32
      %dma_start3A_139 = arith.constant 0 : i32
      %dma_start3A_140 = arith.constant 0 : i32
      %dma_start3A_141 = arith.constant 0 : i32
      %dma_start3A_142 = tpu.memref_slice %arg9[%dma_start3A_139, %dma_start3A_140, %dma_start3A_141] : memref<2x128x128xf32, #tpu.memory_space<vmem>> -> memref<1x128x128xf32, #tpu.memory_space<vmem>>
      %dma_start3A_143 = tpu.memref_squeeze %dma_start3A_142 : memref<1x128x128xf32, #tpu.memory_space<vmem>> -> memref<128x128xf32, #tpu.memory_space<vmem>>
      %dma_start3A_144 = arith.constant 0 : i32
      %dma_start3A_145 = tpu.memref_slice %arg7[%add3A_138, %dma_start3A_144] : memref<40x128xi32, #tpu.memory_space<vmem>> -> memref<1x128xi32, #tpu.memory_space<vmem>>
      %dma_start3A_146 = tpu.memref_squeeze %dma_start3A_145 : memref<1x128xi32, #tpu.memory_space<vmem>> -> memref<128xi32, #tpu.memory_space<vmem>>
      %dma_start3A_147 = arith.constant 0 : i32
      %dma_start3A_148 = arith.constant 0 : i32
      %dma_start3A_149 = tpu.memref_slice %arg2[%dma_start3A_147, %dma_start3A_148] : memref<10240x128xf32, #tpu.memory_space<hbm>> -> memref<10240x128xf32, #tpu.memory_space<hbm>>
      tpu.enqueue_indirect_dma source(%dma_start3A_149 : memref<10240x128xf32, #tpu.memory_space<hbm>>) target(%dma_start3A_143 : memref<128x128xf32, #tpu.memory_space<vmem>>) offsets(%dma_start3A_146 : memref<128xi32, #tpu.memory_space<vmem>>) semaphore(%arg11 : memref<!tpu.dma_semaphore, #tpu.memory_space<semaphore_mem>>)
      %add3A_150 = arith.constant 1 : i32
      %add3A_151 = arith.addi %mul3A_124, %add3A_150 : i32
      %dma_wait3A_152 = arith.constant 1 : i32
      %dma_wait3A_153 = arith.constant 0 : i32
      %dma_wait3A_154 = arith.constant 0 : i32
      %dma_wait3A_155 = tpu.memref_slice %arg9[%dma_wait3A_152, %dma_wait3A_153, %dma_wait3A_154] : memref<2x128x128xf32, #tpu.memory_space<vmem>> -> memref<1x128x128xf32, #tpu.memory_space<vmem>>
      %dma_wait3A_156 = tpu.memref_squeeze %dma_wait3A_155 : memref<1x128x128xf32, #tpu.memory_space<vmem>> -> memref<128x128xf32, #tpu.memory_space<vmem>>
      %dma_wait3A_157 = arith.constant 0 : i32
      %dma_wait3A_158 = tpu.memref_slice %arg7[%add3A_151, %dma_wait3A_157] : memref<40x128xi32, #tpu.memory_space<vmem>> -> memref<1x128xi32, #tpu.memory_space<vmem>>
      %dma_wait3A_159 = tpu.memref_squeeze %dma_wait3A_158 : memref<1x128xi32, #tpu.memory_space<vmem>> -> memref<128xi32, #tpu.memory_space<vmem>>
      %dma_wait3A_160 = arith.constant 0 : i32
      %dma_wait3A_161 = arith.constant 0 : i32
      %dma_wait3A_162 = tpu.memref_slice %arg2[%dma_wait3A_160, %dma_wait3A_161] : memref<10240x128xf32, #tpu.memory_space<hbm>> -> memref<10240x128xf32, #tpu.memory_space<hbm>>
      tpu.wait_indirect_dma semaphore(%arg12 : memref<!tpu.dma_semaphore, #tpu.memory_space<semaphore_mem>>) src(%dma_wait3A_162 : memref<10240x128xf32, #tpu.memory_space<hbm>>) dst(%dma_wait3A_156 : memref<128x128xf32, #tpu.memory_space<vmem>>)
      %add3A_163 = arith.constant 1 : i32
      %add3A_164 = arith.addi %mul3A_124, %add3A_163 : i32
      %run_scoped3A_165 = arith.constant 1 : i32
      "tpu.region"() ({
        %run_scoped3A_179 = tpu.sem_alloc : memref<!tpu.dma_semaphore, #tpu.memory_space<semaphore_mem>>
        %dma_start3A_180 = arith.constant 0 : i32
        %dma_start3A_181 = arith.constant 0 : i32
        %dma_start3A_182 = tpu.memref_slice %arg9[%run_scoped3A_165, %dma_start3A_180, %dma_start3A_181] : memref<2x128x128xf32, #tpu.memory_space<vmem>> -> memref<1x128x128xf32, #tpu.memory_space<vmem>>
        %dma_start3A_183 = tpu.memref_squeeze %dma_start3A_182 : memref<1x128x128xf32, #tpu.memory_space<vmem>> -> memref<128x128xf32, #tpu.memory_space<vmem>>
        %dma_start3A_184 = arith.constant 0 : i32
        %dma_start3A_185 = tpu.memref_slice %arg8[%add3A_164, %dma_start3A_184] : memref<40x128xi32, #tpu.memory_space<vmem>> -> memref<1x128xi32, #tpu.memory_space<vmem>>
        %dma_start3A_186 = tpu.memref_squeeze %dma_start3A_185 : memref<1x128xi32, #tpu.memory_space<vmem>> -> memref<128xi32, #tpu.memory_space<vmem>>
        %dma_start3A_187 = arith.constant 0 : i32
        %dma_start3A_188 = arith.constant 0 : i32
        %dma_start3A_189 = tpu.memref_slice %arg10[%dma_start3A_187, %dma_start3A_188] : memref<10240x128xf32, #tpu.memory_space<vmem_shared>> -> memref<10240x128xf32, #tpu.memory_space<vmem_shared>>
        tpu.enqueue_indirect_dma source(%dma_start3A_183 : memref<128x128xf32, #tpu.memory_space<vmem>>) target(%dma_start3A_189 : memref<10240x128xf32, #tpu.memory_space<vmem_shared>>) offsets(%dma_start3A_186 : memref<128xi32, #tpu.memory_space<vmem>>) semaphore(%run_scoped3A_179 : memref<!tpu.dma_semaphore, #tpu.memory_space<semaphore_mem>>) {add = true}
        %dma_wait3A_190 = arith.constant 0 : i32
        %dma_wait3A_191 = arith.constant 0 : i32
        %dma_wait3A_192 = tpu.memref_slice %arg9[%run_scoped3A_165, %dma_wait3A_190, %dma_wait3A_191] : memref<2x128x128xf32, #tpu.memory_space<vmem>> -> memref<1x128x128xf32, #tpu.memory_space<vmem>>
        %dma_wait3A_193 = tpu.memref_squeeze %dma_wait3A_192 : memref<1x128x128xf32, #tpu.memory_space<vmem>> -> memref<128x128xf32, #tpu.memory_space<vmem>>
        %dma_wait3A_194 = arith.constant 0 : i32
        %dma_wait3A_195 = tpu.memref_slice %arg8[%add3A_164, %dma_wait3A_194] : memref<40x128xi32, #tpu.memory_space<vmem>> -> memref<1x128xi32, #tpu.memory_space<vmem>>
        %dma_wait3A_196 = tpu.memref_squeeze %dma_wait3A_195 : memref<1x128xi32, #tpu.memory_space<vmem>> -> memref<128xi32, #tpu.memory_space<vmem>>
        %dma_wait3A_197 = arith.constant 0 : i32
        %dma_wait3A_198 = arith.constant 0 : i32
        %dma_wait3A_199 = tpu.memref_slice %arg10[%dma_wait3A_197, %dma_wait3A_198] : memref<10240x128xf32, #tpu.memory_space<vmem_shared>> -> memref<10240x128xf32, #tpu.memory_space<vmem_shared>>
        tpu.wait_indirect_dma semaphore(%run_scoped3A_179 : memref<!tpu.dma_semaphore, #tpu.memory_space<semaphore_mem>>) src(%dma_wait3A_193 : memref<128x128xf32, #tpu.memory_space<vmem>>) dst(%dma_wait3A_199 : memref<10240x128xf32, #tpu.memory_space<vmem_shared>>)
        tpu.yield
      }) : () -> ()
      %add3A_166 = arith.constant 3 : i32
      %add3A_167 = arith.addi %mul3A_124, %add3A_166 : i32
      %dma_start3A_168 = arith.constant 1 : i32
      %dma_start3A_169 = arith.constant 0 : i32
      %dma_start3A_170 = arith.constant 0 : i32
      %dma_start3A_171 = tpu.memref_slice %arg9[%dma_start3A_168, %dma_start3A_169, %dma_start3A_170] : memref<2x128x128xf32, #tpu.memory_space<vmem>> -> memref<1x128x128xf32, #tpu.memory_space<vmem>>
      %dma_start3A_172 = tpu.memref_squeeze %dma_start3A_171 : memref<1x128x128xf32, #tpu.memory_space<vmem>> -> memref<128x128xf32, #tpu.memory_space<vmem>>
      %dma_start3A_173 = arith.constant 0 : i32
      %dma_start3A_174 = tpu.memref_slice %arg7[%add3A_167, %dma_start3A_173] : memref<40x128xi32, #tpu.memory_space<vmem>> -> memref<1x128xi32, #tpu.memory_space<vmem>>
      %dma_start3A_175 = tpu.memref_squeeze %dma_start3A_174 : memref<1x128xi32, #tpu.memory_space<vmem>> -> memref<128xi32, #tpu.memory_space<vmem>>
      %dma_start3A_176 = arith.constant 0 : i32
      %dma_start3A_177 = arith.constant 0 : i32
      %dma_start3A_178 = tpu.memref_slice %arg2[%dma_start3A_176, %dma_start3A_177] : memref<10240x128xf32, #tpu.memory_space<hbm>> -> memref<10240x128xf32, #tpu.memory_space<hbm>>
      tpu.enqueue_indirect_dma source(%dma_start3A_178 : memref<10240x128xf32, #tpu.memory_space<hbm>>) target(%dma_start3A_172 : memref<128x128xf32, #tpu.memory_space<vmem>>) offsets(%dma_start3A_175 : memref<128xi32, #tpu.memory_space<vmem>>) semaphore(%arg12 : memref<!tpu.dma_semaphore, #tpu.memory_space<semaphore_mem>>)
    }
    %scan3A_88 = arith.constant 19 : i32
    %dma_wait3A_89 = arith.constant 38 : i32
    %dma_wait3A_90 = arith.constant 0 : i32
    %dma_wait3A_91 = arith.constant 0 : i32
    %dma_wait3A_92 = arith.constant 0 : i32
    %dma_wait3A_93 = tpu.memref_slice %arg9[%dma_wait3A_90, %dma_wait3A_91, %dma_wait3A_92] : memref<2x128x128xf32, #tpu.memory_space<vmem>> -> memref<1x128x128xf32, #tpu.memory_space<vmem>>
    %dma_wait3A_94 = tpu.memref_squeeze %dma_wait3A_93 : memref<1x128x128xf32, #tpu.memory_space<vmem>> -> memref<128x128xf32, #tpu.memory_space<vmem>>
    %dma_wait3A_95 = arith.constant 0 : i32
    %dma_wait3A_96 = tpu.memref_slice %arg7[%dma_wait3A_89, %dma_wait3A_95] : memref<40x128xi32, #tpu.memory_space<vmem>> -> memref<1x128xi32, #tpu.memory_space<vmem>>
    %dma_wait3A_97 = tpu.memref_squeeze %dma_wait3A_96 : memref<1x128xi32, #tpu.memory_space<vmem>> -> memref<128xi32, #tpu.memory_space<vmem>>
    %dma_wait3A_98 = arith.constant 0 : i32
    %dma_wait3A_99 = arith.constant 0 : i32
    %dma_wait3A_100 = tpu.memref_slice %arg2[%dma_wait3A_98, %dma_wait3A_99] : memref<10240x128xf32, #tpu.memory_space<hbm>> -> memref<10240x128xf32, #tpu.memory_space<hbm>>
    tpu.wait_indirect_dma semaphore(%arg11 : memref<!tpu.dma_semaphore, #tpu.memory_space<semaphore_mem>>) src(%dma_wait3A_100 : memref<10240x128xf32, #tpu.memory_space<hbm>>) dst(%dma_wait3A_94 : memref<128x128xf32, #tpu.memory_space<vmem>>)
    %run_scoped3A_101 = arith.constant 0 : i32
    %run_scoped3A_102 = arith.constant 38 : i32
    "tpu.region"() ({
      %run_scoped3A_122 = tpu.sem_alloc : memref<!tpu.dma_semaphore, #tpu.memory_space<semaphore_mem>>
      %dma_start3A_123 = arith.constant 0 : i32
      %dma_start3A_124 = arith.constant 0 : i32
      %dma_start3A_125 = tpu.memref_slice %arg9[%run_scoped3A_101, %dma_start3A_123, %dma_start3A_124] : memref<2x128x128xf32, #tpu.memory_space<vmem>> -> memref<1x128x128xf32, #tpu.memory_space<vmem>>
      %dma_start3A_126 = tpu.memref_squeeze %dma_start3A_125 : memref<1x128x128xf32, #tpu.memory_space<vmem>> -> memref<128x128xf32, #tpu.memory_space<vmem>>
      %dma_start3A_127 = arith.constant 0 : i32
      %dma_start3A_128 = tpu.memref_slice %arg8[%run_scoped3A_102, %dma_start3A_127] : memref<40x128xi32, #tpu.memory_space<vmem>> -> memref<1x128xi32, #tpu.memory_space<vmem>>
      %dma_start3A_129 = tpu.memref_squeeze %dma_start3A_128 : memref<1x128xi32, #tpu.memory_space<vmem>> -> memref<128xi32, #tpu.memory_space<vmem>>
      %dma_start3A_130 = arith.constant 0 : i32
      %dma_start3A_131 = arith.constant 0 : i32
      %dma_start3A_132 = tpu.memref_slice %arg10[%dma_start3A_130, %dma_start3A_131] : memref<10240x128xf32, #tpu.memory_space<vmem_shared>> -> memref<10240x128xf32, #tpu.memory_space<vmem_shared>>
      tpu.enqueue_indirect_dma source(%dma_start3A_126 : memref<128x128xf32, #tpu.memory_space<vmem>>) target(%dma_start3A_132 : memref<10240x128xf32, #tpu.memory_space<vmem_shared>>) offsets(%dma_start3A_129 : memref<128xi32, #tpu.memory_space<vmem>>) semaphore(%run_scoped3A_122 : memref<!tpu.dma_semaphore, #tpu.memory_space<semaphore_mem>>) {add = true}
      %dma_wait3A_133 = arith.constant 0 : i32
      %dma_wait3A_134 = arith.constant 0 : i32
      %dma_wait3A_135 = tpu.memref_slice %arg9[%run_scoped3A_101, %dma_wait3A_133, %dma_wait3A_134] : memref<2x128x128xf32, #tpu.memory_space<vmem>> -> memref<1x128x128xf32, #tpu.memory_space<vmem>>
      %dma_wait3A_136 = tpu.memref_squeeze %dma_wait3A_135 : memref<1x128x128xf32, #tpu.memory_space<vmem>> -> memref<128x128xf32, #tpu.memory_space<vmem>>
      %dma_wait3A_137 = arith.constant 0 : i32
      %dma_wait3A_138 = tpu.memref_slice %arg8[%run_scoped3A_102, %dma_wait3A_137] : memref<40x128xi32, #tpu.memory_space<vmem>> -> memref<1x128xi32, #tpu.memory_space<vmem>>
      %dma_wait3A_139 = tpu.memref_squeeze %dma_wait3A_138 : memref<1x128xi32, #tpu.memory_space<vmem>> -> memref<128xi32, #tpu.memory_space<vmem>>
      %dma_wait3A_140 = arith.constant 0 : i32
      %dma_wait3A_141 = arith.constant 0 : i32
      %dma_wait3A_142 = tpu.memref_slice %arg10[%dma_wait3A_140, %dma_wait3A_141] : memref<10240x128xf32, #tpu.memory_space<vmem_shared>> -> memref<10240x128xf32, #tpu.memory_space<vmem_shared>>
      tpu.wait_indirect_dma semaphore(%run_scoped3A_122 : memref<!tpu.dma_semaphore, #tpu.memory_space<semaphore_mem>>) src(%dma_wait3A_136 : memref<128x128xf32, #tpu.memory_space<vmem>>) dst(%dma_wait3A_142 : memref<10240x128xf32, #tpu.memory_space<vmem_shared>>)
      tpu.yield
    }) : () -> ()
    %dma_wait3A_103 = arith.constant 39 : i32
    %dma_wait3A_104 = arith.constant 1 : i32
    %dma_wait3A_105 = arith.constant 0 : i32
    %dma_wait3A_106 = arith.constant 0 : i32
    %dma_wait3A_107 = tpu.memref_slice %arg9[%dma_wait3A_104, %dma_wait3A_105, %dma_wait3A_106] : memref<2x128x128xf32, #tpu.memory_space<vmem>> -> memref<1x128x128xf32, #tpu.memory_space<vmem>>
    %dma_wait3A_108 = tpu.memref_squeeze %dma_wait3A_107 : memref<1x128x128xf32, #tpu.memory_space<vmem>> -> memref<128x128xf32, #tpu.memory_space<vmem>>
    %dma_wait3A_109 = arith.constant 0 : i32
    %dma_wait3A_110 = tpu.memref_slice %arg7[%dma_wait3A_103, %dma_wait3A_109] : memref<40x128xi32, #tpu.memory_space<vmem>> -> memref<1x128xi32, #tpu.memory_space<vmem>>
    %dma_wait3A_111 = tpu.memref_squeeze %dma_wait3A_110 : memref<1x128xi32, #tpu.memory_space<vmem>> -> memref<128xi32, #tpu.memory_space<vmem>>
    %dma_wait3A_112 = arith.constant 0 : i32
    %dma_wait3A_113 = arith.constant 0 : i32
    %dma_wait3A_114 = tpu.memref_slice %arg2[%dma_wait3A_112, %dma_wait3A_113] : memref<10240x128xf32, #tpu.memory_space<hbm>> -> memref<10240x128xf32, #tpu.memory_space<hbm>>
    tpu.wait_indirect_dma semaphore(%arg12 : memref<!tpu.dma_semaphore, #tpu.memory_space<semaphore_mem>>) src(%dma_wait3A_114 : memref<10240x128xf32, #tpu.memory_space<hbm>>) dst(%dma_wait3A_108 : memref<128x128xf32, #tpu.memory_space<vmem>>)
    %run_scoped3A_115 = arith.constant 1 : i32
    %run_scoped3A_116 = arith.constant 39 : i32
    "tpu.region"() ({
      %run_scoped3A_122 = tpu.sem_alloc : memref<!tpu.dma_semaphore, #tpu.memory_space<semaphore_mem>>
      %dma_start3A_123 = arith.constant 0 : i32
      %dma_start3A_124 = arith.constant 0 : i32
      %dma_start3A_125 = tpu.memref_slice %arg9[%run_scoped3A_115, %dma_start3A_123, %dma_start3A_124] : memref<2x128x128xf32, #tpu.memory_space<vmem>> -> memref<1x128x128xf32, #tpu.memory_space<vmem>>
      %dma_start3A_126 = tpu.memref_squeeze %dma_start3A_125 : memref<1x128x128xf32, #tpu.memory_space<vmem>> -> memref<128x128xf32, #tpu.memory_space<vmem>>
      %dma_start3A_127 = arith.constant 0 : i32
      %dma_start3A_128 = tpu.memref_slice %arg8[%run_scoped3A_116, %dma_start3A_127] : memref<40x128xi32, #tpu.memory_space<vmem>> -> memref<1x128xi32, #tpu.memory_space<vmem>>
      %dma_start3A_129 = tpu.memref_squeeze %dma_start3A_128 : memref<1x128xi32, #tpu.memory_space<vmem>> -> memref<128xi32, #tpu.memory_space<vmem>>
      %dma_start3A_130 = arith.constant 0 : i32
      %dma_start3A_131 = arith.constant 0 : i32
      %dma_start3A_132 = tpu.memref_slice %arg10[%dma_start3A_130, %dma_start3A_131] : memref<10240x128xf32, #tpu.memory_space<vmem_shared>> -> memref<10240x128xf32, #tpu.memory_space<vmem_shared>>
      tpu.enqueue_indirect_dma source(%dma_start3A_126 : memref<128x128xf32, #tpu.memory_space<vmem>>) target(%dma_start3A_132 : memref<10240x128xf32, #tpu.memory_space<vmem_shared>>) offsets(%dma_start3A_129 : memref<128xi32, #tpu.memory_space<vmem>>) semaphore(%run_scoped3A_122 : memref<!tpu.dma_semaphore, #tpu.memory_space<semaphore_mem>>) {add = true}
      %dma_wait3A_133 = arith.constant 0 : i32
      %dma_wait3A_134 = arith.constant 0 : i32
      %dma_wait3A_135 = tpu.memref_slice %arg9[%run_scoped3A_115, %dma_wait3A_133, %dma_wait3A_134] : memref<2x128x128xf32, #tpu.memory_space<vmem>> -> memref<1x128x128xf32, #tpu.memory_space<vmem>>
      %dma_wait3A_136 = tpu.memref_squeeze %dma_wait3A_135 : memref<1x128x128xf32, #tpu.memory_space<vmem>> -> memref<128x128xf32, #tpu.memory_space<vmem>>
      %dma_wait3A_137 = arith.constant 0 : i32
      %dma_wait3A_138 = tpu.memref_slice %arg8[%run_scoped3A_116, %dma_wait3A_137] : memref<40x128xi32, #tpu.memory_space<vmem>> -> memref<1x128xi32, #tpu.memory_space<vmem>>
      %dma_wait3A_139 = tpu.memref_squeeze %dma_wait3A_138 : memref<1x128xi32, #tpu.memory_space<vmem>> -> memref<128xi32, #tpu.memory_space<vmem>>
      %dma_wait3A_140 = arith.constant 0 : i32
      %dma_wait3A_141 = arith.constant 0 : i32
      %dma_wait3A_142 = tpu.memref_slice %arg10[%dma_wait3A_140, %dma_wait3A_141] : memref<10240x128xf32, #tpu.memory_space<vmem_shared>> -> memref<10240x128xf32, #tpu.memory_space<vmem_shared>>
      tpu.wait_indirect_dma semaphore(%run_scoped3A_122 : memref<!tpu.dma_semaphore, #tpu.memory_space<semaphore_mem>>) src(%dma_wait3A_136 : memref<128x128xf32, #tpu.memory_space<vmem>>) dst(%dma_wait3A_142 : memref<10240x128xf32, #tpu.memory_space<vmem_shared>>)
      tpu.yield
    }) : () -> ()
    %barrier3A_117 = arith.constant 0 : index
    tpu.barrier barrier_id(%barrier3A_117)
    %mul3A_118 = arith.constant 640 : i32
    %mul3A_119 = arith.muli %arg1, %mul3A_118 : i32
    %mul3A_120 = arith.constant 640 : i32
    %mul3A_121 = arith.muli %arg1, %mul3A_120 : i32
    "tpu.region"() ({
      %run_scoped3A_122 = tpu.sem_alloc : memref<!tpu.dma_semaphore, #tpu.memory_space<semaphore_mem>>
      %dma_start3A_123 = arith.constant 0 : i32
      %dma_start3A_124 = tpu.memref_slice %arg6[%arg0, %mul3A_121, %dma_start3A_123] : memref<2x10240x128xf32, #tpu.memory_space<hbm>> -> memref<1x640x128xf32, #tpu.memory_space<hbm>>
      %dma_start3A_125 = tpu.memref_squeeze %dma_start3A_124 : memref<1x640x128xf32, #tpu.memory_space<hbm>> -> memref<640x128xf32, #tpu.memory_space<hbm>>
      %dma_start3A_126 = arith.constant 0 : i32
      %dma_start3A_127 = tpu.memref_slice %arg10[%mul3A_119, %dma_start3A_126] : memref<10240x128xf32, #tpu.memory_space<vmem_shared>> -> memref<640x128xf32, #tpu.memory_space<vmem_shared>>
      tpu.enqueue_dma source(%dma_start3A_127 : memref<640x128xf32, #tpu.memory_space<vmem_shared>>) target(%dma_start3A_125 : memref<640x128xf32, #tpu.memory_space<hbm>>) target_semaphore(%run_scoped3A_122 : memref<!tpu.dma_semaphore, #tpu.memory_space<semaphore_mem>>)
      %dma_wait3A_128 = arith.constant 0 : i32
      %dma_wait3A_129 = tpu.memref_slice %arg6[%arg0, %mul3A_121, %dma_wait3A_128] : memref<2x10240x128xf32, #tpu.memory_space<hbm>> -> memref<1x640x128xf32, #tpu.memory_space<hbm>>
      %dma_wait3A_130 = tpu.memref_squeeze %dma_wait3A_129 : memref<1x640x128xf32, #tpu.memory_space<hbm>> -> memref<640x128xf32, #tpu.memory_space<hbm>>
      %dma_wait3A_131 = arith.constant 0 : i32
      %dma_wait3A_132 = tpu.memref_slice %arg10[%mul3A_119, %dma_wait3A_131] : memref<10240x128xf32, #tpu.memory_space<vmem_shared>> -> memref<640x128xf32, #tpu.memory_space<vmem_shared>>
      tpu.wait_dma2 semaphore(%run_scoped3A_122 : memref<!tpu.dma_semaphore, #tpu.memory_space<semaphore_mem>>) src(%dma_wait3A_132 : memref<640x128xf32, #tpu.memory_space<vmem_shared>>) dst(%dma_wait3A_130 : memref<640x128xf32, #tpu.memory_space<hbm>>)
      tpu.yield
    }) : () -> ()
    return
  }
}

module attributes {stable_mosaic.version = 14 : i64} {
  func.func @_lin1_body(%arg0: i32, %arg1: memref<2x1024x128xf32, #tpu.memory_space<vmem>>, %arg2: memref<1024x128xf32, #tpu.memory_space<vmem>>, %arg3: memref<128x128xf32, #tpu.memory_space<vmem>>, %arg4: memref<1024x128xf32, #tpu.memory_space<vmem>>) attributes {dimension_semantics = [#tpu.dimension_semantics<arbitrary>], iteration_bounds = array<i64: 10>, scalar_prefetch = 0 : i64, scratch_operands = 0 : i64, tpu.core_type = #tpu.core_type<tc>, window_params = [{transform_indices = @transform_0, window_bounds = array<i64: 2, 1024, 128>}, {transform_indices = @transform_1, window_bounds = array<i64: 1024, 128>}, {pipeline_mode = #tpu.pipeline_mode<synchronous>, transform_indices = @transform_2, window_bounds = array<i64: 128, 128>}, {transform_indices = @transform_3, window_bounds = array<i64: 1024, 128>}]} {
    %get3A = arith.constant 0 : index
    %get3A_0 = arith.constant 0 : index
    %get3A_1 = arith.constant 0 : index
    %get3A_2 = vector.load %arg1[%get3A, %get3A_0, %get3A_1] : memref<2x1024x128xf32, #tpu.memory_space<vmem>>, vector<1x1024x128xf32>
    %get3A_3 = vector.shape_cast %get3A_2 : vector<1x1024x128xf32> to vector<1024x128xf32>
    %add3A = arith.constant 1.000000e+00 : f32
    %add3A_4 = vector.broadcast %add3A : f32 to vector<1024x128xf32>
    %add3A_5 = arith.addf %add3A_4, %get3A_3 : vector<1024x128xf32>
    %get3A_6 = arith.constant 1 : index
    %get3A_7 = arith.constant 0 : index
    %get3A_8 = arith.constant 0 : index
    %get3A_9 = vector.load %arg1[%get3A_6, %get3A_7, %get3A_8] : memref<2x1024x128xf32, #tpu.memory_space<vmem>>, vector<1x1024x128xf32>
    %get3A_10 = vector.shape_cast %get3A_9 : vector<1x1024x128xf32> to vector<1024x128xf32>
    %add3A_11 = arith.addf %add3A_5, %get3A_10 : vector<1024x128xf32>
    %rsqrt3A = math.rsqrt %add3A_11 : vector<1024x128xf32>
    %get3A_12 = arith.constant 0 : index
    %get3A_13 = arith.constant 0 : index
    %get3A_14 = vector.load %arg2[%get3A_12, %get3A_13] : memref<1024x128xf32, #tpu.memory_space<vmem>>, vector<1024x128xf32>
    %get3A_15 = arith.constant 0 : index
    %get3A_16 = arith.constant 0 : index
    %get3A_17 = vector.load %arg3[%get3A_15, %get3A_16] : memref<128x128xf32, #tpu.memory_space<vmem>>, vector<128x128xf32>
    %dot_general3A = arith.constant dense<0.000000e+00> : vector<1024x128xf32>
    %dot_general3A_18 = tpu.matmul %get3A_14, %get3A_17, %dot_general3A {dimension_numbers = #tpu.dot_dimension_numbers<[1], [0], [0], [1], [0, 0, 1, 1], [], []>, transpose_lhs_hint = false} : vector<1024x128xf32>, vector<128x128xf32>, vector<1024x128xf32> -> vector<1024x128xf32>
    %mul3A = arith.mulf %rsqrt3A, %dot_general3A_18 : vector<1024x128xf32>
    %swap3A = arith.constant 0 : index
    %swap3A_19 = arith.constant 0 : index
    %swap3A_20 = vector.load %arg4[%swap3A, %swap3A_19] : memref<1024x128xf32, #tpu.memory_space<vmem>>, vector<1024x128xf32>
    tpu.vector_store %arg4[%swap3A, %swap3A_19], %mul3A {strides = array<i32>} : memref<1024x128xf32, #tpu.memory_space<vmem>>, vector<1024x128xf32>,
    return
  }
  func.func @transform_0(%arg0: i32) -> (i32, i32, i32) {
    %c0_i32 = arith.constant 0 : i32
    %c0_i32_0 = arith.constant 0 : i32
    %c0_i32_1 = arith.constant 0 : i32
    return %c0_i32, %arg0, %c0_i32_0 : i32, i32, i32
  }
  func.func @transform_1(%arg0: i32) -> (i32, i32) {
    %c0_i32 = arith.constant 0 : i32
    %c0_i32_0 = arith.constant 0 : i32
    return %arg0, %c0_i32 : i32, i32
  }
  func.func @transform_2(%arg0: i32) -> (i32, i32) {
    %c0_i32 = arith.constant 0 : i32
    %c0_i32_0 = arith.constant 0 : i32
    %c0_i32_1 = arith.constant 0 : i32
    return %c0_i32, %c0_i32_0 : i32, i32
  }
  func.func @transform_3(%arg0: i32) -> (i32, i32) {
    %c0_i32 = arith.constant 0 : i32
    %c0_i32_0 = arith.constant 0 : i32
    return %arg0, %c0_i32 : i32, i32
  }
}

module attributes {stable_mosaic.version = 14 : i64} {
  func.func @_mid_body(%arg0: i32, %arg1: memref<2x1024x128xf32, #tpu.memory_space<vmem>>, %arg2: memref<2x1024x128xf32, #tpu.memory_space<vmem>>, %arg3: memref<1024x128xf32, #tpu.memory_space<vmem>>, %arg4: memref<1x128xf32, #tpu.memory_space<vmem>>, %arg5: memref<128x128xf32, #tpu.memory_space<vmem>>, %arg6: memref<1024x128xf32, #tpu.memory_space<vmem>>) attributes {dimension_semantics = [#tpu.dimension_semantics<arbitrary>], iteration_bounds = array<i64: 10>, scalar_prefetch = 0 : i64, scratch_operands = 0 : i64, tpu.core_type = #tpu.core_type<tc>, window_params = [{transform_indices = @transform_0, window_bounds = array<i64: 2, 1024, 128>}, {transform_indices = @transform_1, window_bounds = array<i64: 2, 1024, 128>}, {transform_indices = @transform_2, window_bounds = array<i64: 1024, 128>}, {pipeline_mode = #tpu.pipeline_mode<synchronous>, transform_indices = @transform_3, window_bounds = array<i64: 1, 128>}, {pipeline_mode = #tpu.pipeline_mode<synchronous>, transform_indices = @transform_4, window_bounds = array<i64: 128, 128>}, {transform_indices = @transform_5, window_bounds = array<i64: 1024, 128>}]} {
    %get3A = arith.constant 0 : index
    %get3A_0 = arith.constant 0 : index
    %get3A_1 = arith.constant 0 : index
    %get3A_2 = vector.load %arg1[%get3A, %get3A_0, %get3A_1] : memref<2x1024x128xf32, #tpu.memory_space<vmem>>, vector<1x1024x128xf32>
    %get3A_3 = vector.shape_cast %get3A_2 : vector<1x1024x128xf32> to vector<1024x128xf32>
    %add3A = arith.constant 1.000000e+00 : f32
    %add3A_4 = vector.broadcast %add3A : f32 to vector<1024x128xf32>
    %add3A_5 = arith.addf %add3A_4, %get3A_3 : vector<1024x128xf32>
    %get3A_6 = arith.constant 1 : index
    %get3A_7 = arith.constant 0 : index
    %get3A_8 = arith.constant 0 : index
    %get3A_9 = vector.load %arg1[%get3A_6, %get3A_7, %get3A_8] : memref<2x1024x128xf32, #tpu.memory_space<vmem>>, vector<1x1024x128xf32>
    %get3A_10 = vector.shape_cast %get3A_9 : vector<1x1024x128xf32> to vector<1024x128xf32>
    %add3A_11 = arith.addf %add3A_5, %get3A_10 : vector<1024x128xf32>
    %rsqrt3A = math.rsqrt %add3A_11 : vector<1024x128xf32>
    %get3A_12 = arith.constant 0 : index
    %get3A_13 = arith.constant 0 : index
    %get3A_14 = arith.constant 0 : index
    %get3A_15 = vector.load %arg2[%get3A_12, %get3A_13, %get3A_14] : memref<2x1024x128xf32, #tpu.memory_space<vmem>>, vector<1x1024x128xf32>
    %get3A_16 = vector.shape_cast %get3A_15 : vector<1x1024x128xf32> to vector<1024x128xf32>
    %get3A_17 = arith.constant 1 : index
    %get3A_18 = arith.constant 0 : index
    %get3A_19 = arith.constant 0 : index
    %get3A_20 = vector.load %arg2[%get3A_17, %get3A_18, %get3A_19] : memref<2x1024x128xf32, #tpu.memory_space<vmem>>, vector<1x1024x128xf32>
    %get3A_21 = vector.shape_cast %get3A_20 : vector<1x1024x128xf32> to vector<1024x128xf32>
    %add3A_22 = arith.addf %get3A_16, %get3A_21 : vector<1024x128xf32>
    %get3A_23 = arith.constant 0 : index
    %get3A_24 = arith.constant 0 : index
    %get3A_25 = vector.load %arg3[%get3A_23, %get3A_24] : memref<1024x128xf32, #tpu.memory_space<vmem>>, vector<1024x128xf32>
    %add3A_26 = arith.addf %add3A_22, %get3A_25 : vector<1024x128xf32>
    %mul3A = arith.mulf %rsqrt3A, %add3A_26 : vector<1024x128xf32>
    %get3A_27 = arith.constant 0 : index
    %get3A_28 = arith.constant 0 : index
    %get3A_29 = vector.load %arg4[%get3A_27, %get3A_28] : memref<1x128xf32, #tpu.memory_space<vmem>>, vector<1x128xf32>
    %add3A_30 = vector.broadcast %get3A_29 : vector<1x128xf32> to vector<1024x128xf32>
    %add3A_31 = arith.addf %mul3A, %add3A_30 : vector<1024x128xf32>
    %max3A = arith.constant 0.000000e+00 : f32
    %max3A_32 = vector.broadcast %max3A : f32 to vector<1024x128xf32>
    %max3A_33 = arith.maximumf %add3A_31, %max3A_32 : vector<1024x128xf32>
    %get3A_34 = arith.constant 0 : index
    %get3A_35 = arith.constant 0 : index
    %get3A_36 = vector.load %arg5[%get3A_34, %get3A_35] : memref<128x128xf32, #tpu.memory_space<vmem>>, vector<128x128xf32>
    %dot_general3A = arith.constant dense<0.000000e+00> : vector<1024x128xf32>
    %dot_general3A_37 = tpu.matmul %max3A_33, %get3A_36, %dot_general3A {dimension_numbers = #tpu.dot_dimension_numbers<[1], [0], [0], [1], [0, 0, 1, 1], [], []>, transpose_lhs_hint = false} : vector<1024x128xf32>, vector<128x128xf32>, vector<1024x128xf32> -> vector<1024x128xf32>
    %mul3A_38 = arith.mulf %rsqrt3A, %dot_general3A_37 : vector<1024x128xf32>
    %swap3A = arith.constant 0 : index
    %swap3A_39 = arith.constant 0 : index
    %swap3A_40 = vector.load %arg6[%swap3A, %swap3A_39] : memref<1024x128xf32, #tpu.memory_space<vmem>>, vector<1024x128xf32>
    tpu.vector_store %arg6[%swap3A, %swap3A_39], %mul3A_38 {strides = array<i32>} : memref<1024x128xf32, #tpu.memory_space<vmem>>, vector<1024x128xf32>,
    return
  }
  func.func @transform_0(%arg0: i32) -> (i32, i32, i32) {
    %c0_i32 = arith.constant 0 : i32
    %c0_i32_0 = arith.constant 0 : i32
    %c0_i32_1 = arith.constant 0 : i32
    return %c0_i32, %arg0, %c0_i32_0 : i32, i32, i32
  }
  func.func @transform_1(%arg0: i32) -> (i32, i32, i32) {
    %c0_i32 = arith.constant 0 : i32
    %c0_i32_0 = arith.constant 0 : i32
    %c0_i32_1 = arith.constant 0 : i32
    return %c0_i32, %arg0, %c0_i32_0 : i32, i32, i32
  }
  func.func @transform_2(%arg0: i32) -> (i32, i32) {
    %c0_i32 = arith.constant 0 : i32
    %c0_i32_0 = arith.constant 0 : i32
    return %arg0, %c0_i32 : i32, i32
  }
  func.func @transform_3(%arg0: i32) -> (i32, i32) {
    %c0_i32 = arith.constant 0 : i32
    %c0_i32_0 = arith.constant 0 : i32
    %c0_i32_1 = arith.constant 0 : i32
    return %c0_i32, %c0_i32_0 : i32, i32
  }
  func.func @transform_4(%arg0: i32) -> (i32, i32) {
    %c0_i32 = arith.constant 0 : i32
    %c0_i32_0 = arith.constant 0 : i32
    %c0_i32_1 = arith.constant 0 : i32
    return %c0_i32, %c0_i32_0 : i32, i32
  }
  func.func @transform_5(%arg0: i32) -> (i32, i32) {
    %c0_i32 = arith.constant 0 : i32
    %c0_i32_0 = arith.constant 0 : i32
    return %arg0, %c0_i32 : i32, i32
  }
}

module attributes {stable_mosaic.version = 14 : i64} {
  func.func @_fin_body(%arg0: i32, %arg1: memref<2x1024x128xf32, #tpu.memory_space<vmem>>, %arg2: memref<2x1024x128xf32, #tpu.memory_space<vmem>>, %arg3: memref<1024x128xf32, #tpu.memory_space<vmem>>, %arg4: memref<1x128xf32, #tpu.memory_space<vmem>>, %arg5: memref<128x64xf32, #tpu.memory_space<vmem>>, %arg6: memref<1x64xf32, #tpu.memory_space<vmem>>, %arg7: memref<1024x64xf32, #tpu.memory_space<vmem>>) attributes {dimension_semantics = [#tpu.dimension_semantics<arbitrary>], iteration_bounds = array<i64: 10>, scalar_prefetch = 0 : i64, scratch_operands = 0 : i64, tpu.core_type = #tpu.core_type<tc>, window_params = [{transform_indices = @transform_0, window_bounds = array<i64: 2, 1024, 128>}, {transform_indices = @transform_1, window_bounds = array<i64: 2, 1024, 128>}, {transform_indices = @transform_2, window_bounds = array<i64: 1024, 128>}, {pipeline_mode = #tpu.pipeline_mode<synchronous>, transform_indices = @transform_3, window_bounds = array<i64: 1, 128>}, {pipeline_mode = #tpu.pipeline_mode<synchronous>, transform_indices = @transform_4, window_bounds = array<i64: 128, 64>}, {pipeline_mode = #tpu.pipeline_mode<synchronous>, transform_indices = @transform_5, window_bounds = array<i64: 1, 64>}, {transform_indices = @transform_6, window_bounds = array<i64: 1024, 64>}]} {
    %get3A = arith.constant 0 : index
    %get3A_0 = arith.constant 0 : index
    %get3A_1 = arith.constant 0 : index
    %get3A_2 = vector.load %arg1[%get3A, %get3A_0, %get3A_1] : memref<2x1024x128xf32, #tpu.memory_space<vmem>>, vector<1x1024x128xf32>
    %get3A_3 = vector.shape_cast %get3A_2 : vector<1x1024x128xf32> to vector<1024x128xf32>
    %add3A = arith.constant 1.000000e+00 : f32
    %add3A_4 = vector.broadcast %add3A : f32 to vector<1024x128xf32>
    %add3A_5 = arith.addf %add3A_4, %get3A_3 : vector<1024x128xf32>
    %get3A_6 = arith.constant 1 : index
    %get3A_7 = arith.constant 0 : index
    %get3A_8 = arith.constant 0 : index
    %get3A_9 = vector.load %arg1[%get3A_6, %get3A_7, %get3A_8] : memref<2x1024x128xf32, #tpu.memory_space<vmem>>, vector<1x1024x128xf32>
    %get3A_10 = vector.shape_cast %get3A_9 : vector<1x1024x128xf32> to vector<1024x128xf32>
    %add3A_11 = arith.addf %add3A_5, %get3A_10 : vector<1024x128xf32>
    %rsqrt3A = math.rsqrt %add3A_11 : vector<1024x128xf32>
    %get3A_12 = arith.constant 0 : index
    %get3A_13 = arith.constant 0 : index
    %get3A_14 = arith.constant 0 : index
    %get3A_15 = vector.load %arg2[%get3A_12, %get3A_13, %get3A_14] : memref<2x1024x128xf32, #tpu.memory_space<vmem>>, vector<1x1024x128xf32>
    %get3A_16 = vector.shape_cast %get3A_15 : vector<1x1024x128xf32> to vector<1024x128xf32>
    %get3A_17 = arith.constant 1 : index
    %get3A_18 = arith.constant 0 : index
    %get3A_19 = arith.constant 0 : index
    %get3A_20 = vector.load %arg2[%get3A_17, %get3A_18, %get3A_19] : memref<2x1024x128xf32, #tpu.memory_space<vmem>>, vector<1x1024x128xf32>
    %get3A_21 = vector.shape_cast %get3A_20 : vector<1x1024x128xf32> to vector<1024x128xf32>
    %add3A_22 = arith.addf %get3A_16, %get3A_21 : vector<1024x128xf32>
    %get3A_23 = arith.constant 0 : index
    %get3A_24 = arith.constant 0 : index
    %get3A_25 = vector.load %arg3[%get3A_23, %get3A_24] : memref<1024x128xf32, #tpu.memory_space<vmem>>, vector<1024x128xf32>
    %add3A_26 = arith.addf %add3A_22, %get3A_25 : vector<1024x128xf32>
    %mul3A = arith.mulf %rsqrt3A, %add3A_26 : vector<1024x128xf32>
    %get3A_27 = arith.constant 0 : index
    %get3A_28 = arith.constant 0 : index
    %get3A_29 = vector.load %arg4[%get3A_27, %get3A_28] : memref<1x128xf32, #tpu.memory_space<vmem>>, vector<1x128xf32>
    %add3A_30 = vector.broadcast %get3A_29 : vector<1x128xf32> to vector<1024x128xf32>
    %add3A_31 = arith.addf %mul3A, %add3A_30 : vector<1024x128xf32>
    %max3A = arith.constant 0.000000e+00 : f32
    %max3A_32 = vector.broadcast %max3A : f32 to vector<1024x128xf32>
    %max3A_33 = arith.maximumf %add3A_31, %max3A_32 : vector<1024x128xf32>
    %get3A_34 = arith.constant 0 : index
    %get3A_35 = arith.constant 0 : index
    %get3A_36 = vector.load %arg5[%get3A_34, %get3A_35] : memref<128x64xf32, #tpu.memory_space<vmem>>, vector<128x64xf32>
    %dot_general3A = arith.constant dense<0.000000e+00> : vector<1024x64xf32>
    %dot_general3A_37 = tpu.matmul %max3A_33, %get3A_36, %dot_general3A {dimension_numbers = #tpu.dot_dimension_numbers<[1], [0], [0], [1], [0, 0, 1, 1], [], []>, transpose_lhs_hint = false} : vector<1024x128xf32>, vector<128x64xf32>, vector<1024x64xf32> -> vector<1024x64xf32>
    %get3A_38 = arith.constant 0 : index
    %get3A_39 = arith.constant 0 : index
    %get3A_40 = vector.load %arg6[%get3A_38, %get3A_39] : memref<1x64xf32, #tpu.memory_space<vmem>>, vector<1x64xf32>
    %add3A_41 = vector.broadcast %get3A_40 : vector<1x64xf32> to vector<1024x64xf32>
    %add3A_42 = arith.addf %dot_general3A_37, %add3A_41 : vector<1024x64xf32>
    %swap3A = arith.constant 0 : index
    %swap3A_43 = arith.constant 0 : index
    %swap3A_44 = vector.load %arg7[%swap3A, %swap3A_43] : memref<1024x64xf32, #tpu.memory_space<vmem>>, vector<1024x64xf32>
    tpu.vector_store %arg7[%swap3A, %swap3A_43], %add3A_42 {strides = array<i32>} : memref<1024x64xf32, #tpu.memory_space<vmem>>, vector<1024x64xf32>,
    return
  }
  func.func @transform_0(%arg0: i32) -> (i32, i32, i32) {
    %c0_i32 = arith.constant 0 : i32
    %c0_i32_0 = arith.constant 0 : i32
    %c0_i32_1 = arith.constant 0 : i32
    return %c0_i32, %arg0, %c0_i32_0 : i32, i32, i32
  }
  func.func @transform_1(%arg0: i32) -> (i32, i32, i32) {
    %c0_i32 = arith.constant 0 : i32
    %c0_i32_0 = arith.constant 0 : i32
    %c0_i32_1 = arith.constant 0 : i32
    return %c0_i32, %arg0, %c0_i32_0 : i32, i32, i32
  }
  func.func @transform_2(%arg0: i32) -> (i32, i32) {
    %c0_i32 = arith.constant 0 : i32
    %c0_i32_0 = arith.constant 0 : i32
    return %arg0, %c0_i32 : i32, i32
  }
  func.func @transform_3(%arg0: i32) -> (i32, i32) {
    %c0_i32 = arith.constant 0 : i32
    %c0_i32_0 = arith.constant 0 : i32
    %c0_i32_1 = arith.constant 0 : i32
    return %c0_i32, %c0_i32_0 : i32, i32
  }
  func.func @transform_4(%arg0: i32) -> (i32, i32) {
    %c0_i32 = arith.constant 0 : i32
    %c0_i32_0 = arith.constant 0 : i32
    %c0_i32_1 = arith.constant 0 : i32
    return %c0_i32, %c0_i32_0 : i32, i32
  }
  func.func @transform_5(%arg0: i32) -> (i32, i32) {
    %c0_i32 = arith.constant 0 : i32
    %c0_i32_0 = arith.constant 0 : i32
    %c0_i32_1 = arith.constant 0 : i32
    return %c0_i32, %c0_i32_0 : i32, i32
  }
  func.func @transform_6(%arg0: i32) -> (i32, i32) {
    %c0_i32 = arith.constant 0 : i32
    %c0_i32_0 = arith.constant 0 : i32
    return %arg0, %c0_i32 : i32, i32
  }
}

</mosaic_0001>

<sc_bundles>
// kernel: kernel.11.cloned.1.call-start
scs
__scs_entry_jumppad:
0x0: {  	(pc) =	sbr.rel $0x88, $3  }
0x1: {  	(tag) =	ssettag $0x0;
	lr =	simm.s32 $0x1  }
0x2: {  	[smem:$0x3F99] =	sst lr;
	_ =	strace $0xD0000000  }
0x3: {  	_ = 	snop  }
0x4: {  	_ = 	snop  }
0x5: {  	_ = 	snop  }
0x6: {  	_ = 	snop  }
0x7: {  	_ = 	snop  }
__scs_overlays_trampoline_lowered:
0x8: {  	[smem:$0x3FA8] =	sst s0  }
0x9: {  	[smem:$0x3FA9] =	sst s1  }
0xa: {  	[smem:$0x3FAA] =	sst s2  }
0xb: {  	[smem:$0x3FAB] =	sst s3  }
0xc: {  	[smem:$0x3FAC] =	sst s4  }
0xd: {  	[smem:$0x3FAD] =	sst s5  }
0xe: {  	[smem:$0x3FAE] =	sst s6  }
0xf: {  	[smem:$0x3FAF] =	sst s7  }
0x10: {  	[smem:$0x3FB0] =	sst s8  }
0x11: {  	[smem:$0x3FB1] =	sst s9;
	s0 =	simm.s32 @!p0 $0x0  }
0x12: {  	s1 =	sld [smem:$0x3F97];
	s0 =	simm.s32 @p0 $0x1  }
0x13: {  	[smem:$0x3FB2] =	sst s0;
	s0 =	simm.s32 @!p1 $0x0  }
0x14: {  	s2 =	sld [smem:$0x3F96];
	s0 =	simm.s32 @p1 $0x1  }
0x15: {  	[smem:$0x3FB3] =	sst s0;
	s0 =	simm.s32 @!p2 $0x0  }
0x16: {  	s3 =	sld [smem:$0x3FDB];
	s0 =	simm.s32 @p2 $0x1  }
0x17: {  	s4 =	simm.s32 $0x1BF5;
	[smem:$0x3FB5] =	sst s0  }
0x18: {  	s0 =	sld [smem:$0x3F98];
	_ =	swait.ge [sflag:s4], $0x0  }
0x19: {  	s7 =	sld [smem:$0x3F99]  }
0x1a: {  	s8 =	sadd.s32 $0xFFFFE003, lr  }
0x1b: {  	s9 =	sadd.s32 $0xFFFFFEF7, lr;
	s5 =	simm.s32 $0xFFFFFFFF;
	p2 =	slt.u32 s8, $0xFFFFF086  }
0x1c: {  	p1 =	slt.u32 s9, $0xF7A;
	s5 =	simm.s32 @!p2 $0x0  }
0x1d: {  	s5 =	simm.s32 @p1 $0x1;
	p0 =	seq.s32 s7, s2  }
0x1e: {  	s7 =	smul.u32 @!p0 $0xF7A, s2;
	p2 =	seq.s32 @!p0 s5, $0x0  }
0x1f: {  	s9 =	smul.u32 $0xF7A, s1;
	s8 =	simm.s32 @!p0 $0x1BF5;
	p2 =	por !p2, p0  }
0x20: {  	[sflag:s8] =	ssyncset.s32 @!p0 $0xFFFFF086;
	s6 =	sadd.s32 @!p0 s3, s7;
	s7 =	simm.s32 @!p0 $0x108  }
0x21: {  	s3 =	sadd.s32 s3, s9;
	s6 =	sadd.s32 @!p0 $0x88, s6;
	s7 =	simm.s32 @p2 $0x1082  }
0x22: {  	[simem:s7], [sflag:s8] =	dma.local @!p0 [hbm:s6], $0xF7A  }
0x23: {  	s9 =	sor.u32 $0xD0000000, s2;
	s6 =	simm.s32 $0x108;
	_ =	swait.ge @!p0 [sflag:s8], $0x0  }
0x24: {  	s3 =	sadd.s32 $0x88, s3;
	s6 =	simm.s32 @!p1 $0x1082;
	[sflag:s4] =	ssyncset.s32 $0xFFFFF086  }
0x25: {  	[simem:s6], [sflag:s4] =	dma.local [hbm:s3], $0xF7A  }
0x26: {  	[smem:$0x3F99] =	sst s1;
	(tag) =	ssettag s2;
	_ =	strace s9  }
0x27: {  	s1 =	sld [smem:$0x3FA9]  }
0x28: {  	s2 =	sld [smem:$0x3FAA]  }
0x29: {  	s4 =	sld [smem:$0x3FAC]  }
0x2a: {  	p0 =	seq.s32 s5, $0x0;
	s5 =	sld [smem:$0x3FAD]  }
0x2b: {  	s6 =	sld [smem:$0x3FAE]  }
0x2c: {  	s7 =	sld [smem:$0x3FAF]  }
0x2d: {  	s3 =	simm.s32 $0x108;
	s8 =	sld [smem:$0x3FB0]  }
0x2e: {  	s3 =	simm.s32 @!p0 $0x1082;
	s9 =	sld [smem:$0x3FB1]  }
0x2f: {  	lr =	sadd.s32 s0, s3;
	s0 =	sld [smem:$0x3FA8]  }
0x30: {  	s3 =	sld [smem:$0x3FAB]  }
0x31: {  	[smem:$0x3FB4] =	sst s10  }
0x32: {  	s10 =	sld [smem:$0x3FB2];
	_ =	sdelay $0x3  }
0x33: {  	p0 =	seq.s32 s10, $0x1;
	s10 =	sld [smem:$0x3FB4];
	_ =	sdelay $0x3  }
0x34: {  	[smem:$0x3FB4] =	sst s10  }
0x35: {  	s10 =	sld [smem:$0x3FB3];
	_ =	sdelay $0x3  }
0x36: {  	p1 =	seq.s32 s10, $0x1;
	s10 =	sld [smem:$0x3FB4];
	_ =	sdelay $0x3  }
0x37: {  	[smem:$0x3FB4] =	sst s10  }
0x38: {  	s10 =	sld [smem:$0x3FB5]  }
0x39: {  	_ = 	snop;
	(pc) =	sbr.ind lr, $3  }
0x3a: {  	_ = 	snop  }
0x3b: {  	_ = 	snop  }
0x3c: {  	p2 =	seq.s32 s10, $0x1;
	s10 =	sld [smem:$0x3FB4]  }
0x3d: {  	_ =	shalt  }
0x3e: {  	_ =	shalt  }
0x3f: {  	_ =	shalt  }
0x40: {  	_ =	shalt  }
0x41: {  	_ =	shalt  }
0x42: {  	_ =	shalt  }
0x43: {  	_ =	shalt  }
0x44: {  	_ =	shalt  }
0x45: {  	_ =	shalt  }
0x46: {  	_ =	shalt  }
0x47: {  	_ =	shalt  }
0x48: {  	_ =	shalt  }
0x49: {  	_ =	shalt  }
0x4a: {  	_ =	shalt  }
0x4b: {  	_ =	shalt  }
0x4c: {  	_ =	shalt  }
0x4d: {  	_ =	shalt  }
0x4e: {  	_ =	shalt  }
0x4f: {  	_ =	shalt  }
0x50: {  	_ =	shalt  }
0x51: {  	_ =	shalt  }
0x52: {  	_ =	shalt  }
0x53: {  	_ =	shalt  }
0x54: {  	_ =	shalt  }
0x55: {  	_ =	shalt  }
0x56: {  	_ =	shalt  }
0x57: {  	_ =	shalt  }
0x58: {  	_ =	shalt  }
0x59: {  	_ =	shalt  }
0x5a: {  	_ =	shalt  }
0x5b: {  	_ =	shalt  }
0x5c: {  	_ =	shalt  }
0x5d: {  	_ =	shalt  }
0x5e: {  	_ =	shalt  }
0x5f: {  	_ =	shalt  }
0x60: {  	_ =	shalt  }
0x61: {  	_ =	shalt  }
0x62: {  	_ =	shalt  }
0x63: {  	_ =	shalt  }
0x64: {  	_ =	shalt  }
0x65: {  	_ =	shalt  }
0x66: {  	_ =	shalt  }
0x67: {  	_ =	shalt  }
0x68: {  	_ =	shalt  }
0x69: {  	_ =	shalt  }
0x6a: {  	_ =	shalt  }
0x6b: {  	_ =	shalt  }
0x6c: {  	_ =	shalt  }
0x6d: {  	_ =	shalt  }
0x6e: {  	_ =	shalt  }
0x6f: {  	_ =	shalt  }
0x70: {  	_ =	shalt  }
0x71: {  	_ =	shalt  }
0x72: {  	_ =	shalt  }
0x73: {  	_ =	shalt  }
0x74: {  	_ =	shalt  }
0x75: {  	_ =	shalt  }
0x76: {  	_ =	shalt  }
0x77: {  	_ =	shalt  }
0x78: {  	_ =	shalt  }
0x79: {  	_ =	shalt  }
0x7a: {  	_ =	shalt  }
0x7b: {  	_ =	shalt  }
0x7c: {  	_ =	shalt  }
0x7d: {  	_ =	shalt  }
0x7e: {  	_ =	shalt  }
0x7f: {  	_ =	shalt  }
0x80: {  	_ =	shalt  }
0x81: {  	_ =	shalt  }
0x82: {  	_ =	shalt  }
0x83: {  	_ =	shalt  }
0x84: {  	_ =	shalt  }
0x85: {  	_ =	shalt  }
0x86: {  	_ =	shalt  }
0x87: {  	_ =	shalt  }
.Lfunc_end0:
.L_simem_size_0:
called_computation.1_lowered:
.L_overlay_start_0:
0x88: {  	s2 =	sld [smem:$0x3FD9]  }
0x89: {  	s3 =	sld [smem:$0x3FFE];
	_ =	sdelay $0x1  }
0x8a: {  	s1 =	srdreg.scid  }
0x8b: {  	s0 =	sand.u32 $0x1, s1  }
0x8c: {  	s17 =	sshll.u32 s0, $0xA;
	s2 =	sadd.s32 s3, s2  }
0x8d: {  	s2 =	sadd.s32 s2, s17  }
0x8e: {  	[smem:$0x3FC0] =	sst s2  }
0x8f: {  	_ = 	snop  }
0x90: {  	s2 =	sld [smem:$0x3FD0];
	(tm) =	ssettm $0x1  }
0x91: {  	s18 =	sld [smem:$0x3FFB];
	_ =	sdelay $0x3  }
0x92: {  	_ =	strace s18  }
0x93: {  	s3 =	sld [smem:$0x3FFC];
	_ =	sdelay $0x3  }
0x94: {  	_ =	strace s3  }
0x95: {  	s3 =	sld [smem:$0x3FFD];
	_ =	sdelay $0x3  }
0x96: {  	_ =	strace s3  }
0x97: {  	_ =	strace $0x8FFFFFFF  }
0x98: {  	s19 =	sld [smem:$0x3FDB];
	_ =	sdelay $0x1  }
0x99: {  	s4 =	simm.s32 $_scs_section_size  }
0x9a: {  	s5 =	simm.s32 $_size__tile_overlayer_lowered;
	s6 =	simm.s32 $_tile_overlayer_lowered  }
0x9b: {  	s22 =	simm.s32 $0x1BFF;
	s21 =	sshll.u32 s6, $0x1;
	s3 =	sadd.s32 s4, s19  }
0x9c: {  	s7 =	simm.s32 $0x0;
	s20 =	sshll.u32 s5, $0x1;
	s5 =	sadd.s32 s21, s3  }
0x9d: {  	[timem:s7], [sflag:s22] =	dma.local [hbm:s5], s20  }
0x9e: {  	_ =	swait.ge [sflag:s22], s20  }
0x9f: {  	s4 =	ssub.s32 $0x0, s20;
	[sflag:s22] =	ssyncset.done $0x0  }
0xa0: {  	[sflag:s22] =	ssyncadd.s32 s4;
	_ =	sdelay $0x1  }
0xa1: {  	s23 =	simm.s32 $0x1B8B  }
0xa2: {  	_ =	swait.ge [sflag:s23], $0x1  }
0xa3: {  	[sflag:s23] =	ssyncset.done $0x0  }
0xa4: {  	s25 =	simm.s32 $0x1B8E;
	s24 =	sld [smem:$0x3FFE];
	[sflag:s23] =	ssyncadd.s32 $0xFFFFFFFF  }
0xa5: {  	s26 =	simm.s32 $execute0_lowered;
	[smem:$0x3FD2] =	sst s25  }
0xa6: {  	s5 =	sshll.u32 s26, $0x1;
	_ =	strace $0x80000049;
	[dreg:$0x1] =	wrdreg $0xFFFFFFFF  }
0xa7: {  	s28 =	simm.s32 $_size_execute0_lowered;
	s3 =	sadd.s32 s3, s5;
	[dreg:$0x0] =	wrdreg $0x0  }
0xa8: {  	s5 =	sshll.u32 s28, $0x1;
	[dreg:$0x2] =	wrdreg s3  }
0xa9: {  	[dreg:$0x3] =	wrdreg s5  }
0xaa: {  	[dreg:$0x4] =	wrdreg $0xC0  }
0xab: {  	_ =	task [dreg:s7], $0x5FFFF  }
0xac: {  	[dreg:$0x1] =	wrdreg $0xFFFFFFFF  }
0xad: {  	[dreg:$0x0] =	wrdreg $0x60  }
0xae: {  	[dreg:$0x2] =	wrdreg s24  }
0xaf: {  	[dreg:$0x3] =	wrdreg s2  }
0xb0: {  	[dreg:$0x4] =	wrdreg $0xA8000  }
0xb1: {  	[dreg:$0x5] =	wrdreg $0x9  }
0xb2: {  	_ =	task.clear_ibuf [dreg:s7], $0x6FFFF;
	_ =	strace $0x90000049  }
0xb3: {  	s29 =	simm.s32 $0x9;
	_ =	strace $0x8000004B  }
0xb4: {  	_ =	swait.ge [sflag:s29], $0x1  }
0xb5: {  	[sflag:s29] =	ssyncadd.s32 $0xFFFFFFFF  }
0xb6: {  	_ =	strace $0x9000004B  }
0xb7: {  	_ =	sfence  }
0xb8: {  	s30 =	sld [smem:$0x0];
	_ =	sdelay $0x2  }
0xb9: {  	s31 =	sshll.u32 s1, $0xD;
	s1 =	sshrl.u32 s1, $0x2  }
0xba: {  	s3 =	sand.u32 $0x4000, s31;
	s1 =	sadd.s32 s1, s30  }
0xbb: {  	s0 =	sor.u32 s3, s0;
	s1 =	sshll.u32 s1, $0x11  }
0xbc: {  	s0 =	sor.u32 s1, s0  }
0xbd: {  	s0 =	sadd.s32 $0x8F2B, s0  }
0xbe: {  	[sflag:s0] =	ssyncadd.remote.s32 $0x1  }
0xbf: {  	_ =	sfence.sel $0xFFFF  }
0xc0: {  	[dreg:$0x0] =	wrdreg $0xFFFFFFFF;
	(pc) =	sbr.abs _section_cstart, $3  }
0xc1: {  	[dreg:$0x1] =	wrdreg $0xFFFFFFFF  }
0xc2: {  	_ =	task.clear_ibuf [dreg:s7], $0x2FFFF;
	_ =	strace $0x9FFFFFFF  }
0xc3: {  	(tm) =	ssettm $0x7FFFFFFF  }
tec
execute0_lowered:
.L_overlay_start_1:
0x0: {  	(tag) =	ssettag $0x1  }
0x1: {  	s5 =	rddreg [dreg:$0x0]  }
0x2: {  	s9 =	rddreg [dreg:$0x1]  }
0x3: {  	s2 =	rddreg [dreg:$0x2]  }
0x4: {  	s0 =	rddreg [dreg:$0x3];
	s1 =	stileid.u32  }
0x5: {  	s4 =	srdreg.scid;
	s3 =	simm.s32 $0x0;
	s16 =	simm.s32 $0x80  }
0x6: {  	s17 =	simm.s32 $0x2800;
	s18 =	simm.s32 $0x6800;
	s19 =	simm.s32 $0x1  }
0x7: {  	s20 =	simm.s32 $0x2;
	s21 =	simm.s32 $0x2700;
	s22 =	simm.s32 $0x2780  }
0x8: {  	s23 =	simm.s32 $0x0;
	s6 =	smul.u32 $0x14000, s1;
	s7 =	sand.u32 $0x1, s4  }
0x9: {  	[smem:$0x7FF] =	sst s3;
	s4 =	sadd.s32 $0x34A00, s5;
	s11 =	sadd.s32 $0x2A00, s5  }
0xa: {  	s25 =	smul.u32 $0x50000, s1;
	s12 =	sshll.u32 s1, $0x1;
	s30 =	sshll.u32 s1, $0x6  }
0xb: {  	s8 =	smul.u32 $0x140000, s7;
	_ =	strace $0x8000004A;
	s26 =	ssub.s32 $0x2, s7  }
0xc: {  	s28 =	sor.u32 s7, s12;
	s10 =	sshrl.u32 s6, $0x3;
	s29 =	sshrl.u32 s26, $0x1  }
0xd: {  	s12 =	smul.u32 $0x2800, s28;
	s10 =	sadd.s32 s10, s5;
	s6 =	sadd.s32 s6, s8  }
0xe: {  	s8 =	sshrl.u32 s25, $0x2;
	s14 =	ssub.s32 s26, s29;
	s6 =	sshrl.u32 s6, $0x3  }
0xf: {  	s15 =	sadd.s32 s8, s2;
	s31 =	sshrl.u32 s12, $0x3;
	s12 =	smax.u32 s14, $0x1  }
0x10: {  	s14 =	simm.s32 $0x3;
	s13 =	sadd.s32 s6, s5;
	s5 =	sadd.s32 $0xCA00, s10  }
0x11: {  	s6 =	sor.u32 $0x1C03, s30;
	s7 =	sadd.s32 s9, s31;
	s10 =	sadd.s32 $0x280, s31  }
0x12: {  	s8 =	sadd.s32 s11, s31;
	s9 =	sadd.s32 s9, s10;
	s10 =	sadd.s32 s11, s10  }
0x13: {  	s11 =	sadd.s32 $0x5CA00, s13;
	s13 =	sshrl.u32 s15, $0x3;
	s15 =	simm.s32 $0x1400  }
.LBB2_1:
0x14: {  	[spmem:s13], [sflag:s6] =	dma.local [hbm:s5], $0x2800  }
0x15: {  	_ =	swait.ge [sflag:s14], $0x2800  }
0x16: {  	[sflag:s14] =	ssyncset.done $0x0  }
0x17: {  	[sflag:s14] =	ssyncadd.s32 $0xFFFFD800  }
0x18: {  	[bflag:$0x0] =	sbarrier.arrive $0xFFFF  }
0x19: {  	[tilespmem:s3], [sflag:$0x3] =	stream.linear.gather [hbm4b:s7+s3], $0x1400, $0x38;
	[tilespmem:$0x1E800] =	vst v63  }
0x1a: {  	_ =	swait.ge [sflag:s14], $0x1400  }
0x1b: {  	[sflag:s14] =	ssyncset.done $0x0  }
0x1c: {  	[sflag:s14] =	ssyncadd.s32 $0xFFFFEC00  }
0x1d: {  	[tilespmem:s15], [sflag:$0x3] =	stream.linear.gather [hbm4b:s8+s3], $0x1400, $0x38;
	[tilespmem:$0x1E800] =	vst v63  }
0x1e: {  	_ =	swait.ge [sflag:s14], $0x1400  }
0x1f: {  	[sflag:s14] =	ssyncset.done $0x0  }
0x20: {  	[sflag:s14] =	ssyncadd.s32 $0xFFFFEC00  }
0x21: {  	[tilespmem:s17], [sflag:$0x1] =	stream.indirect.gather [hbm4b:s4+s16], $0x80, s3, s16, $0xb8;
	[tilespmem:$0x1E800] =	vst v63  }
0x22: {  	_ = 	snop  }
0x23: {  	[tilespmem:s18], [sflag:$0x2] =	stream.indirect.gather [hbm4b:s4+s16], $0x80, s16, s16, $0xb8;
	[tilespmem:$0x1E800] =	vst v63  }
0x24: {  	_ =	swait.ge [sflag:s19], $0x4000  }
0x25: {  	[sflag:s19] =	ssyncset.done $0x0  }
0x26: {  	s24 =	simm.s32 $0x1400;
	[sflag:s19] =	ssyncadd.s32 $0xFFFFC000  }
0x27: {  	[spmem:s2] =	stream.indirect.scatter.add.f32 [tilespmem:s17], [sflag:$0x3], $0x80, s24, s16, $0xb8;
	[tilespmem:$0x1E800] =	vst v63  }
0x28: {  	_ =	swait.ge [sflag:s14], $0x4000  }
0x29: {  	[sflag:s14] =	ssyncset.done $0x0  }
0x2a: {  	s30 =	simm.s32 $0x100;
	[sflag:s14] =	ssyncadd.s32 $0xFFFFC000  }
0x2b: {  	[tilespmem:s17], [sflag:$0x1] =	stream.indirect.gather [hbm4b:s4+s16], $0x80, s30, s16, $0xb8;
	[tilespmem:$0x1E800] =	vst v63  }
0x2c: {  	_ =	swait.ge [sflag:s20], $0x4000  }
0x2d: {  	[sflag:s20] =	ssyncset.done $0x0  }
0x2e: {  	s31 =	simm.s32 $0x1480;
	[sflag:s20] =	ssyncadd.s32 $0xFFFFC000  }
0x2f: {  	[spmem:s2] =	stream.indirect.scatter.add.f32 [tilespmem:s18], [sflag:$0x3], $0x80, s31, s16, $0xb8;
	[tilespmem:$0x1E800] =	vst v63  }
0x30: {  	_ =	swait.ge [sflag:s14], $0x4000  }
0x31: {  	[sflag:s14] =	ssyncset.done $0x0  }
0x32: {  	s25 =	simm.s32 $0x180;
	s24 =	simm.s32 $0x400;
	[sflag:s14] =	ssyncadd.s32 $0xFFFFC000  }
.LBB2_2:
0x33: {  	[tilespmem:s18], [sflag:$0x2] =	stream.indirect.gather [hbm4b:s4+s16], $0x80, s25, s16, $0xb8;
	[tilespmem:$0x1E800] =	vst v63  }
0x34: {  	s25 =	smov.u32 s24  }
0x35: {  	p0 =	sne.s32 s24, $0x4800;
	s24 =	sadd.s32 $0x400, s24;
	_ =	swait.ge [sflag:s19], $0x4000  }
0x36: {  	s25 =	sshra.s32 s25, $0x2;
	[sflag:s19] =	ssyncset.done $0x0  }
0x37: {  	s26 =	sadd.s32 $0x1400, s25;
	[sflag:s19] =	ssyncadd.s32 $0xFFFFC000  }
0x38: {  	[spmem:s2] =	stream.indirect.scatter.add.f32 [tilespmem:s17], [sflag:$0x3], $0x80, s26, s16, $0xb8;
	[tilespmem:$0x1E800] =	vst v63  }
0x39: {  	_ =	swait.ge [sflag:s14], $0x4000  }
0x3a: {  	[sflag:s14] =	ssyncset.done $0x0  }
0x3b: {  	s26 =	sadd.s32 $0x100, s25;
	[sflag:s14] =	ssyncadd.s32 $0xFFFFC000  }
0x3c: {  	[tilespmem:s17], [sflag:$0x1] =	stream.indirect.gather [hbm4b:s4+s16], $0x80, s26, s16, $0xb8;
	[tilespmem:$0x1E800] =	vst v63  }
0x3d: {  	_ =	swait.ge [sflag:s20], $0x4000  }
0x3e: {  	[sflag:s20] =	ssyncset.done $0x0  }
.Ltmp0:
0x3f: {  	s26 =	sadd.s32 $0x1480, s25;
	[sflag:s20] =	ssyncadd.s32 $0xFFFFC000;
	(pc) =	sbr.rel @p0 .LBB2_2-.Ltmp0, $4  }
0x40: {  	[spmem:s2] =	stream.indirect.scatter.add.f32 [tilespmem:s18], [sflag:$0x3], $0x80, s26, s16, $0xb8;
	[tilespmem:$0x1E800] =	vst v63  }
0x41: {  	_ =	swait.ge [sflag:s14], $0x4000  }
0x42: {  	[sflag:s14] =	ssyncset.done $0x0  }
0x43: {  	s25 =	sadd.s32 $0x180, s25;
	[sflag:s14] =	ssyncadd.s32 $0xFFFFC000  }
0x44: {  	[tilespmem:s18], [sflag:$0x2] =	stream.indirect.gather [hbm4b:s4+s16], $0x80, s25, s16, $0xb8;
	[tilespmem:$0x1E800] =	vst v63  }
0x45: {  	_ =	swait.ge [sflag:s19], $0x4000  }
0x46: {  	[sflag:s19] =	ssyncset.done $0x0  }
0x47: {  	[sflag:s19] =	ssyncadd.s32 $0xFFFFC000  }
0x48: {  	[spmem:s2] =	stream.indirect.scatter.add.f32 [tilespmem:s17], [sflag:$0x3], $0x80, s21, s16, $0xb8;
	[tilespmem:$0x1E800] =	vst v63  }
0x49: {  	_ =	swait.ge [sflag:s14], $0x4000  }
0x4a: {  	[sflag:s14] =	ssyncset.done $0x0  }
0x4b: {  	[sflag:s14] =	ssyncadd.s32 $0xFFFFC000  }
0x4c: {  	_ =	swait.ge [sflag:s20], $0x4000  }
0x4d: {  	[sflag:s20] =	ssyncset.done $0x0  }
0x4e: {  	[sflag:s20] =	ssyncadd.s32 $0xFFFFC000  }
0x4f: {  	[spmem:s2] =	stream.indirect.scatter.add.f32 [tilespmem:s18], [sflag:$0x3], $0x80, s22, s16, $0xb8;
	[tilespmem:$0x1E800] =	vst v63  }
0x50: {  	_ =	swait.ge [sflag:s14], $0x4000  }
0x51: {  	[sflag:s14] =	ssyncset.done $0x0  }
0x52: {  	s24 =	simm.s32 $0x0;
	[sflag:s14] =	ssyncadd.s32 $0xFFFFC000  }
0x53: {  	[tilespmem:s24], [sflag:$0x3] =	stream.linear.gather [hbm4b:s9+s24], $0x1400, $0x38;
	[tilespmem:$0x1E800] =	vst v63  }
0x54: {  	_ =	swait.ge [sflag:s14], $0x1400  }
0x55: {  	[sflag:s14] =	ssyncset.done $0x0  }
0x56: {  	[sflag:s14] =	ssyncadd.s32 $0xFFFFEC00  }
0x57: {  	[tilespmem:s15], [sflag:$0x3] =	stream.linear.gather [hbm4b:s10+s24], $0x1400, $0x38;
	[tilespmem:$0x1E800] =	vst v63  }
0x58: {  	_ =	swait.ge [sflag:s14], $0x1400  }
0x59: {  	[sflag:s14] =	ssyncset.done $0x0  }
0x5a: {  	[sflag:s14] =	ssyncadd.s32 $0xFFFFEC00  }
0x5b: {  	[tilespmem:s17], [sflag:$0x1] =	stream.indirect.gather [hbm4b:s4+s16], $0x80, s24, s16, $0xb8;
	[tilespmem:$0x1E800] =	vst v63  }
0x5c: {  	_ = 	snop  }
0x5d: {  	[tilespmem:s18], [sflag:$0x2] =	stream.indirect.gather [hbm4b:s4+s16], $0x80, s16, s16, $0xb8;
	[tilespmem:$0x1E800] =	vst v63  }
0x5e: {  	_ =	swait.ge [sflag:s19], $0x4000  }
0x5f: {  	[sflag:s19] =	ssyncset.done $0x0  }
0x60: {  	s29 =	simm.s32 $0x1400;
	[sflag:s19] =	ssyncadd.s32 $0xFFFFC000  }
0x61: {  	[spmem:s2] =	stream.indirect.scatter.add.f32 [tilespmem:s17], [sflag:$0x3], $0x80, s29, s16, $0xb8;
	[tilespmem:$0x1E800] =	vst v63  }
0x62: {  	_ =	swait.ge [sflag:s14], $0x4000  }
0x63: {  	[sflag:s14] =	ssyncset.done $0x0  }
0x64: {  	s30 =	simm.s32 $0x100;
	[sflag:s14] =	ssyncadd.s32 $0xFFFFC000  }
0x65: {  	[tilespmem:s17], [sflag:$0x1] =	stream.indirect.gather [hbm4b:s4+s16], $0x80, s30, s16, $0xb8;
	[tilespmem:$0x1E800] =	vst v63  }
0x66: {  	_ =	swait.ge [sflag:s20], $0x4000  }
0x67: {  	[sflag:s20] =	ssyncset.done $0x0  }
0x68: {  	s31 =	simm.s32 $0x1480;
	[sflag:s20] =	ssyncadd.s32 $0xFFFFC000  }
0x69: {  	[spmem:s2] =	stream.indirect.scatter.add.f32 [tilespmem:s18], [sflag:$0x3], $0x80, s31, s16, $0xb8;
	[tilespmem:$0x1E800] =	vst v63  }
0x6a: {  	_ =	swait.ge [sflag:s14], $0x4000  }
0x6b: {  	[sflag:s14] =	ssyncset.done $0x0  }
0x6c: {  	s25 =	simm.s32 $0x180;
	s24 =	simm.s32 $0x400;
	[sflag:s14] =	ssyncadd.s32 $0xFFFFC000  }
.LBB2_4:
0x6d: {  	[tilespmem:s18], [sflag:$0x2] =	stream.indirect.gather [hbm4b:s4+s16], $0x80, s25, s16, $0xb8;
	[tilespmem:$0x1E800] =	vst v63  }
0x6e: {  	s25 =	smov.u32 s24  }
0x6f: {  	p0 =	sne.s32 s24, $0x4800;
	s24 =	sadd.s32 $0x400, s24;
	_ =	swait.ge [sflag:s19], $0x4000  }
0x70: {  	s25 =	sshra.s32 s25, $0x2;
	[sflag:s19] =	ssyncset.done $0x0  }
0x71: {  	s26 =	sadd.s32 $0x1400, s25;
	[sflag:s19] =	ssyncadd.s32 $0xFFFFC000  }
0x72: {  	[spmem:s2] =	stream.indirect.scatter.add.f32 [tilespmem:s17], [sflag:$0x3], $0x80, s26, s16, $0xb8;
	[tilespmem:$0x1E800] =	vst v63  }
0x73: {  	_ =	swait.ge [sflag:s14], $0x4000  }
0x74: {  	[sflag:s14] =	ssyncset.done $0x0  }
0x75: {  	s26 =	sadd.s32 $0x100, s25;
	[sflag:s14] =	ssyncadd.s32 $0xFFFFC000  }
0x76: {  	[tilespmem:s17], [sflag:$0x1] =	stream.indirect.gather [hbm4b:s4+s16], $0x80, s26, s16, $0xb8;
	[tilespmem:$0x1E800] =	vst v63  }
0x77: {  	_ =	swait.ge [sflag:s20], $0x4000  }
0x78: {  	[sflag:s20] =	ssyncset.done $0x0  }
.Ltmp1:
0x79: {  	s26 =	sadd.s32 $0x1480, s25;
	[sflag:s20] =	ssyncadd.s32 $0xFFFFC000;
	(pc) =	sbr.rel @p0 .LBB2_4-.Ltmp1, $4  }
0x7a: {  	[spmem:s2] =	stream.indirect.scatter.add.f32 [tilespmem:s18], [sflag:$0x3], $0x80, s26, s16, $0xb8;
	[tilespmem:$0x1E800] =	vst v63  }
0x7b: {  	_ =	swait.ge [sflag:s14], $0x4000  }
0x7c: {  	[sflag:s14] =	ssyncset.done $0x0  }
0x7d: {  	s25 =	sadd.s32 $0x180, s25;
	[sflag:s14] =	ssyncadd.s32 $0xFFFFC000  }
0x7e: {  	[tilespmem:s18], [sflag:$0x2] =	stream.indirect.gather [hbm4b:s4+s16], $0x80, s25, s16, $0xb8;
	[tilespmem:$0x1E800] =	vst v63  }
0x7f: {  	_ =	swait.ge [sflag:s19], $0x4000  }
0x80: {  	[sflag:s19] =	ssyncset.done $0x0  }
0x81: {  	[sflag:s19] =	ssyncadd.s32 $0xFFFFC000  }
0x82: {  	[spmem:s2] =	stream.indirect.scatter.add.f32 [tilespmem:s17], [sflag:$0x3], $0x80, s21, s16, $0xb8;
	[tilespmem:$0x1E800] =	vst v63  }
0x83: {  	_ =	swait.ge [sflag:s14], $0x4000  }
0x84: {  	[sflag:s14] =	ssyncset.done $0x0  }
0x85: {  	[sflag:s14] =	ssyncadd.s32 $0xFFFFC000  }
0x86: {  	_ =	swait.ge [sflag:s20], $0x4000  }
0x87: {  	[sflag:s20] =	ssyncset.done $0x0  }
0x88: {  	[sflag:s20] =	ssyncadd.s32 $0xFFFFC000  }
0x89: {  	[spmem:s2] =	stream.indirect.scatter.add.f32 [tilespmem:s18], [sflag:$0x3], $0x80, s22, s16, $0xb8;
	[tilespmem:$0x1E800] =	vst v63  }
0x8a: {  	_ =	swait.ge [sflag:s14], $0x4000  }
0x8b: {  	s23 =	sadd.s32 $0x1, s23;
	[sflag:s14] =	ssyncset.done $0x0  }
0x8c: {  	p0 =	sne.s32 s23, s12;
	[sflag:s14] =	ssyncadd.s32 $0xFFFFC000  }
.Ltmp2:
0x8d: {  	[bflag:$0x0] =	sbarrier.arrive $0xFFFF;
	(pc) =	sbr.rel @p0 .LBB2_1-.Ltmp2, $4  }
0x8e: {  	[hbm:s11], [sflag:s6] =	dma.local [spmem:s13], $0x2800  }
0x8f: {  	_ =	swait.ge [sflag:s14], $0x2800  }
0x90: {  	[sflag:s14] =	ssyncset.done $0x0  }
0x91: {  	[sflag:s14] =	ssyncadd.s32 $0xFFFFD800  }
0x92: {  	_ =	sfence.sel $0x180000  }
0x93: {  	[bflag:$0x0] =	sbarrier.arrive $0xFFFF  }
0x94: {  	p0 =	sne.s32 s1, $0x0;
	_ =	strace $0x9000004A  }
0x95: {  	s0 =	sadd.s32 @!p0 $0x100000, s0;
	[bflag:$0x2] =	sbarrier.arrive $0xFFFF  }
0x96: {  	[sflag:s0] =	ssyncadd.tile.s32 @!p0 $0x1;
	_ =	shalt  }
.Lfunc_end2:
_tile_overlayer_lowered:
.L_overlay_start_2:
0x97: {  	(tag) =	ssettag $0x2  }
0x98: {  	s0 =	rddreg [dreg:$0x0];
	s2 =	stileid.u32  }
0x99: {  	s1 =	rddreg [dreg:$0x1];
	p0 =	sne.s32 s2, $0x0  }
0x9a: {  	s3 =	rddreg [dreg:$0x2];
	[bflag:$0x3] =	sbarrier.arrive $0xFFFF;
	s2 =	simm.s32 @!p0 $0x1C03  }
0x9b: {  	[timem:s3], [sflag:s2] =	dma.local @!p0 [hbm:s0], s1  }
0x9c: {  	s0 =	simm.s32 @!p0 $0x3  }
0x9d: {  	_ =	swait.ge @!p0 [sflag:s0], s1  }
0x9e: {  	s1 =	ssub.s32 @!p0 $0x0, s1;
	[sflag:s0] =	ssyncset.done @!p0 $0x0  }
0x9f: {  	[sflag:s0] =	ssyncadd.s32 @!p0 s1  }
0xa0: {  	[bflag:$0x3] =	sbarrier.arrive $0xFFFF  }
0xa1: {  	_ =	shalt  }

// kernel: kernel.14.cloned.1.call-start
scs
__scs_entry_jumppad:
0x0: {  	(pc) =	sbr.rel $0x88, $3  }
0x1: {  	(tag) =	ssettag $0x0;
	lr =	simm.s32 $0x1  }
0x2: {  	[smem:$0x3F99] =	sst lr;
	_ =	strace $0xD0000000  }
0x3: {  	_ = 	snop  }
0x4: {  	_ = 	snop  }
0x5: {  	_ = 	snop  }
0x6: {  	_ = 	snop  }
0x7: {  	_ = 	snop  }
__scs_overlays_trampoline_lowered:
0x8: {  	[smem:$0x3FA8] =	sst s0  }
0x9: {  	[smem:$0x3FA9] =	sst s1  }
0xa: {  	[smem:$0x3FAA] =	sst s2  }
0xb: {  	[smem:$0x3FAB] =	sst s3  }
0xc: {  	[smem:$0x3FAC] =	sst s4  }
0xd: {  	[smem:$0x3FAD] =	sst s5  }
0xe: {  	[smem:$0x3FAE] =	sst s6  }
0xf: {  	[smem:$0x3FAF] =	sst s7  }
0x10: {  	[smem:$0x3FB0] =	sst s8  }
0x11: {  	[smem:$0x3FB1] =	sst s9;
	s0 =	simm.s32 @!p0 $0x0  }
0x12: {  	s1 =	sld [smem:$0x3F97];
	s0 =	simm.s32 @p0 $0x1  }
0x13: {  	[smem:$0x3FB2] =	sst s0;
	s0 =	simm.s32 @!p1 $0x0  }
0x14: {  	s2 =	sld [smem:$0x3F96];
	s0 =	simm.s32 @p1 $0x1  }
0x15: {  	[smem:$0x3FB3] =	sst s0;
	s0 =	simm.s32 @!p2 $0x0  }
0x16: {  	s3 =	sld [smem:$0x3FDB];
	s0 =	simm.s32 @p2 $0x1  }
0x17: {  	s4 =	simm.s32 $0x1BF5;
	[smem:$0x3FB5] =	sst s0  }
0x18: {  	s0 =	sld [smem:$0x3F98];
	_ =	swait.ge [sflag:s4], $0x0  }
0x19: {  	s7 =	sld [smem:$0x3F99]  }
0x1a: {  	s8 =	sadd.s32 $0xFFFFE003, lr  }
0x1b: {  	s9 =	sadd.s32 $0xFFFFFEF7, lr;
	s5 =	simm.s32 $0xFFFFFFFF;
	p2 =	slt.u32 s8, $0xFFFFF086  }
0x1c: {  	p1 =	slt.u32 s9, $0xF7A;
	s5 =	simm.s32 @!p2 $0x0  }
0x1d: {  	s5 =	simm.s32 @p1 $0x1;
	p0 =	seq.s32 s7, s2  }
0x1e: {  	s7 =	smul.u32 @!p0 $0xF7A, s2;
	p2 =	seq.s32 @!p0 s5, $0x0  }
0x1f: {  	s9 =	smul.u32 $0xF7A, s1;
	s8 =	simm.s32 @!p0 $0x1BF5;
	p2 =	por !p2, p0  }
0x20: {  	[sflag:s8] =	ssyncset.s32 @!p0 $0xFFFFF086;
	s6 =	sadd.s32 @!p0 s3, s7;
	s7 =	simm.s32 @!p0 $0x108  }
0x21: {  	s3 =	sadd.s32 s3, s9;
	s6 =	sadd.s32 @!p0 $0x88, s6;
	s7 =	simm.s32 @p2 $0x1082  }
0x22: {  	[simem:s7], [sflag:s8] =	dma.local @!p0 [hbm:s6], $0xF7A  }
0x23: {  	s9 =	sor.u32 $0xD0000000, s2;
	s6 =	simm.s32 $0x108;
	_ =	swait.ge @!p0 [sflag:s8], $0x0  }
0x24: {  	s3 =	sadd.s32 $0x88, s3;
	s6 =	simm.s32 @!p1 $0x1082;
	[sflag:s4] =	ssyncset.s32 $0xFFFFF086  }
0x25: {  	[simem:s6], [sflag:s4] =	dma.local [hbm:s3], $0xF7A  }
0x26: {  	[smem:$0x3F99] =	sst s1;
	(tag) =	ssettag s2;
	_ =	strace s9  }
0x27: {  	s1 =	sld [smem:$0x3FA9]  }
0x28: {  	s2 =	sld [smem:$0x3FAA]  }
0x29: {  	s4 =	sld [smem:$0x3FAC]  }
0x2a: {  	p0 =	seq.s32 s5, $0x0;
	s5 =	sld [smem:$0x3FAD]  }
0x2b: {  	s6 =	sld [smem:$0x3FAE]  }
0x2c: {  	s7 =	sld [smem:$0x3FAF]  }
0x2d: {  	s3 =	simm.s32 $0x108;
	s8 =	sld [smem:$0x3FB0]  }
0x2e: {  	s3 =	simm.s32 @!p0 $0x1082;
	s9 =	sld [smem:$0x3FB1]  }
0x2f: {  	lr =	sadd.s32 s0, s3;
	s0 =	sld [smem:$0x3FA8]  }
0x30: {  	s3 =	sld [smem:$0x3FAB]  }
0x31: {  	[smem:$0x3FB4] =	sst s10  }
0x32: {  	s10 =	sld [smem:$0x3FB2];
	_ =	sdelay $0x3  }
0x33: {  	p0 =	seq.s32 s10, $0x1;
	s10 =	sld [smem:$0x3FB4];
	_ =	sdelay $0x3  }
0x34: {  	[smem:$0x3FB4] =	sst s10  }
0x35: {  	s10 =	sld [smem:$0x3FB3];
	_ =	sdelay $0x3  }
0x36: {  	p1 =	seq.s32 s10, $0x1;
	s10 =	sld [smem:$0x3FB4];
	_ =	sdelay $0x3  }
0x37: {  	[smem:$0x3FB4] =	sst s10  }
0x38: {  	s10 =	sld [smem:$0x3FB5]  }
0x39: {  	_ = 	snop;
	(pc) =	sbr.ind lr, $3  }
0x3a: {  	_ = 	snop  }
0x3b: {  	_ = 	snop  }
0x3c: {  	p2 =	seq.s32 s10, $0x1;
	s10 =	sld [smem:$0x3FB4]  }
0x3d: {  	_ =	shalt  }
0x3e: {  	_ =	shalt  }
0x3f: {  	_ =	shalt  }
0x40: {  	_ =	shalt  }
0x41: {  	_ =	shalt  }
0x42: {  	_ =	shalt  }
0x43: {  	_ =	shalt  }
0x44: {  	_ =	shalt  }
0x45: {  	_ =	shalt  }
0x46: {  	_ =	shalt  }
0x47: {  	_ =	shalt  }
0x48: {  	_ =	shalt  }
0x49: {  	_ =	shalt  }
0x4a: {  	_ =	shalt  }
0x4b: {  	_ =	shalt  }
0x4c: {  	_ =	shalt  }
0x4d: {  	_ =	shalt  }
0x4e: {  	_ =	shalt  }
0x4f: {  	_ =	shalt  }
0x50: {  	_ =	shalt  }
0x51: {  	_ =	shalt  }
0x52: {  	_ =	shalt  }
0x53: {  	_ =	shalt  }
0x54: {  	_ =	shalt  }
0x55: {  	_ =	shalt  }
0x56: {  	_ =	shalt  }
0x57: {  	_ =	shalt  }
0x58: {  	_ =	shalt  }
0x59: {  	_ =	shalt  }
0x5a: {  	_ =	shalt  }
0x5b: {  	_ =	shalt  }
0x5c: {  	_ =	shalt  }
0x5d: {  	_ =	shalt  }
0x5e: {  	_ =	shalt  }
0x5f: {  	_ =	shalt  }
0x60: {  	_ =	shalt  }
0x61: {  	_ =	shalt  }
0x62: {  	_ =	shalt  }
0x63: {  	_ =	shalt  }
0x64: {  	_ =	shalt  }
0x65: {  	_ =	shalt  }
0x66: {  	_ =	shalt  }
0x67: {  	_ =	shalt  }
0x68: {  	_ =	shalt  }
0x69: {  	_ =	shalt  }
0x6a: {  	_ =	shalt  }
0x6b: {  	_ =	shalt  }
0x6c: {  	_ =	shalt  }
0x6d: {  	_ =	shalt  }
0x6e: {  	_ =	shalt  }
0x6f: {  	_ =	shalt  }
0x70: {  	_ =	shalt  }
0x71: {  	_ =	shalt  }
0x72: {  	_ =	shalt  }
0x73: {  	_ =	shalt  }
0x74: {  	_ =	shalt  }
0x75: {  	_ =	shalt  }
0x76: {  	_ =	shalt  }
0x77: {  	_ =	shalt  }
0x78: {  	_ =	shalt  }
0x79: {  	_ =	shalt  }
0x7a: {  	_ =	shalt  }
0x7b: {  	_ =	shalt  }
0x7c: {  	_ =	shalt  }
0x7d: {  	_ =	shalt  }
0x7e: {  	_ =	shalt  }
0x7f: {  	_ =	shalt  }
0x80: {  	_ =	shalt  }
0x81: {  	_ =	shalt  }
0x82: {  	_ =	shalt  }
0x83: {  	_ =	shalt  }
0x84: {  	_ =	shalt  }
0x85: {  	_ =	shalt  }
0x86: {  	_ =	shalt  }
0x87: {  	_ =	shalt  }
.Lfunc_end0:
.L_simem_size_0:
called_computation.2_lowered:
.L_overlay_start_0:
0x88: {  	s2 =	sld [smem:$0x3FD9]  }
0x89: {  	s3 =	sld [smem:$0x3FFE];
	_ =	sdelay $0x1  }
0x8a: {  	s1 =	srdreg.scid  }
0x8b: {  	s0 =	sand.u32 $0x1, s1  }
0x8c: {  	s17 =	sshll.u32 s0, $0xA;
	s2 =	sadd.s32 s3, s2  }
0x8d: {  	s2 =	sadd.s32 s2, s17  }
0x8e: {  	[smem:$0x3FC0] =	sst s2  }
0x8f: {  	_ = 	snop  }
0x90: {  	s2 =	sld [smem:$0x3FD0];
	(tm) =	ssettm $0x1  }
0x91: {  	s18 =	sld [smem:$0x3FFB];
	_ =	sdelay $0x3  }
0x92: {  	_ =	strace s18  }
0x93: {  	s3 =	sld [smem:$0x3FFC];
	_ =	sdelay $0x3  }
0x94: {  	_ =	strace s3  }
0x95: {  	s3 =	sld [smem:$0x3FFD];
	_ =	sdelay $0x3  }
0x96: {  	_ =	strace s3  }
0x97: {  	_ =	strace $0x8FFFFFFF  }
0x98: {  	s19 =	sld [smem:$0x3FDB];
	_ =	sdelay $0x1  }
0x99: {  	s4 =	simm.s32 $_scs_section_size  }
0x9a: {  	s5 =	simm.s32 $_size__tile_overlayer_lowered;
	s6 =	simm.s32 $_tile_overlayer_lowered  }
0x9b: {  	s22 =	simm.s32 $0x1BFF;
	s21 =	sshll.u32 s6, $0x1;
	s3 =	sadd.s32 s4, s19  }
0x9c: {  	s7 =	simm.s32 $0x0;
	s20 =	sshll.u32 s5, $0x1;
	s5 =	sadd.s32 s21, s3  }
0x9d: {  	[timem:s7], [sflag:s22] =	dma.local [hbm:s5], s20  }
0x9e: {  	_ =	swait.ge [sflag:s22], s20  }
0x9f: {  	s4 =	ssub.s32 $0x0, s20;
	[sflag:s22] =	ssyncset.done $0x0  }
0xa0: {  	[sflag:s22] =	ssyncadd.s32 s4;
	_ =	sdelay $0x1  }
0xa1: {  	s23 =	simm.s32 $0x1B8B  }
0xa2: {  	_ =	swait.ge [sflag:s23], $0x1  }
0xa3: {  	[sflag:s23] =	ssyncset.done $0x0  }
0xa4: {  	s25 =	simm.s32 $0x1B8E;
	s24 =	sld [smem:$0x3FFE];
	[sflag:s23] =	ssyncadd.s32 $0xFFFFFFFF  }
0xa5: {  	s26 =	simm.s32 $execute0_lowered;
	[smem:$0x3FD2] =	sst s25  }
0xa6: {  	s5 =	sshll.u32 s26, $0x1;
	_ =	strace $0x8000004C;
	[dreg:$0x1] =	wrdreg $0xFFFFFFFF  }
0xa7: {  	s28 =	simm.s32 $_size_execute0_lowered;
	s3 =	sadd.s32 s3, s5;
	[dreg:$0x0] =	wrdreg $0x0  }
0xa8: {  	s5 =	sshll.u32 s28, $0x1;
	[dreg:$0x2] =	wrdreg s3  }
0xa9: {  	[dreg:$0x3] =	wrdreg s5  }
0xaa: {  	[dreg:$0x4] =	wrdreg $0xC0  }
0xab: {  	_ =	task [dreg:s7], $0x5FFFF  }
0xac: {  	[dreg:$0x1] =	wrdreg $0xFFFFFFFF  }
0xad: {  	[dreg:$0x0] =	wrdreg $0x60  }
0xae: {  	[dreg:$0x2] =	wrdreg s24  }
0xaf: {  	[dreg:$0x3] =	wrdreg s2  }
0xb0: {  	[dreg:$0x4] =	wrdreg $0xA8000  }
0xb1: {  	[dreg:$0x5] =	wrdreg $0x9  }
0xb2: {  	_ =	task.clear_ibuf [dreg:s7], $0x6FFFF;
	_ =	strace $0x9000004C  }
0xb3: {  	s29 =	simm.s32 $0x9;
	_ =	strace $0x8000004E  }
0xb4: {  	_ =	swait.ge [sflag:s29], $0x1  }
0xb5: {  	[sflag:s29] =	ssyncadd.s32 $0xFFFFFFFF  }
0xb6: {  	_ =	strace $0x9000004E  }
0xb7: {  	_ =	sfence  }
0xb8: {  	s30 =	sld [smem:$0x0];
	_ =	sdelay $0x2  }
0xb9: {  	s31 =	sshll.u32 s1, $0xD;
	s1 =	sshrl.u32 s1, $0x2  }
0xba: {  	s3 =	sand.u32 $0x4000, s31;
	s1 =	sadd.s32 s1, s30  }
0xbb: {  	s0 =	sor.u32 s3, s0;
	s1 =	sshll.u32 s1, $0x11  }
0xbc: {  	s0 =	sor.u32 s1, s0  }
0xbd: {  	s0 =	sadd.s32 $0x8F2B, s0  }
0xbe: {  	[sflag:s0] =	ssyncadd.remote.s32 $0x1  }
0xbf: {  	_ =	sfence.sel $0xFFFF  }
0xc0: {  	[dreg:$0x0] =	wrdreg $0xFFFFFFFF;
	(pc) =	sbr.abs _section_cstart, $3  }
0xc1: {  	[dreg:$0x1] =	wrdreg $0xFFFFFFFF  }
0xc2: {  	_ =	task.clear_ibuf [dreg:s7], $0x2FFFF;
	_ =	strace $0x9FFFFFFF  }
0xc3: {  	(tm) =	ssettm $0x7FFFFFFF  }
tec
execute0_lowered:
.L_overlay_start_1:
0x0: {  	(tag) =	ssettag $0x1  }
0x1: {  	s5 =	rddreg [dreg:$0x0]  }
0x2: {  	s9 =	rddreg [dreg:$0x1]  }
0x3: {  	s2 =	rddreg [dreg:$0x2]  }
0x4: {  	s0 =	rddreg [dreg:$0x3];
	s1 =	stileid.u32  }
0x5: {  	s4 =	srdreg.scid;
	s3 =	simm.s32 $0x0;
	s16 =	simm.s32 $0x80  }
0x6: {  	s17 =	simm.s32 $0x2800;
	s18 =	simm.s32 $0x6800;
	s19 =	simm.s32 $0x1  }
0x7: {  	s20 =	simm.s32 $0x2;
	s21 =	simm.s32 $0x2700;
	s22 =	simm.s32 $0x2780  }
0x8: {  	s23 =	simm.s32 $0x0;
	s6 =	smul.u32 $0x14000, s1;
	s7 =	sand.u32 $0x1, s4  }
0x9: {  	[smem:$0x7FF] =	sst s3;
	s4 =	sadd.s32 $0x34A00, s5;
	s11 =	sadd.s32 $0x2A00, s5  }
0xa: {  	s25 =	smul.u32 $0x50000, s1;
	s12 =	sshll.u32 s1, $0x1;
	s30 =	sshll.u32 s1, $0x6  }
0xb: {  	s8 =	smul.u32 $0x140000, s7;
	_ =	strace $0x8000004D;
	s26 =	ssub.s32 $0x2, s7  }
0xc: {  	s28 =	sor.u32 s7, s12;
	s10 =	sshrl.u32 s6, $0x3;
	s29 =	sshrl.u32 s26, $0x1  }
0xd: {  	s12 =	smul.u32 $0x2800, s28;
	s10 =	sadd.s32 s10, s5;
	s6 =	sadd.s32 s6, s8  }
0xe: {  	s8 =	sshrl.u32 s25, $0x2;
	s14 =	ssub.s32 s26, s29;
	s6 =	sshrl.u32 s6, $0x3  }
0xf: {  	s15 =	sadd.s32 s8, s2;
	s31 =	sshrl.u32 s12, $0x3;
	s12 =	smax.u32 s14, $0x1  }
0x10: {  	s14 =	simm.s32 $0x3;
	s13 =	sadd.s32 s6, s5;
	s5 =	sadd.s32 $0xCA00, s10  }
0x11: {  	s6 =	sor.u32 $0x1C03, s30;
	s7 =	sadd.s32 s9, s31;
	s10 =	sadd.s32 $0x280, s31  }
0x12: {  	s8 =	sadd.s32 s11, s31;
	s9 =	sadd.s32 s9, s10;
	s10 =	sadd.s32 s11, s10  }
0x13: {  	s11 =	sadd.s32 $0x5CA00, s13;
	s13 =	sshrl.u32 s15, $0x3;
	s15 =	simm.s32 $0x1400  }
.LBB2_1:
0x14: {  	[spmem:s13], [sflag:s6] =	dma.local [hbm:s5], $0x2800  }
0x15: {  	_ =	swait.ge [sflag:s14], $0x2800  }
0x16: {  	[sflag:s14] =	ssyncset.done $0x0  }
0x17: {  	[sflag:s14] =	ssyncadd.s32 $0xFFFFD800  }
0x18: {  	[bflag:$0x0] =	sbarrier.arrive $0xFFFF  }
0x19: {  	[tilespmem:s3], [sflag:$0x3] =	stream.linear.gather [hbm4b:s7+s3], $0x1400, $0x38;
	[tilespmem:$0x1E800] =	vst v63  }
0x1a: {  	_ =	swait.ge [sflag:s14], $0x1400  }
0x1b: {  	[sflag:s14] =	ssyncset.done $0x0  }
0x1c: {  	[sflag:s14] =	ssyncadd.s32 $0xFFFFEC00  }
0x1d: {  	[tilespmem:s15], [sflag:$0x3] =	stream.linear.gather [hbm4b:s8+s3], $0x1400, $0x38;
	[tilespmem:$0x1E800] =	vst v63  }
0x1e: {  	_ =	swait.ge [sflag:s14], $0x1400  }
0x1f: {  	[sflag:s14] =	ssyncset.done $0x0  }
0x20: {  	[sflag:s14] =	ssyncadd.s32 $0xFFFFEC00  }
0x21: {  	[tilespmem:s17], [sflag:$0x1] =	stream.indirect.gather [hbm4b:s4+s16], $0x80, s3, s16, $0xb8;
	[tilespmem:$0x1E800] =	vst v63  }
0x22: {  	_ = 	snop  }
0x23: {  	[tilespmem:s18], [sflag:$0x2] =	stream.indirect.gather [hbm4b:s4+s16], $0x80, s16, s16, $0xb8;
	[tilespmem:$0x1E800] =	vst v63  }
0x24: {  	_ =	swait.ge [sflag:s19], $0x4000  }
0x25: {  	[sflag:s19] =	ssyncset.done $0x0  }
0x26: {  	s24 =	simm.s32 $0x1400;
	[sflag:s19] =	ssyncadd.s32 $0xFFFFC000  }
0x27: {  	[spmem:s2] =	stream.indirect.scatter.add.f32 [tilespmem:s17], [sflag:$0x3], $0x80, s24, s16, $0xb8;
	[tilespmem:$0x1E800] =	vst v63  }
0x28: {  	_ =	swait.ge [sflag:s14], $0x4000  }
0x29: {  	[sflag:s14] =	ssyncset.done $0x0  }
0x2a: {  	s30 =	simm.s32 $0x100;
	[sflag:s14] =	ssyncadd.s32 $0xFFFFC000  }
0x2b: {  	[tilespmem:s17], [sflag:$0x1] =	stream.indirect.gather [hbm4b:s4+s16], $0x80, s30, s16, $0xb8;
	[tilespmem:$0x1E800] =	vst v63  }
0x2c: {  	_ =	swait.ge [sflag:s20], $0x4000  }
0x2d: {  	[sflag:s20] =	ssyncset.done $0x0  }
0x2e: {  	s31 =	simm.s32 $0x1480;
	[sflag:s20] =	ssyncadd.s32 $0xFFFFC000  }
0x2f: {  	[spmem:s2] =	stream.indirect.scatter.add.f32 [tilespmem:s18], [sflag:$0x3], $0x80, s31, s16, $0xb8;
	[tilespmem:$0x1E800] =	vst v63  }
0x30: {  	_ =	swait.ge [sflag:s14], $0x4000  }
0x31: {  	[sflag:s14] =	ssyncset.done $0x0  }
0x32: {  	s25 =	simm.s32 $0x180;
	s24 =	simm.s32 $0x400;
	[sflag:s14] =	ssyncadd.s32 $0xFFFFC000  }
.LBB2_2:
0x33: {  	[tilespmem:s18], [sflag:$0x2] =	stream.indirect.gather [hbm4b:s4+s16], $0x80, s25, s16, $0xb8;
	[tilespmem:$0x1E800] =	vst v63  }
0x34: {  	s25 =	smov.u32 s24  }
0x35: {  	p0 =	sne.s32 s24, $0x4800;
	s24 =	sadd.s32 $0x400, s24;
	_ =	swait.ge [sflag:s19], $0x4000  }
0x36: {  	s25 =	sshra.s32 s25, $0x2;
	[sflag:s19] =	ssyncset.done $0x0  }
0x37: {  	s26 =	sadd.s32 $0x1400, s25;
	[sflag:s19] =	ssyncadd.s32 $0xFFFFC000  }
0x38: {  	[spmem:s2] =	stream.indirect.scatter.add.f32 [tilespmem:s17], [sflag:$0x3], $0x80, s26, s16, $0xb8;
	[tilespmem:$0x1E800] =	vst v63  }
0x39: {  	_ =	swait.ge [sflag:s14], $0x4000  }
0x3a: {  	[sflag:s14] =	ssyncset.done $0x0  }
0x3b: {  	s26 =	sadd.s32 $0x100, s25;
	[sflag:s14] =	ssyncadd.s32 $0xFFFFC000  }
0x3c: {  	[tilespmem:s17], [sflag:$0x1] =	stream.indirect.gather [hbm4b:s4+s16], $0x80, s26, s16, $0xb8;
	[tilespmem:$0x1E800] =	vst v63  }
0x3d: {  	_ =	swait.ge [sflag:s20], $0x4000  }
0x3e: {  	[sflag:s20] =	ssyncset.done $0x0  }
.Ltmp0:
0x3f: {  	s26 =	sadd.s32 $0x1480, s25;
	[sflag:s20] =	ssyncadd.s32 $0xFFFFC000;
	(pc) =	sbr.rel @p0 .LBB2_2-.Ltmp0, $4  }
0x40: {  	[spmem:s2] =	stream.indirect.scatter.add.f32 [tilespmem:s18], [sflag:$0x3], $0x80, s26, s16, $0xb8;
	[tilespmem:$0x1E800] =	vst v63  }
0x41: {  	_ =	swait.ge [sflag:s14], $0x4000  }
0x42: {  	[sflag:s14] =	ssyncset.done $0x0  }
0x43: {  	s25 =	sadd.s32 $0x180, s25;
	[sflag:s14] =	ssyncadd.s32 $0xFFFFC000  }
0x44: {  	[tilespmem:s18], [sflag:$0x2] =	stream.indirect.gather [hbm4b:s4+s16], $0x80, s25, s16, $0xb8;
	[tilespmem:$0x1E800] =	vst v63  }
0x45: {  	_ =	swait.ge [sflag:s19], $0x4000  }
0x46: {  	[sflag:s19] =	ssyncset.done $0x0  }
0x47: {  	[sflag:s19] =	ssyncadd.s32 $0xFFFFC000  }
0x48: {  	[spmem:s2] =	stream.indirect.scatter.add.f32 [tilespmem:s17], [sflag:$0x3], $0x80, s21, s16, $0xb8;
	[tilespmem:$0x1E800] =	vst v63  }
0x49: {  	_ =	swait.ge [sflag:s14], $0x4000  }
0x4a: {  	[sflag:s14] =	ssyncset.done $0x0  }
0x4b: {  	[sflag:s14] =	ssyncadd.s32 $0xFFFFC000  }
0x4c: {  	_ =	swait.ge [sflag:s20], $0x4000  }
0x4d: {  	[sflag:s20] =	ssyncset.done $0x0  }
0x4e: {  	[sflag:s20] =	ssyncadd.s32 $0xFFFFC000  }
0x4f: {  	[spmem:s2] =	stream.indirect.scatter.add.f32 [tilespmem:s18], [sflag:$0x3], $0x80, s22, s16, $0xb8;
	[tilespmem:$0x1E800] =	vst v63  }
0x50: {  	_ =	swait.ge [sflag:s14], $0x4000  }
0x51: {  	[sflag:s14] =	ssyncset.done $0x0  }
0x52: {  	s24 =	simm.s32 $0x0;
	[sflag:s14] =	ssyncadd.s32 $0xFFFFC000  }
0x53: {  	[tilespmem:s24], [sflag:$0x3] =	stream.linear.gather [hbm4b:s9+s24], $0x1400, $0x38;
	[tilespmem:$0x1E800] =	vst v63  }
0x54: {  	_ =	swait.ge [sflag:s14], $0x1400  }
0x55: {  	[sflag:s14] =	ssyncset.done $0x0  }
0x56: {  	[sflag:s14] =	ssyncadd.s32 $0xFFFFEC00  }
0x57: {  	[tilespmem:s15], [sflag:$0x3] =	stream.linear.gather [hbm4b:s10+s24], $0x1400, $0x38;
	[tilespmem:$0x1E800] =	vst v63  }
0x58: {  	_ =	swait.ge [sflag:s14], $0x1400  }
0x59: {  	[sflag:s14] =	ssyncset.done $0x0  }
0x5a: {  	[sflag:s14] =	ssyncadd.s32 $0xFFFFEC00  }
0x5b: {  	[tilespmem:s17], [sflag:$0x1] =	stream.indirect.gather [hbm4b:s4+s16], $0x80, s24, s16, $0xb8;
	[tilespmem:$0x1E800] =	vst v63  }
0x5c: {  	_ = 	snop  }
0x5d: {  	[tilespmem:s18], [sflag:$0x2] =	stream.indirect.gather [hbm4b:s4+s16], $0x80, s16, s16, $0xb8;
	[tilespmem:$0x1E800] =	vst v63  }
0x5e: {  	_ =	swait.ge [sflag:s19], $0x4000  }
0x5f: {  	[sflag:s19] =	ssyncset.done $0x0  }
0x60: {  	s29 =	simm.s32 $0x1400;
	[sflag:s19] =	ssyncadd.s32 $0xFFFFC000  }
0x61: {  	[spmem:s2] =	stream.indirect.scatter.add.f32 [tilespmem:s17], [sflag:$0x3], $0x80, s29, s16, $0xb8;
	[tilespmem:$0x1E800] =	vst v63  }
0x62: {  	_ =	swait.ge [sflag:s14], $0x4000  }
0x63: {  	[sflag:s14] =	ssyncset.done $0x0  }
0x64: {  	s30 =	simm.s32 $0x100;
	[sflag:s14] =	ssyncadd.s32 $0xFFFFC000  }
0x65: {  	[tilespmem:s17], [sflag:$0x1] =	stream.indirect.gather [hbm4b:s4+s16], $0x80, s30, s16, $0xb8;
	[tilespmem:$0x1E800] =	vst v63  }
0x66: {  	_ =	swait.ge [sflag:s20], $0x4000  }
0x67: {  	[sflag:s20] =	ssyncset.done $0x0  }
0x68: {  	s31 =	simm.s32 $0x1480;
	[sflag:s20] =	ssyncadd.s32 $0xFFFFC000  }
0x69: {  	[spmem:s2] =	stream.indirect.scatter.add.f32 [tilespmem:s18], [sflag:$0x3], $0x80, s31, s16, $0xb8;
	[tilespmem:$0x1E800] =	vst v63  }
0x6a: {  	_ =	swait.ge [sflag:s14], $0x4000  }
0x6b: {  	[sflag:s14] =	ssyncset.done $0x0  }
0x6c: {  	s25 =	simm.s32 $0x180;
	s24 =	simm.s32 $0x400;
	[sflag:s14] =	ssyncadd.s32 $0xFFFFC000  }
.LBB2_4:
0x6d: {  	[tilespmem:s18], [sflag:$0x2] =	stream.indirect.gather [hbm4b:s4+s16], $0x80, s25, s16, $0xb8;
	[tilespmem:$0x1E800] =	vst v63  }
0x6e: {  	s25 =	smov.u32 s24  }
0x6f: {  	p0 =	sne.s32 s24, $0x4800;
	s24 =	sadd.s32 $0x400, s24;
	_ =	swait.ge [sflag:s19], $0x4000  }
0x70: {  	s25 =	sshra.s32 s25, $0x2;
	[sflag:s19] =	ssyncset.done $0x0  }
0x71: {  	s26 =	sadd.s32 $0x1400, s25;
	[sflag:s19] =	ssyncadd.s32 $0xFFFFC000  }
0x72: {  	[spmem:s2] =	stream.indirect.scatter.add.f32 [tilespmem:s17], [sflag:$0x3], $0x80, s26, s16, $0xb8;
	[tilespmem:$0x1E800] =	vst v63  }
0x73: {  	_ =	swait.ge [sflag:s14], $0x4000  }
0x74: {  	[sflag:s14] =	ssyncset.done $0x0  }
0x75: {  	s26 =	sadd.s32 $0x100, s25;
	[sflag:s14] =	ssyncadd.s32 $0xFFFFC000  }
0x76: {  	[tilespmem:s17], [sflag:$0x1] =	stream.indirect.gather [hbm4b:s4+s16], $0x80, s26, s16, $0xb8;
	[tilespmem:$0x1E800] =	vst v63  }
0x77: {  	_ =	swait.ge [sflag:s20], $0x4000  }
0x78: {  	[sflag:s20] =	ssyncset.done $0x0  }
.Ltmp1:
0x79: {  	s26 =	sadd.s32 $0x1480, s25;
	[sflag:s20] =	ssyncadd.s32 $0xFFFFC000;
	(pc) =	sbr.rel @p0 .LBB2_4-.Ltmp1, $4  }
0x7a: {  	[spmem:s2] =	stream.indirect.scatter.add.f32 [tilespmem:s18], [sflag:$0x3], $0x80, s26, s16, $0xb8;
	[tilespmem:$0x1E800] =	vst v63  }
0x7b: {  	_ =	swait.ge [sflag:s14], $0x4000  }
0x7c: {  	[sflag:s14] =	ssyncset.done $0x0  }
0x7d: {  	s25 =	sadd.s32 $0x180, s25;
	[sflag:s14] =	ssyncadd.s32 $0xFFFFC000  }
0x7e: {  	[tilespmem:s18], [sflag:$0x2] =	stream.indirect.gather [hbm4b:s4+s16], $0x80, s25, s16, $0xb8;
	[tilespmem:$0x1E800] =	vst v63  }
0x7f: {  	_ =	swait.ge [sflag:s19], $0x4000  }
0x80: {  	[sflag:s19] =	ssyncset.done $0x0  }
0x81: {  	[sflag:s19] =	ssyncadd.s32 $0xFFFFC000  }
0x82: {  	[spmem:s2] =	stream.indirect.scatter.add.f32 [tilespmem:s17], [sflag:$0x3], $0x80, s21, s16, $0xb8;
	[tilespmem:$0x1E800] =	vst v63  }
0x83: {  	_ =	swait.ge [sflag:s14], $0x4000  }
0x84: {  	[sflag:s14] =	ssyncset.done $0x0  }
0x85: {  	[sflag:s14] =	ssyncadd.s32 $0xFFFFC000  }
0x86: {  	_ =	swait.ge [sflag:s20], $0x4000  }
0x87: {  	[sflag:s20] =	ssyncset.done $0x0  }
0x88: {  	[sflag:s20] =	ssyncadd.s32 $0xFFFFC000  }
0x89: {  	[spmem:s2] =	stream.indirect.scatter.add.f32 [tilespmem:s18], [sflag:$0x3], $0x80, s22, s16, $0xb8;
	[tilespmem:$0x1E800] =	vst v63  }
0x8a: {  	_ =	swait.ge [sflag:s14], $0x4000  }
0x8b: {  	s23 =	sadd.s32 $0x1, s23;
	[sflag:s14] =	ssyncset.done $0x0  }
0x8c: {  	p0 =	sne.s32 s23, s12;
	[sflag:s14] =	ssyncadd.s32 $0xFFFFC000  }
.Ltmp2:
0x8d: {  	[bflag:$0x0] =	sbarrier.arrive $0xFFFF;
	(pc) =	sbr.rel @p0 .LBB2_1-.Ltmp2, $4  }
0x8e: {  	[hbm:s11], [sflag:s6] =	dma.local [spmem:s13], $0x2800  }
0x8f: {  	_ =	swait.ge [sflag:s14], $0x2800  }
0x90: {  	[sflag:s14] =	ssyncset.done $0x0  }
0x91: {  	[sflag:s14] =	ssyncadd.s32 $0xFFFFD800  }
0x92: {  	_ =	sfence.sel $0x180000  }
0x93: {  	[bflag:$0x0] =	sbarrier.arrive $0xFFFF  }
0x94: {  	p0 =	sne.s32 s1, $0x0;
	_ =	strace $0x9000004D  }
0x95: {  	s0 =	sadd.s32 @!p0 $0x100000, s0;
	[bflag:$0x2] =	sbarrier.arrive $0xFFFF  }
0x96: {  	[sflag:s0] =	ssyncadd.tile.s32 @!p0 $0x1;
	_ =	shalt  }
.Lfunc_end2:
_tile_overlayer_lowered:
.L_overlay_start_2:
0x97: {  	(tag) =	ssettag $0x2  }
0x98: {  	s0 =	rddreg [dreg:$0x0];
	s2 =	stileid.u32  }
0x99: {  	s1 =	rddreg [dreg:$0x1];
	p0 =	sne.s32 s2, $0x0  }
0x9a: {  	s3 =	rddreg [dreg:$0x2];
	[bflag:$0x3] =	sbarrier.arrive $0xFFFF;
	s2 =	simm.s32 @!p0 $0x1C03  }
0x9b: {  	[timem:s3], [sflag:s2] =	dma.local @!p0 [hbm:s0], s1  }
0x9c: {  	s0 =	simm.s32 @!p0 $0x3  }
0x9d: {  	_ =	swait.ge @!p0 [sflag:s0], s1  }
0x9e: {  	s1 =	ssub.s32 @!p0 $0x0, s1;
	[sflag:s0] =	ssyncset.done @!p0 $0x0  }
0x9f: {  	[sflag:s0] =	ssyncadd.s32 @!p0 s1  }
0xa0: {  	[bflag:$0x3] =	sbarrier.arrive $0xFFFF  }
0xa1: {  	_ =	shalt  }

// kernel: kernel.8.cloned.1.call-start
scs
__scs_entry_jumppad:
0x0: {  	(pc) =	sbr.rel $0x88, $3  }
0x1: {  	(tag) =	ssettag $0x0;
	lr =	simm.s32 $0x1  }
0x2: {  	[smem:$0x3F99] =	sst lr;
	_ =	strace $0xD0000000  }
0x3: {  	_ = 	snop  }
0x4: {  	_ = 	snop  }
0x5: {  	_ = 	snop  }
0x6: {  	_ = 	snop  }
0x7: {  	_ = 	snop  }
__scs_overlays_trampoline_lowered:
0x8: {  	[smem:$0x3FA8] =	sst s0  }
0x9: {  	[smem:$0x3FA9] =	sst s1  }
0xa: {  	[smem:$0x3FAA] =	sst s2  }
0xb: {  	[smem:$0x3FAB] =	sst s3  }
0xc: {  	[smem:$0x3FAC] =	sst s4  }
0xd: {  	[smem:$0x3FAD] =	sst s5  }
0xe: {  	[smem:$0x3FAE] =	sst s6  }
0xf: {  	[smem:$0x3FAF] =	sst s7  }
0x10: {  	[smem:$0x3FB0] =	sst s8  }
0x11: {  	[smem:$0x3FB1] =	sst s9;
	s0 =	simm.s32 @!p0 $0x0  }
0x12: {  	s1 =	sld [smem:$0x3F97];
	s0 =	simm.s32 @p0 $0x1  }
0x13: {  	[smem:$0x3FB2] =	sst s0;
	s0 =	simm.s32 @!p1 $0x0  }
0x14: {  	s2 =	sld [smem:$0x3F96];
	s0 =	simm.s32 @p1 $0x1  }
0x15: {  	[smem:$0x3FB3] =	sst s0;
	s0 =	simm.s32 @!p2 $0x0  }
0x16: {  	s3 =	sld [smem:$0x3FDB];
	s0 =	simm.s32 @p2 $0x1  }
0x17: {  	s4 =	simm.s32 $0x1BF5;
	[smem:$0x3FB5] =	sst s0  }
0x18: {  	s0 =	sld [smem:$0x3F98];
	_ =	swait.ge [sflag:s4], $0x0  }
0x19: {  	s7 =	sld [smem:$0x3F99]  }
0x1a: {  	s8 =	sadd.s32 $0xFFFFE003, lr  }
0x1b: {  	s9 =	sadd.s32 $0xFFFFFEF7, lr;
	s5 =	simm.s32 $0xFFFFFFFF;
	p2 =	slt.u32 s8, $0xFFFFF086  }
0x1c: {  	p1 =	slt.u32 s9, $0xF7A;
	s5 =	simm.s32 @!p2 $0x0  }
0x1d: {  	s5 =	simm.s32 @p1 $0x1;
	p0 =	seq.s32 s7, s2  }
0x1e: {  	s7 =	smul.u32 @!p0 $0xF7A, s2;
	p2 =	seq.s32 @!p0 s5, $0x0  }
0x1f: {  	s9 =	smul.u32 $0xF7A, s1;
	s8 =	simm.s32 @!p0 $0x1BF5;
	p2 =	por !p2, p0  }
0x20: {  	[sflag:s8] =	ssyncset.s32 @!p0 $0xFFFFF086;
	s6 =	sadd.s32 @!p0 s3, s7;
	s7 =	simm.s32 @!p0 $0x108  }
0x21: {  	s3 =	sadd.s32 s3, s9;
	s6 =	sadd.s32 @!p0 $0x88, s6;
	s7 =	simm.s32 @p2 $0x1082  }
0x22: {  	[simem:s7], [sflag:s8] =	dma.local @!p0 [hbm:s6], $0xF7A  }
0x23: {  	s9 =	sor.u32 $0xD0000000, s2;
	s6 =	simm.s32 $0x108;
	_ =	swait.ge @!p0 [sflag:s8], $0x0  }
0x24: {  	s3 =	sadd.s32 $0x88, s3;
	s6 =	simm.s32 @!p1 $0x1082;
	[sflag:s4] =	ssyncset.s32 $0xFFFFF086  }
0x25: {  	[simem:s6], [sflag:s4] =	dma.local [hbm:s3], $0xF7A  }
0x26: {  	[smem:$0x3F99] =	sst s1;
	(tag) =	ssettag s2;
	_ =	strace s9  }
0x27: {  	s1 =	sld [smem:$0x3FA9]  }
0x28: {  	s2 =	sld [smem:$0x3FAA]  }
0x29: {  	s4 =	sld [smem:$0x3FAC]  }
0x2a: {  	p0 =	seq.s32 s5, $0x0;
	s5 =	sld [smem:$0x3FAD]  }
0x2b: {  	s6 =	sld [smem:$0x3FAE]  }
0x2c: {  	s7 =	sld [smem:$0x3FAF]  }
0x2d: {  	s3 =	simm.s32 $0x108;
	s8 =	sld [smem:$0x3FB0]  }
0x2e: {  	s3 =	simm.s32 @!p0 $0x1082;
	s9 =	sld [smem:$0x3FB1]  }
0x2f: {  	lr =	sadd.s32 s0, s3;
	s0 =	sld [smem:$0x3FA8]  }
0x30: {  	s3 =	sld [smem:$0x3FAB]  }
0x31: {  	[smem:$0x3FB4] =	sst s10  }
0x32: {  	s10 =	sld [smem:$0x3FB2];
	_ =	sdelay $0x3  }
0x33: {  	p0 =	seq.s32 s10, $0x1;
	s10 =	sld [smem:$0x3FB4];
	_ =	sdelay $0x3  }
0x34: {  	[smem:$0x3FB4] =	sst s10  }
0x35: {  	s10 =	sld [smem:$0x3FB3];
	_ =	sdelay $0x3  }
0x36: {  	p1 =	seq.s32 s10, $0x1;
	s10 =	sld [smem:$0x3FB4];
	_ =	sdelay $0x3  }
0x37: {  	[smem:$0x3FB4] =	sst s10  }
0x38: {  	s10 =	sld [smem:$0x3FB5]  }
0x39: {  	_ = 	snop;
	(pc) =	sbr.ind lr, $3  }
0x3a: {  	_ = 	snop  }
0x3b: {  	_ = 	snop  }
0x3c: {  	p2 =	seq.s32 s10, $0x1;
	s10 =	sld [smem:$0x3FB4]  }
0x3d: {  	_ =	shalt  }
0x3e: {  	_ =	shalt  }
0x3f: {  	_ =	shalt  }
0x40: {  	_ =	shalt  }
0x41: {  	_ =	shalt  }
0x42: {  	_ =	shalt  }
0x43: {  	_ =	shalt  }
0x44: {  	_ =	shalt  }
0x45: {  	_ =	shalt  }
0x46: {  	_ =	shalt  }
0x47: {  	_ =	shalt  }
0x48: {  	_ =	shalt  }
0x49: {  	_ =	shalt  }
0x4a: {  	_ =	shalt  }
0x4b: {  	_ =	shalt  }
0x4c: {  	_ =	shalt  }
0x4d: {  	_ =	shalt  }
0x4e: {  	_ =	shalt  }
0x4f: {  	_ =	shalt  }
0x50: {  	_ =	shalt  }
0x51: {  	_ =	shalt  }
0x52: {  	_ =	shalt  }
0x53: {  	_ =	shalt  }
0x54: {  	_ =	shalt  }
0x55: {  	_ =	shalt  }
0x56: {  	_ =	shalt  }
0x57: {  	_ =	shalt  }
0x58: {  	_ =	shalt  }
0x59: {  	_ =	shalt  }
0x5a: {  	_ =	shalt  }
0x5b: {  	_ =	shalt  }
0x5c: {  	_ =	shalt  }
0x5d: {  	_ =	shalt  }
0x5e: {  	_ =	shalt  }
0x5f: {  	_ =	shalt  }
0x60: {  	_ =	shalt  }
0x61: {  	_ =	shalt  }
0x62: {  	_ =	shalt  }
0x63: {  	_ =	shalt  }
0x64: {  	_ =	shalt  }
0x65: {  	_ =	shalt  }
0x66: {  	_ =	shalt  }
0x67: {  	_ =	shalt  }
0x68: {  	_ =	shalt  }
0x69: {  	_ =	shalt  }
0x6a: {  	_ =	shalt  }
0x6b: {  	_ =	shalt  }
0x6c: {  	_ =	shalt  }
0x6d: {  	_ =	shalt  }
0x6e: {  	_ =	shalt  }
0x6f: {  	_ =	shalt  }
0x70: {  	_ =	shalt  }
0x71: {  	_ =	shalt  }
0x72: {  	_ =	shalt  }
0x73: {  	_ =	shalt  }
0x74: {  	_ =	shalt  }
0x75: {  	_ =	shalt  }
0x76: {  	_ =	shalt  }
0x77: {  	_ =	shalt  }
0x78: {  	_ =	shalt  }
0x79: {  	_ =	shalt  }
0x7a: {  	_ =	shalt  }
0x7b: {  	_ =	shalt  }
0x7c: {  	_ =	shalt  }
0x7d: {  	_ =	shalt  }
0x7e: {  	_ =	shalt  }
0x7f: {  	_ =	shalt  }
0x80: {  	_ =	shalt  }
0x81: {  	_ =	shalt  }
0x82: {  	_ =	shalt  }
0x83: {  	_ =	shalt  }
0x84: {  	_ =	shalt  }
0x85: {  	_ =	shalt  }
0x86: {  	_ =	shalt  }
0x87: {  	_ =	shalt  }
.Lfunc_end0:
.L_simem_size_0:
called_computation_lowered:
.L_overlay_start_0:
0x88: {  	s2 =	sld [smem:$0x3FD9]  }
0x89: {  	s3 =	sld [smem:$0x3FFE];
	_ =	sdelay $0x1  }
0x8a: {  	s1 =	srdreg.scid  }
0x8b: {  	s0 =	sand.u32 $0x1, s1  }
0x8c: {  	s16 =	sshll.u32 s0, $0xA;
	s2 =	sadd.s32 s3, s2  }
0x8d: {  	s2 =	sadd.s32 s2, s16  }
0x8e: {  	[smem:$0x3FC0] =	sst s2  }
0x8f: {  	_ = 	snop  }
0x90: {  	(tm) =	ssettm $0x1  }
0x91: {  	s17 =	sld [smem:$0x3FFB];
	_ =	sdelay $0x3  }
0x92: {  	_ =	strace s17  }
0x93: {  	s2 =	sld [smem:$0x3FFC];
	_ =	sdelay $0x3  }
0x94: {  	_ =	strace s2  }
0x95: {  	s2 =	sld [smem:$0x3FFD];
	_ =	sdelay $0x3  }
0x96: {  	_ =	strace s2  }
0x97: {  	_ =	strace $0x8FFFFFFF  }
0x98: {  	s18 =	sld [smem:$0x3FDB];
	_ =	sdelay $0x1  }
0x99: {  	s19 =	simm.s32 $_scs_section_size  }
0x9a: {  	s4 =	simm.s32 $_size__tile_overlayer_lowered;
	s5 =	simm.s32 $_tile_overlayer_lowered  }
0x9b: {  	s22 =	simm.s32 $0x1BFF;
	s21 =	sshll.u32 s5, $0x1;
	s2 =	sadd.s32 s19, s18  }
0x9c: {  	s6 =	simm.s32 $0x0;
	s20 =	sshll.u32 s4, $0x1;
	s4 =	sadd.s32 s21, s2  }
0x9d: {  	[timem:s6], [sflag:s22] =	dma.local [hbm:s4], s20  }
0x9e: {  	_ =	swait.ge [sflag:s22], s20  }
0x9f: {  	s3 =	ssub.s32 $0x0, s20;
	[sflag:s22] =	ssyncset.done $0x0  }
0xa0: {  	[sflag:s22] =	ssyncadd.s32 s3;
	_ =	sdelay $0x1  }
0xa1: {  	s23 =	simm.s32 $0x1B8B  }
0xa2: {  	_ =	swait.ge [sflag:s23], $0x1  }
0xa3: {  	[sflag:s23] =	ssyncset.done $0x0  }
0xa4: {  	s25 =	simm.s32 $0x1B8E;
	s24 =	sld [smem:$0x3FFE];
	[sflag:s23] =	ssyncadd.s32 $0xFFFFFFFF  }
0xa5: {  	s26 =	simm.s32 $execute0_lowered;
	[smem:$0x3FD2] =	sst s25  }
0xa6: {  	s4 =	sshll.u32 s26, $0x1;
	_ =	strace $0x80000046;
	[dreg:$0x1] =	wrdreg $0xFFFFFFFF  }
0xa7: {  	s28 =	simm.s32 $_size_execute0_lowered;
	s2 =	sadd.s32 s2, s4;
	[dreg:$0x0] =	wrdreg $0x0  }
0xa8: {  	s4 =	sshll.u32 s28, $0x1;
	[dreg:$0x2] =	wrdreg s2  }
0xa9: {  	[dreg:$0x3] =	wrdreg s4  }
0xaa: {  	[dreg:$0x4] =	wrdreg $0xC0  }
0xab: {  	_ =	task [dreg:s6], $0x5FFFF  }
0xac: {  	[dreg:$0x1] =	wrdreg $0xFFFFFFFF  }
0xad: {  	[dreg:$0x0] =	wrdreg $0x60  }
0xae: {  	[dreg:$0x2] =	wrdreg s24  }
0xaf: {  	[dreg:$0x3] =	wrdreg $0x68000  }
0xb0: {  	[dreg:$0x4] =	wrdreg $0x9  }
0xb1: {  	_ =	task.clear_ibuf [dreg:s6], $0x5FFFF;
	_ =	strace $0x90000046  }
0xb2: {  	s29 =	simm.s32 $0x9;
	_ =	strace $0x80000048  }
0xb3: {  	_ =	swait.ge [sflag:s29], $0x1  }
0xb4: {  	[sflag:s29] =	ssyncadd.s32 $0xFFFFFFFF  }
0xb5: {  	_ =	strace $0x90000048  }
0xb6: {  	_ =	sfence  }
0xb7: {  	s30 =	sld [smem:$0x0];
	_ =	sdelay $0x2  }
0xb8: {  	s31 =	sshll.u32 s1, $0xD;
	s1 =	sshrl.u32 s1, $0x2  }
0xb9: {  	s3 =	sand.u32 $0x4000, s31;
	s1 =	sadd.s32 s1, s30  }
0xba: {  	s0 =	sor.u32 s3, s0;
	s1 =	sshll.u32 s1, $0x11  }
0xbb: {  	s0 =	sor.u32 s1, s0  }
0xbc: {  	s0 =	sadd.s32 $0x8F2B, s0  }
0xbd: {  	[sflag:s0] =	ssyncadd.remote.s32 $0x1  }
0xbe: {  	_ =	sfence.sel $0xFFFF  }
0xbf: {  	[dreg:$0x0] =	wrdreg $0xFFFFFFFF;
	(pc) =	sbr.abs _section_cstart, $3  }
0xc0: {  	[dreg:$0x1] =	wrdreg $0xFFFFFFFF  }
0xc1: {  	_ =	task.clear_ibuf [dreg:s6], $0x2FFFF;
	_ =	strace $0x9FFFFFFF  }
0xc2: {  	(tm) =	ssettm $0x7FFFFFFF  }
0xc3: {  	_ =	shalt  }
tec
execute0_lowered:
.L_overlay_start_1:
0x0: {  	(tag) =	ssettag $0x1  }
0x1: {  	s1 =	srdreg.scid;
	s5 =	rddreg [dreg:$0x0]  }
0x2: {  	s0 =	stileid.u32;
	s2 =	rddreg [dreg:$0x1];
	s3 =	simm.s32 $0x0  }
0x3: {  	s13 =	simm.s32 $0x80;
	s14 =	simm.s32 $0x0;
	s4 =	sand.u32 $0x1, s1  }
0x4: {  	s29 =	sshll.u32 s0, $0x1;
	s7 =	smul.u32 $0x14000, s0;
	s1 =	rddreg [dreg:$0x2]  }
0x5: {  	[smem:$0x7FF] =	sst s3;
	s10 =	smul.u32 $0x50000, s0;
	s31 =	sshll.u32 s0, $0x6  }
0x6: {  	s6 =	sor.u32 s4, s29;
	s9 =	smul.u32 $0x140000, s4;
	_ =	strace $0x80000047  }
0x7: {  	s30 =	ssub.s32 $0x2, s4;
	s4 =	sadd.s32 $0x34A00, s5;
	s6 =	smul.u32 $0x500, s6  }
0x8: {  	s8 =	sshrl.u32 s7, $0x3;
	s11 =	sshrl.u32 s30, $0x1;
	s10 =	sshrl.u32 s10, $0x2  }
0x9: {  	s8 =	sadd.s32 s8, s5;
	s7 =	sadd.s32 s7, s9;
	s9 =	ssub.s32 s30, s11  }
0xa: {  	s12 =	sadd.s32 s10, s2;
	s10 =	simm.s32 $0x2800;
	s11 =	sor.u32 $0x1C01, s31  }
0xb: {  	s6 =	sadd.s32 s6, s5;
	s7 =	sshrl.u32 s7, $0x3;
	s12 =	sshrl.u32 s12, $0x3  }
0xc: {  	s7 =	sadd.s32 s7, s5;
	s5 =	sadd.s32 $0x2A00, s6;
	s6 =	sadd.s32 $0xCA00, s8  }
0xd: {  	s8 =	smax.u32 s9, $0x1;
	s9 =	simm.s32 $0x1;
	s7 =	sadd.s32 $0x35200, s7  }
.LBB2_1:
0xe: {  	[tilespmem:s3], [sflag:$0x1] =	stream.linear.gather [hbm4b:s5+s3], $0x2800, $0x38;
	[tilespmem:$0x1A800] =	vst v63  }
0xf: {  	_ =	swait.ge [sflag:s9], $0x2800  }
0x10: {  	[sflag:s9] =	ssyncset.done $0x0  }
0x11: {  	[sflag:s9] =	ssyncadd.s32 $0xFFFFD800  }
0x12: {  	[tilespmem:s10], [sflag:$0x1] =	stream.linear.gather [hbm4b:s4+s3], $0x4000, $0x38;
	[tilespmem:$0x1A800] =	vst v63  }
0x13: {  	_ =	swait.ge [sflag:s9], $0x4000  }
0x14: {  	[sflag:s9] =	ssyncset.done $0x0  }
0x15: {  	[sflag:s9] =	ssyncadd.s32 $0xFFFFC000  }
0x16: {  	[spmem:s12], [sflag:s11] =	dma.local [hbm:s6], $0x2800  }
0x17: {  	_ =	swait.ge [sflag:s9], $0x2800  }
0x18: {  	[sflag:s9] =	ssyncset.done $0x0  }
0x19: {  	[sflag:s9] =	ssyncadd.s32 $0xFFFFD800  }
0x1a: {  	s15 =	simm.s32 $0x0;
	[bflag:$0x0] =	sbarrier.arrive $0xFFFF  }
0x1b: {  	[spmem:s2] =	stream.indirect.scatter.add.f32 [tilespmem:s10], [sflag:$0x1], $0x80, s15, s13, $0xb8;
	[tilespmem:$0x1A800] =	vst v63  }
0x1c: {  	_ =	swait.ge [sflag:s9], $0x4000  }
0x1d: {  	s15 =	simm.s32 $0x200;
	[sflag:s9] =	ssyncset.done $0x0  }
.LBB2_2:
0x1e: {  	s16 =	sshra.s32 s15, $0x2;
	[sflag:s9] =	ssyncadd.s32 $0xFFFFC000;
	p0 =	sne.s32 s15, $0x9E00  }
0x1f: {  	[spmem:s2] =	stream.indirect.scatter.add.f32 [tilespmem:s10], [sflag:$0x1], $0x80, s16, s13, $0xb8;
	[tilespmem:$0x1A800] =	vst v63  }
.Ltmp0:
0x20: {  	_ = 	snop;
	(pc) =	sbr.rel @p0 .LBB2_2-.Ltmp0, $4  }
0x21: {  	_ = 	snop  }
0x22: {  	s15 =	sadd.s32 $0x200, s15  }
0x23: {  	_ =	swait.ge [sflag:s9], $0x4000  }
0x24: {  	[sflag:s9] =	ssyncset.done $0x0  }
0x25: {  	s14 =	sadd.s32 $0x1, s14  }
0x26: {  	[sflag:s9] =	ssyncadd.s32 $0xFFFFC000;
	p0 =	sne.s32 s14, s8  }
.Ltmp1:
0x27: {  	[bflag:$0x0] =	sbarrier.arrive $0xFFFF;
	(pc) =	sbr.rel @p0 .LBB2_1-.Ltmp1, $4  }
0x28: {  	[hbm:s7], [sflag:s11] =	dma.local [spmem:s12], $0x2800  }
0x29: {  	_ =	swait.ge [sflag:s9], $0x2800  }
0x2a: {  	[sflag:s9] =	ssyncset.done $0x0  }
0x2b: {  	[sflag:s9] =	ssyncadd.s32 $0xFFFFD800  }
0x2c: {  	_ =	sfence.sel $0x180000  }
0x2d: {  	[bflag:$0x0] =	sbarrier.arrive $0xFFFF  }
0x2e: {  	p0 =	sne.s32 s0, $0x0;
	_ =	strace $0x90000047  }
0x2f: {  	s0 =	sadd.s32 @!p0 $0x100000, s1;
	[bflag:$0x2] =	sbarrier.arrive $0xFFFF  }
0x30: {  	[sflag:s0] =	ssyncadd.tile.s32 @!p0 $0x1;
	_ =	shalt  }
.Lfunc_end2:
_tile_overlayer_lowered:
.L_overlay_start_2:
0x31: {  	(tag) =	ssettag $0x2  }
0x32: {  	s0 =	rddreg [dreg:$0x0];
	s2 =	stileid.u32  }
0x33: {  	s1 =	rddreg [dreg:$0x1];
	p0 =	sne.s32 s2, $0x0  }
0x34: {  	s3 =	rddreg [dreg:$0x2];
	[bflag:$0x3] =	sbarrier.arrive $0xFFFF;
	s2 =	simm.s32 @!p0 $0x1C01  }
0x35: {  	[timem:s3], [sflag:s2] =	dma.local @!p0 [hbm:s0], s1  }
0x36: {  	s0 =	simm.s32 @!p0 $0x1  }
0x37: {  	_ =	swait.ge @!p0 [sflag:s0], s1  }
0x38: {  	s1 =	ssub.s32 @!p0 $0x0, s1;
	[sflag:s0] =	ssyncset.done @!p0 $0x0  }
0x39: {  	[sflag:s0] =	ssyncadd.s32 @!p0 s1  }
0x3a: {  	[bflag:$0x3] =	sbarrier.arrive $0xFFFF  }
0x3b: {  	_ =	shalt  }

</sc_bundles>
